<compile_context>
chip_gen: v7x
topology: tpu7x:2x2x1
jax: 0.10.2.dev20260603
libtpu: 0.0.44.dev20260713+nightly
codegen_flags: <defaults>
</compile_context>

<pallas_src>
import functools

import jax
import jax.numpy as jnp
from jax import lax
from jax.experimental import pallas as pl
from jax.experimental.pallas import tpu as pltpu
from jax.experimental.pallas import tpu_sc as plsc

_N = 8192
_K = 8
_R = 256
_C = 64
_CW = _N // _C
_NSUB = 32
_RPS = _N // _NSUB
_B = 16
_NB = _RPS // _B
_CAND = 1088


def _tc_tile(xq_ref, xt_ref, out_d_ref, c8_ref, tau_ref):
    t = pl.program_id(0)
    xq = xq_ref[...]
    xt = xt_ref[...]

    g = jax.lax.dot_general(
        xq, xt, (((1,), (0,)), ((), ())),
        preferred_element_type=jnp.float32)
    sq_q = xq[:, 0:1] * xq[:, 0:1] + xq[:, 1:2] * xq[:, 1:2]
    sq_a = xt[0:1, :] * xt[0:1, :] + xt[1:2, :] * xt[1:2, :]
    d = (sq_q + sq_a) - 2.0 * g
    d = jnp.maximum(d, 0.0)

    rows = t * _R + jax.lax.broadcasted_iota(jnp.int32, (_R, 1), 0)
    cols = jax.lax.broadcasted_iota(jnp.int32, (_R, _N), 1)
    d = jnp.where(cols == rows, jnp.inf, d)
    out_d_ref[...] = d

    mins = [
        jnp.min(d[:, c * _CW:(c + 1) * _CW], axis=1, keepdims=True)
        for c in range(_C)
    ]
    m = jnp.concatenate(mins, axis=1)

    ciota = jax.lax.broadcasted_iota(jnp.int32, (_R, _C), 1)
    picked = jnp.zeros((_R, _C), jnp.bool_)
    tau = jnp.zeros((_R, 1), jnp.float32)
    for _ in range(_K):
        mv = jnp.min(m, axis=1, keepdims=True)
        cm = jnp.min(jnp.where(m == mv, ciota, _C), axis=1, keepdims=True)
        hit = ciota == cm
        picked = picked | hit
        m = jnp.where(hit, jnp.inf, m)
        tau = mv
    ids = []
    pick = picked
    for _ in range(_K):
        cq = jnp.min(jnp.where(pick, ciota, _C), axis=1, keepdims=True)
        pick = pick & (ciota != cq)
        ids.append(cq)
    c8_ref[...] = jnp.concatenate(ids, axis=1)
    tau_ref[...] = tau


def _tc_phase(x):
    n = x.shape[0]
    xt = x.T
    return pl.pallas_call(
        _tc_tile,
        grid=(n // _R,),
        in_specs=[
            pl.BlockSpec((_R, 2), lambda i: (i, 0)),
            pl.BlockSpec((2, n), lambda i: (0, 0)),
        ],
        out_specs=[
            pl.BlockSpec((_R, n), lambda i: (i, 0)),
            pl.BlockSpec((_R, _K), lambda i: (i, 0)),
            pl.BlockSpec((_R, 1), lambda i: (i, 0)),
        ],
        out_shape=[
            jax.ShapeDtypeStruct((n, n), jnp.float32),
            jax.ShapeDtypeStruct((n, _K), jnp.int32),
            jax.ShapeDtypeStruct((n, 1), jnp.float32),
        ],
    )(x, xt)


def _sc_body(d_hbm, c8_hbm, tau_hbm, y_hbm, out_hbm,
             y_v, c8_v, tau_v, idx_v, jb_v, dst_v, cd_v, cj_v, out_v, sem):
    wid = lax.axis_index("s") * 2 + lax.axis_index("c")
    row0 = wid * _RPS

    pltpu.sync_copy(y_hbm, y_v)
    pltpu.sync_copy(c8_hbm.at[pl.ds(row0 * _K, _RPS * _K)],
                    c8_v.at[pl.ds(0, _RPS * _K)])
    pltpu.sync_copy(tau_hbm.at[pl.ds(row0, _RPS)], tau_v.at[pl.ds(0, _RPS)])

    iota = lax.iota(jnp.int32, 16)
    pat2 = iota // 8
    inf16 = jnp.full((16,), jnp.inf, jnp.float32)
    bigj16 = jnp.full((16,), _N, jnp.int32)

    def batch_body(b, _):
        def mk_idx(sub, _2):
            c8s = c8_v[pl.ds(b * (_B * _K) + sub * 16, 16)]
            rowv = row0 + b * _B + sub * 2 + pat2
            idx_v[pl.ds(sub * 16, 16)] = rowv * _C + c8s
            jb_v[pl.ds(sub * 16, 16)] = c8s * _CW
            return 0
        lax.fori_loop(0, 8, mk_idx, 0)
        pltpu.async_copy(d_hbm.at[idx_v], dst_v, sem).wait()

        def row_body(i, outacc):
            tau_s = tau_v[pl.ds(b * _B + i, 16)][0]

            n = jnp.int32(0)
            for t in range(_C):
                v = dst_v[i * _K + t // 8, pl.ds((t % 8) * 16, 16)]
                mask = v <= tau_s
                plsc.store_compressed(cd_v.at[pl.ds(n, 16)], v, mask=mask)
                plsc.store_compressed(cj_v.at[pl.ds(n, 16)], iota + (t * 16),
                                      mask=mask)
                n = n + plsc.all_reduce_population_count(mask)[0]
            cd_v[pl.ds(n, 16)] = inf16
            cj_v[pl.ds(n, 16)] = bigj16

            bd = cd_v[pl.ds(0, 16)]
            bj = cj_v[pl.ds(0, 16)]
            bd, bj = plsc.sort_key_val(bd, bj)

            def merge(gi, carry):
                bd, bj = carry
                gd = cd_v[pl.ds(gi * 16, 16)]
                gj = cj_v[pl.ds(gi * 16, 16)]
                gd, gj = plsc.sort_key_val(gd, gj)
                gdr = lax.rev(gd, (0,))
                gjr = lax.rev(gj, (0,))
                take = (bd < gdr) | ((bd == gdr) & (bj < gjr))
                md = jnp.where(take, bd, gdr)
                mj = jnp.where(take, bj, gjr)
                mjs, mds = plsc.sort_key_val(mj, md)
                bd2, bj2 = plsc.sort_key_val(mds, mjs)
                return (bd2, bj2)

            nblk = (n + 15) // 16
            bd, bj = lax.fori_loop(1, nblk, merge, (bd, bj))

            rank = jnp.minimum(bj >> 7, _K - 1)
            jbase = plsc.load_gather(jb_v, [i * _K + rank])
            jcol = jbase + (bj & (_CW - 1))
            lab = plsc.load_gather(y_v, [jnp.minimum(jcol, _N - 1)])
            valid = (iota < _K) & (bd < 999.0)
            s = jnp.sum(jnp.where(valid, lab, 0.0))
            res = jnp.where(s > (_K / 2.0), 1.0, 0.0)
            return jnp.where(iota == i, res, outacc)

        acc = lax.fori_loop(0, _B, row_body, jnp.zeros((16,), jnp.float32))
        out_v[pl.ds(b * _B, 16)] = acc
        return 0

    lax.fori_loop(0, _NB, batch_body, 0)
    pltpu.sync_copy(out_v.at[pl.ds(0, _RPS)], out_hbm.at[pl.ds(row0, _RPS)])


@functools.partial(
    pl.kernel,
    out_type=jax.ShapeDtypeStruct((_N,), jnp.float32),
    mesh=plsc.VectorSubcoreMesh(core_axis_name="c", subcore_axis_name="s"),
    compiler_params=pltpu.CompilerParams(needs_layout_passes=False),
    scratch_types=[
        pltpu.VMEM((_N,), jnp.float32),
        pltpu.VMEM((_RPS * _K + 16,), jnp.int32),
        pltpu.VMEM((_RPS + 16,), jnp.float32),
        pltpu.VMEM((_B * _K,), jnp.int32),
        pltpu.VMEM((_B * _K + 16,), jnp.int32),
        pltpu.VMEM((_B * _K, _CW), jnp.float32),
        pltpu.VMEM((_CAND,), jnp.float32),
        pltpu.VMEM((_CAND,), jnp.int32),
        pltpu.VMEM((_RPS,), jnp.float32),
        pltpu.SemaphoreType.DMA,
    ],
)
def _sc_phase(d_hbm, c8_hbm, tau_hbm, y_hbm, out_hbm,
              y_v, c8_v, tau_v, idx_v, jb_v, dst_v, cd_v, cj_v, out_v, sem):
    _sc_body(d_hbm, c8_hbm, tau_hbm, y_hbm, out_hbm,
             y_v, c8_v, tau_v, idx_v, jb_v, dst_v, cd_v, cj_v, out_v, sem)


def kernel(x, y):
    n = x.shape[0]
    yf = y.astype(jnp.float32)
    d, c8, tau = _tc_phase(x)
    out = _sc_phase(
        d.reshape(n * _C, _CW),
        c8.reshape(n * _K),
        tau.reshape(n),
        yf,
    )
    return out

# --- scband reference (transcript-rebuilt; emitter-appended) ---
"""Pipeline reference for scband-knn-32985348833368 (READ-ONLY COPY).

The authoritative reference and input builder live on the scoring server;
editing this copy changes nothing except your own understanding.
"""

import jax, jax.numpy as jnp
import numpy as np

K = 8

def setup_inputs(seed: int = 0) -> dict:
    key = jax.random.key(seed)
    k1, k2 = jax.random.split(key)
    x = jax.random.normal(k1, (8192, 2), dtype=jnp.float32)
    y = jax.random.randint(k2, (8192,), 0, 2, dtype=jnp.int32)
    return {"x": x, "y": y}

def reference(x, y):
    n = x.shape[0]
    yf = y.astype(jnp.float32)
    # pairwise squared euclidean distances: ||xi||^2 + ||xj||^2 - 2 xi.xj
    sq = jnp.sum(x * x, axis=1)
    d = sq[:, None] + sq[None, :] - 2.0 * (x @ x.T)
    d = jnp.maximum(d, 0.0)
    # exclude self (i == j skipped in the original loop)
    d = d + jnp.where(jnp.eye(n, dtype=bool), jnp.inf, 0.0)
    # K smallest distances per row (original maintains a sorted K-buffer initialized to 999)
    neg_vals, idx = jax.lax.top_k(-d, K)
    k_dist = -neg_vals
    # a slot is only filled if distance < 999 (initial sentinel); otherwise label stays 0
    k_labels = jnp.where(k_dist < 999.0, yf[idx], 0.0)
    # majority vote: output[i] = 1 if sum of neighbor labels > K/2
    output = (jnp.sum(k_labels, axis=1) > (K / 2.0)).astype(jnp.float32)
    return output

if __name__ == "__main__":
    import jax
    _d = setup_inputs()
    print(jax.jit(kernel)(*tuple(_d.values())))

</pallas_src>

<mosaic_0001>
#map = affine_map<(d0, d1) -> (0, 0)>
#map1 = affine_map<(d0, d1) -> (0)>
module attributes {stable_mosaic.version = 14 : i64} {
  func.func @_sc_phase(%arg0: i32, %arg1: i32, %arg2: memref<524288x128xf32, #tpu.memory_space<hbm>>, %arg3: memref<65536xi32, #tpu.memory_space<hbm>>, %arg4: memref<8192xf32, #tpu.memory_space<hbm>>, %arg5: memref<8192xf32, #tpu.memory_space<hbm>>, %arg6: memref<8192xf32, #tpu.memory_space<hbm>>, %arg7: memref<8192xf32, #tpu.memory_space<vmem>>, %arg8: memref<2064xi32, #tpu.memory_space<vmem>>, %arg9: memref<272xf32, #tpu.memory_space<vmem>>, %arg10: memref<128xi32, #tpu.memory_space<vmem>>, %arg11: memref<144xi32, #tpu.memory_space<vmem>>, %arg12: memref<128x128xf32, #tpu.memory_space<vmem>>, %arg13: memref<1088xf32, #tpu.memory_space<vmem>>, %arg14: memref<1088xi32, #tpu.memory_space<vmem>>, %arg15: memref<256xf32, #tpu.memory_space<vmem>>, %arg16: memref<!tpu.dma_semaphore, #tpu.memory_space<semaphore_mem>>) attributes {dimension_semantics = [#tpu.dimension_semantics<core_parallel>, #tpu.dimension_semantics<subcore_parallel>], iteration_bounds = array<i64: 2, 16>, scalar_prefetch = 0 : i64, scratch_operands = 10 : i64, tpu.core_type = #tpu.core_type<sc_vector_subcore>, window_params = [{transform_indices = #map}, {transform_indices = #map1}, {transform_indices = #map1}, {transform_indices = #map1}, {transform_indices = #map1}]} {
    %mul3A = arith.constant 2 : i32
    %mul3A_0 = arith.muli %arg1, %mul3A : i32
    %add3A = arith.addi %mul3A_0, %arg0 : i32
    %mul3A_1 = arith.constant 256 : i32
    %mul3A_2 = arith.muli %add3A, %mul3A_1 : i32
    "tpu.region"() ({
      %run_scoped3A = tpu.sem_alloc : memref<!tpu.dma_semaphore, #tpu.memory_space<semaphore_mem>>
      tpu.enqueue_dma source(%arg5 : memref<8192xf32, #tpu.memory_space<hbm>>) target(%arg7 : memref<8192xf32, #tpu.memory_space<vmem>>) target_semaphore(%run_scoped3A : memref<!tpu.dma_semaphore, #tpu.memory_space<semaphore_mem>>)
      tpu.wait_dma2 semaphore(%run_scoped3A : memref<!tpu.dma_semaphore, #tpu.memory_space<semaphore_mem>>) src(%arg5 : memref<8192xf32, #tpu.memory_space<hbm>>) dst(%arg7 : memref<8192xf32, #tpu.memory_space<vmem>>)
      tpu.yield
    }) : () -> ()
    %mul3A_3 = arith.constant 8 : i32
    %mul3A_4 = arith.muli %mul3A_2, %mul3A_3 : i32
    "tpu.region"() ({
      %run_scoped3A = tpu.sem_alloc : memref<!tpu.dma_semaphore, #tpu.memory_space<semaphore_mem>>
      %dma_start3A = arith.constant 0 : i32
      %dma_start3A_37 = tpu.memref_slice %arg8[%dma_start3A] : memref<2064xi32, #tpu.memory_space<vmem>> -> memref<2048xi32, #tpu.memory_space<vmem>>
      %dma_start3A_38 = tpu.memref_slice %arg3[%mul3A_4] : memref<65536xi32, #tpu.memory_space<hbm>> -> memref<2048xi32, #tpu.memory_space<hbm>>
      %dma_start3A_39 = arith.constant 0 : i32
      %dma_start3A_40 = tpu.memref_slice %arg8[%dma_start3A_39] : memref<2064xi32, #tpu.memory_space<vmem>> -> memref<2048xi32, #tpu.memory_space<vmem>>
      %dma_start3A_41 = tpu.memref_slice %arg3[%mul3A_4] : memref<65536xi32, #tpu.memory_space<hbm>> -> memref<2048xi32, #tpu.memory_space<hbm>>
      tpu.enqueue_dma source(%dma_start3A_41 : memref<2048xi32, #tpu.memory_space<hbm>>) target(%dma_start3A_40 : memref<2048xi32, #tpu.memory_space<vmem>>) target_semaphore(%run_scoped3A : memref<!tpu.dma_semaphore, #tpu.memory_space<semaphore_mem>>)
      %dma_wait3A = arith.constant 0 : i32
      %dma_wait3A_42 = tpu.memref_slice %arg8[%dma_wait3A] : memref<2064xi32, #tpu.memory_space<vmem>> -> memref<2048xi32, #tpu.memory_space<vmem>>
      %dma_wait3A_43 = tpu.memref_slice %arg3[%mul3A_4] : memref<65536xi32, #tpu.memory_space<hbm>> -> memref<2048xi32, #tpu.memory_space<hbm>>
      %dma_wait3A_44 = arith.constant 0 : i32
      %dma_wait3A_45 = tpu.memref_slice %arg8[%dma_wait3A_44] : memref<2064xi32, #tpu.memory_space<vmem>> -> memref<2048xi32, #tpu.memory_space<vmem>>
      %dma_wait3A_46 = tpu.memref_slice %arg3[%mul3A_4] : memref<65536xi32, #tpu.memory_space<hbm>> -> memref<2048xi32, #tpu.memory_space<hbm>>
      tpu.wait_dma2 semaphore(%run_scoped3A : memref<!tpu.dma_semaphore, #tpu.memory_space<semaphore_mem>>) src(%dma_wait3A_46 : memref<2048xi32, #tpu.memory_space<hbm>>) dst(%dma_wait3A_45 : memref<2048xi32, #tpu.memory_space<vmem>>)
      tpu.yield
    }) : () -> ()
    "tpu.region"() ({
      %run_scoped3A = tpu.sem_alloc : memref<!tpu.dma_semaphore, #tpu.memory_space<semaphore_mem>>
      %dma_start3A = arith.constant 0 : i32
      %dma_start3A_37 = tpu.memref_slice %arg9[%dma_start3A] : memref<272xf32, #tpu.memory_space<vmem>> -> memref<256xf32, #tpu.memory_space<vmem>>
      %dma_start3A_38 = tpu.memref_slice %arg4[%mul3A_2] : memref<8192xf32, #tpu.memory_space<hbm>> -> memref<256xf32, #tpu.memory_space<hbm>>
      %dma_start3A_39 = arith.constant 0 : i32
      %dma_start3A_40 = tpu.memref_slice %arg9[%dma_start3A_39] : memref<272xf32, #tpu.memory_space<vmem>> -> memref<256xf32, #tpu.memory_space<vmem>>
      %dma_start3A_41 = tpu.memref_slice %arg4[%mul3A_2] : memref<8192xf32, #tpu.memory_space<hbm>> -> memref<256xf32, #tpu.memory_space<hbm>>
      tpu.enqueue_dma source(%dma_start3A_41 : memref<256xf32, #tpu.memory_space<hbm>>) target(%dma_start3A_40 : memref<256xf32, #tpu.memory_space<vmem>>) target_semaphore(%run_scoped3A : memref<!tpu.dma_semaphore, #tpu.memory_space<semaphore_mem>>)
      %dma_wait3A = arith.constant 0 : i32
      %dma_wait3A_42 = tpu.memref_slice %arg9[%dma_wait3A] : memref<272xf32, #tpu.memory_space<vmem>> -> memref<256xf32, #tpu.memory_space<vmem>>
      %dma_wait3A_43 = tpu.memref_slice %arg4[%mul3A_2] : memref<8192xf32, #tpu.memory_space<hbm>> -> memref<256xf32, #tpu.memory_space<hbm>>
      %dma_wait3A_44 = arith.constant 0 : i32
      %dma_wait3A_45 = tpu.memref_slice %arg9[%dma_wait3A_44] : memref<272xf32, #tpu.memory_space<vmem>> -> memref<256xf32, #tpu.memory_space<vmem>>
      %dma_wait3A_46 = tpu.memref_slice %arg4[%mul3A_2] : memref<8192xf32, #tpu.memory_space<hbm>> -> memref<256xf32, #tpu.memory_space<hbm>>
      tpu.wait_dma2 semaphore(%run_scoped3A : memref<!tpu.dma_semaphore, #tpu.memory_space<semaphore_mem>>) src(%dma_wait3A_46 : memref<256xf32, #tpu.memory_space<hbm>>) dst(%dma_wait3A_45 : memref<256xf32, #tpu.memory_space<vmem>>)
      tpu.yield
    }) : () -> ()
    %iota3A = tpu.iota {dimensions = array<i32: 0>} : vector<16xi32>
    %jit3A = arith.constant 8 : i32
    %div3A = vector.broadcast %jit3A : i32 to vector<16xi32>
    %div3A_5 = arith.divsi %iota3A, %div3A : vector<16xi32>
    %sign3A = arith.constant 0 : i32
    %sign3A_6 = vector.broadcast %sign3A : i32 to vector<16xi32>
    %sign3A_7 = arith.cmpi sgt, %iota3A, %sign3A_6 : vector<16xi32>
    %sign3A_8 = arith.extui %sign3A_7 : vector<16xi1> to vector<16xi32>
    %sign3A_9 = arith.constant 0 : i32
    %sign3A_10 = vector.broadcast %sign3A_9 : i32 to vector<16xi32>
    %sign3A_11 = arith.cmpi slt, %iota3A, %sign3A_10 : vector<16xi32>
    %sign3A_12 = arith.extui %sign3A_11 : vector<16xi1> to vector<16xi32>
    %sign3A_13 = arith.subi %sign3A_8, %sign3A_12 : vector<16xi32>
    %sign3A_14 = arith.constant 0 : i32
    %sign3A_15 = arith.cmpi sgt, %jit3A, %sign3A_14 : i32
    %sign3A_16 = arith.extui %sign3A_15 : i1 to i32
    %sign3A_17 = arith.constant 0 : i32
    %sign3A_18 = arith.cmpi slt, %jit3A, %sign3A_17 : i32
    %sign3A_19 = arith.extui %sign3A_18 : i1 to i32
    %sign3A_20 = arith.subi %sign3A_16, %sign3A_19 : i32
    %ne3A = vector.broadcast %sign3A_20 : i32 to vector<16xi32>
    %ne3A_21 = arith.cmpi ne, %sign3A_13, %ne3A : vector<16xi32>
    %rem3A = vector.broadcast %jit3A : i32 to vector<16xi32>
    %rem3A_22 = arith.remsi %iota3A, %rem3A : vector<16xi32>
    %ne3A_23 = arith.constant 0 : i32
    %ne3A_24 = vector.broadcast %ne3A_23 : i32 to vector<16xi32>
    %ne3A_25 = arith.cmpi ne, %rem3A_22, %ne3A_24 : vector<16xi32>
    %and3A = arith.andi %ne3A_21, %ne3A_25 : vector<16xi1>
    %sub3A = arith.constant 1 : i32
    %sub3A_26 = vector.broadcast %sub3A : i32 to vector<16xi32>
    %sub3A_27 = arith.subi %div3A_5, %sub3A_26 : vector<16xi32>
    %select_n3A = arith.select %and3A, %sub3A_27, %div3A_5 : vector<16xi1>, vector<16xi32>
    %broadcast_in_dim3A = arith.constant 0x7F800000 : f32
    %broadcast_in_dim3A_28 = vector.broadcast %broadcast_in_dim3A : f32 to vector<16xf32>
    %broadcast_in_dim3A_29 = arith.constant 8192 : i32
    %broadcast_in_dim3A_30 = vector.broadcast %broadcast_in_dim3A_29 : i32 to vector<16xi32>
    %scan3A = arith.constant 0 : i32
    %scan3A_31 = arith.constant 0 : i32
    %scan3A_32 = arith.constant 16 : i32
    %scan3A_33 = arith.addi %scan3A_31, %scan3A_32 : i32
    %scan3A_34 = arith.constant 1 : i32
    %scan3A_35 = scf.for %scan3A_37 = %scan3A_31 to %scan3A_33 step %scan3A_34 iter_args(%scan3A_38 = %scan3A) -> (i32)  : i32 {
      %scan3A_39 = arith.constant 0 : i32
      %scan3A_40 = arith.constant 0 : i32
      %scan3A_41 = arith.constant 8 : i32
      %scan3A_42 = arith.addi %scan3A_40, %scan3A_41 : i32
      %scan3A_43 = arith.constant 1 : i32
      %scan3A_44 = scf.for %scan3A_62 = %scan3A_40 to %scan3A_42 step %scan3A_43 iter_args(%scan3A_63 = %scan3A_39) -> (i32)  : i32 {
        %mul3A_64 = arith.constant 128 : i32
        %mul3A_65 = arith.muli %scan3A_37, %mul3A_64 : i32
        %mul3A_66 = arith.constant 16 : i32
        %mul3A_67 = arith.muli %scan3A_62, %mul3A_66 : i32
        %add3A_68 = arith.addi %mul3A_65, %mul3A_67 : i32
        %get3A = arith.index_cast %add3A_68 : i32 to index
        %get3A_69 = tpu.vector_load %arg8[%get3A] {strides = array<i32>} : memref<2064xi32, #tpu.memory_space<vmem>>, vector<16xi32>,
        %mul3A_70 = arith.constant 16 : i32
        %mul3A_71 = arith.muli %scan3A_37, %mul3A_70 : i32
        %add3A_72 = arith.addi %mul3A_2, %mul3A_71 : i32
        %mul3A_73 = arith.constant 2 : i32
        %mul3A_74 = arith.muli %scan3A_62, %mul3A_73 : i32
        %add3A_75 = arith.addi %add3A_72, %mul3A_74 : i32
        %add3A_76 = vector.broadcast %add3A_75 : i32 to vector<16xi32>
        %add3A_77 = arith.addi %add3A_76, %select_n3A : vector<16xi32>
        %mul3A_78 = arith.constant 64 : i32
        %mul3A_79 = vector.broadcast %mul3A_78 : i32 to vector<16xi32>
        %mul3A_80 = arith.muli %add3A_77, %mul3A_79 : vector<16xi32>
        %add3A_81 = arith.addi %mul3A_80, %get3A_69 : vector<16xi32>
        %mul3A_82 = arith.constant 16 : i32
        %mul3A_83 = arith.muli %scan3A_62, %mul3A_82 : i32
        %swap3A_84 = arith.index_cast %mul3A_83 : i32 to index
        %swap3A_85 = tpu.vector_load %arg10[%swap3A_84] {strides = array<i32>} : memref<128xi32, #tpu.memory_space<vmem>>, vector<16xi32>,
        tpu.vector_store %arg10[%swap3A_84], %add3A_81 {strides = array<i32>} : memref<128xi32, #tpu.memory_space<vmem>>, vector<16xi32>,
        %mul3A_86 = arith.constant 128 : i32
        %mul3A_87 = vector.broadcast %mul3A_86 : i32 to vector<16xi32>
        %mul3A_88 = arith.muli %get3A_69, %mul3A_87 : vector<16xi32>
        %mul3A_89 = arith.constant 16 : i32
        %mul3A_90 = arith.muli %scan3A_62, %mul3A_89 : i32
        %swap3A_91 = arith.index_cast %mul3A_90 : i32 to index
        %swap3A_92 = tpu.vector_load %arg11[%swap3A_91] {strides = array<i32>} : memref<144xi32, #tpu.memory_space<vmem>>, vector<16xi32>,
        tpu.vector_store %arg11[%swap3A_91], %mul3A_88 {strides = array<i32>} : memref<144xi32, #tpu.memory_space<vmem>>, vector<16xi32>,
        %scan3A_93 = arith.constant 0 : i32
        scf.yield %scan3A_93 : i32
      }
      %scan3A_45 = arith.constant 8 : i32
      %dma_start3A = arith.constant 0 : i32
      %dma_start3A_46 = arith.constant 0 : i32
      %dma_start3A_47 = tpu.memref_slice %arg2[%dma_start3A, %dma_start3A_46] : memref<524288x128xf32, #tpu.memory_space<hbm>> -> memref<524288x128xf32, #tpu.memory_space<hbm>>
      tpu.enqueue_indirect_dma source(%dma_start3A_47 : memref<524288x128xf32, #tpu.memory_space<hbm>>) target(%arg12 : memref<128x128xf32, #tpu.memory_space<vmem>>) offsets(%arg10 : memref<128xi32, #tpu.memory_space<vmem>>) semaphore(%arg16 : memref<!tpu.dma_semaphore, #tpu.memory_space<semaphore_mem>>)
      %dma_wait3A = arith.constant 0 : i32
      %dma_wait3A_48 = arith.constant 0 : i32
      %dma_wait3A_49 = tpu.memref_slice %arg2[%dma_wait3A, %dma_wait3A_48] : memref<524288x128xf32, #tpu.memory_space<hbm>> -> memref<524288x128xf32, #tpu.memory_space<hbm>>
      tpu.wait_indirect_dma semaphore(%arg16 : memref<!tpu.dma_semaphore, #tpu.memory_space<semaphore_mem>>) src(%dma_wait3A_49 : memref<524288x128xf32, #tpu.memory_space<hbm>>) dst(%arg12 : memref<128x128xf32, #tpu.memory_space<vmem>>)
      %broadcast_in_dim3A_50 = arith.constant 0.000000e+00 : f32
      %broadcast_in_dim3A_51 = vector.broadcast %broadcast_in_dim3A_50 : f32 to vector<16xf32>
      %scan3A_52 = arith.constant 0 : i32
      %scan3A_53 = arith.constant 16 : i32
      %scan3A_54 = arith.addi %scan3A_52, %scan3A_53 : i32
      %scan3A_55 = arith.constant 1 : i32
      %scan3A_56 = scf.for %scan3A_62 = %scan3A_52 to %scan3A_54 step %scan3A_55 iter_args(%scan3A_63 = %broadcast_in_dim3A_51) -> (vector<16xf32>)  : i32 {
        %mul3A_64 = arith.constant 16 : i32
        %mul3A_65 = arith.muli %scan3A_37, %mul3A_64 : i32
        %add3A_66 = arith.addi %mul3A_65, %scan3A_62 : i32
        %get3A = arith.index_cast %add3A_66 : i32 to index
        %get3A_67 = tpu.vector_load %arg9[%get3A] {strides = array<i32>} : memref<272xf32, #tpu.memory_space<vmem>>, vector<16xf32>,
        %slice3A = vector.extract_strided_slice %get3A_67 {offsets = [0], sizes = [1], strides = [1]} : vector<16xf32> to vector<1xf32>
        %squeeze3A = vector.extract %slice3A[0] : f32 from vector<1xf32>
        %mul3A_68 = arith.constant 8 : i32
        %mul3A_69 = arith.muli %scan3A_62, %mul3A_68 : i32
        %add3A_70 = arith.constant 0 : i32
        %add3A_71 = arith.addi %mul3A_69, %add3A_70 : i32
        %get3A_72 = arith.index_cast %add3A_71 : i32 to index
        %get3A_73 = arith.constant 0 : index
        %get3A_74 = tpu.vector_load %arg12[%get3A_72, %get3A_73] {strides = array<i32>} : memref<128x128xf32, #tpu.memory_space<vmem>>, vector<16xf32>,
        %le3A = vector.broadcast %squeeze3A : f32 to vector<16xf32>
        %le3A_75 = arith.cmpf ole, %get3A_74, %le3A : vector<16xf32>
        %swap3A_76 = arith.constant 0 : i32
        %swap3A_77 = arith.index_cast %swap3A_76 : i32 to index
        %swap3A_78 = tpu.vector_load %arg13[%swap3A_77] masked %le3A_75 {strides = array<i32>} : memref<1088xf32, #tpu.memory_space<vmem>>, vector<16xf32>, vector<16xi1>
        tpu.vector_store %arg13[%swap3A_77], %get3A_74 masked %le3A_75 {strides = array<i32>} : memref<1088xf32, #tpu.memory_space<vmem>>, vector<16xf32>, vector<16xi1>
        %add3A_79 = arith.constant 0 : i32
        %add3A_80 = vector.broadcast %add3A_79 : i32 to vector<16xi32>
        %add3A_81 = arith.addi %iota3A, %add3A_80 : vector<16xi32>
        %swap3A_82 = arith.constant 0 : i32
        %swap3A_83 = arith.index_cast %swap3A_82 : i32 to index
        %swap3A_84 = tpu.vector_load %arg14[%swap3A_83] masked %le3A_75 {strides = array<i32>} : memref<1088xi32, #tpu.memory_space<vmem>>, vector<16xi32>, vector<16xi1>
        tpu.vector_store %arg14[%swap3A_83], %add3A_81 masked %le3A_75 {strides = array<i32>} : memref<1088xi32, #tpu.memory_space<vmem>>, vector<16xi32>, vector<16xi1>
        %all_reduce_population_count3A = tpu.all_reduce %le3A_75 {dim = 0 : i64, kind = #tpu.reduction_kind<sum>} : vector<16xi1> -> vector<16xi32>
        %slice3A_85 = vector.extract_strided_slice %all_reduce_population_count3A {offsets = [0], sizes = [1], strides = [1]} : vector<16xi32> to vector<1xi32>
        %squeeze3A_86 = vector.extract %slice3A_85[0] : i32 from vector<1xi32>
        %add3A_87 = arith.constant 0 : i32
        %add3A_88 = arith.addi %add3A_87, %squeeze3A_86 : i32
        %mul3A_89 = arith.constant 8 : i32
        %mul3A_90 = arith.muli %scan3A_62, %mul3A_89 : i32
        %add3A_91 = arith.constant 0 : i32
        %add3A_92 = arith.addi %mul3A_90, %add3A_91 : i32
        %get3A_93 = arith.index_cast %add3A_92 : i32 to index
        %get3A_94 = arith.constant 16 : index
        %get3A_95 = tpu.vector_load %arg12[%get3A_93, %get3A_94] {strides = array<i32>} : memref<128x128xf32, #tpu.memory_space<vmem>>, vector<16xf32>,
        %le3A_96 = vector.broadcast %squeeze3A : f32 to vector<16xf32>
        %le3A_97 = arith.cmpf ole, %get3A_95, %le3A_96 : vector<16xf32>
        %swap3A_98 = arith.index_cast %add3A_88 : i32 to index
        %swap3A_99 = tpu.vector_load %arg13[%swap3A_98] masked %le3A_97 {strides = array<i32>} : memref<1088xf32, #tpu.memory_space<vmem>>, vector<16xf32>, vector<16xi1>
        tpu.vector_store %arg13[%swap3A_98], %get3A_95 masked %le3A_97 {strides = array<i32>} : memref<1088xf32, #tpu.memory_space<vmem>>, vector<16xf32>, vector<16xi1>
        %add3A_100 = arith.constant 16 : i32
        %add3A_101 = vector.broadcast %add3A_100 : i32 to vector<16xi32>
        %add3A_102 = arith.addi %iota3A, %add3A_101 : vector<16xi32>
        %swap3A_103 = arith.index_cast %add3A_88 : i32 to index
        %swap3A_104 = tpu.vector_load %arg14[%swap3A_103] masked %le3A_97 {strides = array<i32>} : memref<1088xi32, #tpu.memory_space<vmem>>, vector<16xi32>, vector<16xi1>
        tpu.vector_store %arg14[%swap3A_103], %add3A_102 masked %le3A_97 {strides = array<i32>} : memref<1088xi32, #tpu.memory_space<vmem>>, vector<16xi32>, vector<16xi1>
        %all_reduce_population_count3A_105 = tpu.all_reduce %le3A_97 {dim = 0 : i64, kind = #tpu.reduction_kind<sum>} : vector<16xi1> -> vector<16xi32>
        %slice3A_106 = vector.extract_strided_slice %all_reduce_population_count3A_105 {offsets = [0], sizes = [1], strides = [1]} : vector<16xi32> to vector<1xi32>
        %squeeze3A_107 = vector.extract %slice3A_106[0] : i32 from vector<1xi32>
        %add3A_108 = arith.addi %add3A_88, %squeeze3A_107 : i32
        %mul3A_109 = arith.constant 8 : i32
        %mul3A_110 = arith.muli %scan3A_62, %mul3A_109 : i32
        %add3A_111 = arith.constant 0 : i32
        %add3A_112 = arith.addi %mul3A_110, %add3A_111 : i32
        %get3A_113 = arith.index_cast %add3A_112 : i32 to index
        %get3A_114 = arith.constant 32 : index
        %get3A_115 = tpu.vector_load %arg12[%get3A_113, %get3A_114] {strides = array<i32>} : memref<128x128xf32, #tpu.memory_space<vmem>>, vector<16xf32>,
        %le3A_116 = vector.broadcast %squeeze3A : f32 to vector<16xf32>
        %le3A_117 = arith.cmpf ole, %get3A_115, %le3A_116 : vector<16xf32>
        %swap3A_118 = arith.index_cast %add3A_108 : i32 to index
        %swap3A_119 = tpu.vector_load %arg13[%swap3A_118] masked %le3A_117 {strides = array<i32>} : memref<1088xf32, #tpu.memory_space<vmem>>, vector<16xf32>, vector<16xi1>
        tpu.vector_store %arg13[%swap3A_118], %get3A_115 masked %le3A_117 {strides = array<i32>} : memref<1088xf32, #tpu.memory_space<vmem>>, vector<16xf32>, vector<16xi1>
        %add3A_120 = arith.constant 32 : i32
        %add3A_121 = vector.broadcast %add3A_120 : i32 to vector<16xi32>
        %add3A_122 = arith.addi %iota3A, %add3A_121 : vector<16xi32>
        %swap3A_123 = arith.index_cast %add3A_108 : i32 to index
        %swap3A_124 = tpu.vector_load %arg14[%swap3A_123] masked %le3A_117 {strides = array<i32>} : memref<1088xi32, #tpu.memory_space<vmem>>, vector<16xi32>, vector<16xi1>
        tpu.vector_store %arg14[%swap3A_123], %add3A_122 masked %le3A_117 {strides = array<i32>} : memref<1088xi32, #tpu.memory_space<vmem>>, vector<16xi32>, vector<16xi1>
        %all_reduce_population_count3A_125 = tpu.all_reduce %le3A_117 {dim = 0 : i64, kind = #tpu.reduction_kind<sum>} : vector<16xi1> -> vector<16xi32>
        %slice3A_126 = vector.extract_strided_slice %all_reduce_population_count3A_125 {offsets = [0], sizes = [1], strides = [1]} : vector<16xi32> to vector<1xi32>
        %squeeze3A_127 = vector.extract %slice3A_126[0] : i32 from vector<1xi32>
        %add3A_128 = arith.addi %add3A_108, %squeeze3A_127 : i32
        %mul3A_129 = arith.constant 8 : i32
        %mul3A_130 = arith.muli %scan3A_62, %mul3A_129 : i32
        %add3A_131 = arith.constant 0 : i32
        %add3A_132 = arith.addi %mul3A_130, %add3A_131 : i32
        %get3A_133 = arith.index_cast %add3A_132 : i32 to index
        %get3A_134 = arith.constant 48 : index
        %get3A_135 = tpu.vector_load %arg12[%get3A_133, %get3A_134] {strides = array<i32>} : memref<128x128xf32, #tpu.memory_space<vmem>>, vector<16xf32>,
        %le3A_136 = vector.broadcast %squeeze3A : f32 to vector<16xf32>
        %le3A_137 = arith.cmpf ole, %get3A_135, %le3A_136 : vector<16xf32>
        %swap3A_138 = arith.index_cast %add3A_128 : i32 to index
        %swap3A_139 = tpu.vector_load %arg13[%swap3A_138] masked %le3A_137 {strides = array<i32>} : memref<1088xf32, #tpu.memory_space<vmem>>, vector<16xf32>, vector<16xi1>
        tpu.vector_store %arg13[%swap3A_138], %get3A_135 masked %le3A_137 {strides = array<i32>} : memref<1088xf32, #tpu.memory_space<vmem>>, vector<16xf32>, vector<16xi1>
        %add3A_140 = arith.constant 48 : i32
        %add3A_141 = vector.broadcast %add3A_140 : i32 to vector<16xi32>
        %add3A_142 = arith.addi %iota3A, %add3A_141 : vector<16xi32>
        %swap3A_143 = arith.index_cast %add3A_128 : i32 to index
        %swap3A_144 = tpu.vector_load %arg14[%swap3A_143] masked %le3A_137 {strides = array<i32>} : memref<1088xi32, #tpu.memory_space<vmem>>, vector<16xi32>, vector<16xi1>
        tpu.vector_store %arg14[%swap3A_143], %add3A_142 masked %le3A_137 {strides = array<i32>} : memref<1088xi32, #tpu.memory_space<vmem>>, vector<16xi32>, vector<16xi1>
        %all_reduce_population_count3A_145 = tpu.all_reduce %le3A_137 {dim = 0 : i64, kind = #tpu.reduction_kind<sum>} : vector<16xi1> -> vector<16xi32>
        %slice3A_146 = vector.extract_strided_slice %all_reduce_population_count3A_145 {offsets = [0], sizes = [1], strides = [1]} : vector<16xi32> to vector<1xi32>
        %squeeze3A_147 = vector.extract %slice3A_146[0] : i32 from vector<1xi32>
        %add3A_148 = arith.addi %add3A_128, %squeeze3A_147 : i32
        %mul3A_149 = arith.constant 8 : i32
        %mul3A_150 = arith.muli %scan3A_62, %mul3A_149 : i32
        %add3A_151 = arith.constant 0 : i32
        %add3A_152 = arith.addi %mul3A_150, %add3A_151 : i32
        %get3A_153 = arith.index_cast %add3A_152 : i32 to index
        %get3A_154 = arith.constant 64 : index
        %get3A_155 = tpu.vector_load %arg12[%get3A_153, %get3A_154] {strides = array<i32>} : memref<128x128xf32, #tpu.memory_space<vmem>>, vector<16xf32>,
        %le3A_156 = vector.broadcast %squeeze3A : f32 to vector<16xf32>
        %le3A_157 = arith.cmpf ole, %get3A_155, %le3A_156 : vector<16xf32>
        %swap3A_158 = arith.index_cast %add3A_148 : i32 to index
        %swap3A_159 = tpu.vector_load %arg13[%swap3A_158] masked %le3A_157 {strides = array<i32>} : memref<1088xf32, #tpu.memory_space<vmem>>, vector<16xf32>, vector<16xi1>
        tpu.vector_store %arg13[%swap3A_158], %get3A_155 masked %le3A_157 {strides = array<i32>} : memref<1088xf32, #tpu.memory_space<vmem>>, vector<16xf32>, vector<16xi1>
        %add3A_160 = arith.constant 64 : i32
        %add3A_161 = vector.broadcast %add3A_160 : i32 to vector<16xi32>
        %add3A_162 = arith.addi %iota3A, %add3A_161 : vector<16xi32>
        %swap3A_163 = arith.index_cast %add3A_148 : i32 to index
        %swap3A_164 = tpu.vector_load %arg14[%swap3A_163] masked %le3A_157 {strides = array<i32>} : memref<1088xi32, #tpu.memory_space<vmem>>, vector<16xi32>, vector<16xi1>
        tpu.vector_store %arg14[%swap3A_163], %add3A_162 masked %le3A_157 {strides = array<i32>} : memref<1088xi32, #tpu.memory_space<vmem>>, vector<16xi32>, vector<16xi1>
        %all_reduce_population_count3A_165 = tpu.all_reduce %le3A_157 {dim = 0 : i64, kind = #tpu.reduction_kind<sum>} : vector<16xi1> -> vector<16xi32>
        %slice3A_166 = vector.extract_strided_slice %all_reduce_population_count3A_165 {offsets = [0], sizes = [1], strides = [1]} : vector<16xi32> to vector<1xi32>
        %squeeze3A_167 = vector.extract %slice3A_166[0] : i32 from vector<1xi32>
        %add3A_168 = arith.addi %add3A_148, %squeeze3A_167 : i32
        %mul3A_169 = arith.constant 8 : i32
        %mul3A_170 = arith.muli %scan3A_62, %mul3A_169 : i32
        %add3A_171 = arith.constant 0 : i32
        %add3A_172 = arith.addi %mul3A_170, %add3A_171 : i32
        %get3A_173 = arith.index_cast %add3A_172 : i32 to index
        %get3A_174 = arith.constant 80 : index
        %get3A_175 = tpu.vector_load %arg12[%get3A_173, %get3A_174] {strides = array<i32>} : memref<128x128xf32, #tpu.memory_space<vmem>>, vector<16xf32>,
        %le3A_176 = vector.broadcast %squeeze3A : f32 to vector<16xf32>
        %le3A_177 = arith.cmpf ole, %get3A_175, %le3A_176 : vector<16xf32>
        %swap3A_178 = arith.index_cast %add3A_168 : i32 to index
        %swap3A_179 = tpu.vector_load %arg13[%swap3A_178] masked %le3A_177 {strides = array<i32>} : memref<1088xf32, #tpu.memory_space<vmem>>, vector<16xf32>, vector<16xi1>
        tpu.vector_store %arg13[%swap3A_178], %get3A_175 masked %le3A_177 {strides = array<i32>} : memref<1088xf32, #tpu.memory_space<vmem>>, vector<16xf32>, vector<16xi1>
        %add3A_180 = arith.constant 80 : i32
        %add3A_181 = vector.broadcast %add3A_180 : i32 to vector<16xi32>
        %add3A_182 = arith.addi %iota3A, %add3A_181 : vector<16xi32>
        %swap3A_183 = arith.index_cast %add3A_168 : i32 to index
        %swap3A_184 = tpu.vector_load %arg14[%swap3A_183] masked %le3A_177 {strides = array<i32>} : memref<1088xi32, #tpu.memory_space<vmem>>, vector<16xi32>, vector<16xi1>
        tpu.vector_store %arg14[%swap3A_183], %add3A_182 masked %le3A_177 {strides = array<i32>} : memref<1088xi32, #tpu.memory_space<vmem>>, vector<16xi32>, vector<16xi1>
        %all_reduce_population_count3A_185 = tpu.all_reduce %le3A_177 {dim = 0 : i64, kind = #tpu.reduction_kind<sum>} : vector<16xi1> -> vector<16xi32>
        %slice3A_186 = vector.extract_strided_slice %all_reduce_population_count3A_185 {offsets = [0], sizes = [1], strides = [1]} : vector<16xi32> to vector<1xi32>
        %squeeze3A_187 = vector.extract %slice3A_186[0] : i32 from vector<1xi32>
        %add3A_188 = arith.addi %add3A_168, %squeeze3A_187 : i32
        %mul3A_189 = arith.constant 8 : i32
        %mul3A_190 = arith.muli %scan3A_62, %mul3A_189 : i32
        %add3A_191 = arith.constant 0 : i32
        %add3A_192 = arith.addi %mul3A_190, %add3A_191 : i32
        %get3A_193 = arith.index_cast %add3A_192 : i32 to index
        %get3A_194 = arith.constant 96 : index
        %get3A_195 = tpu.vector_load %arg12[%get3A_193, %get3A_194] {strides = array<i32>} : memref<128x128xf32, #tpu.memory_space<vmem>>, vector<16xf32>,
        %le3A_196 = vector.broadcast %squeeze3A : f32 to vector<16xf32>
        %le3A_197 = arith.cmpf ole, %get3A_195, %le3A_196 : vector<16xf32>
        %swap3A_198 = arith.index_cast %add3A_188 : i32 to index
        %swap3A_199 = tpu.vector_load %arg13[%swap3A_198] masked %le3A_197 {strides = array<i32>} : memref<1088xf32, #tpu.memory_space<vmem>>, vector<16xf32>, vector<16xi1>
        tpu.vector_store %arg13[%swap3A_198], %get3A_195 masked %le3A_197 {strides = array<i32>} : memref<1088xf32, #tpu.memory_space<vmem>>, vector<16xf32>, vector<16xi1>
        %add3A_200 = arith.constant 96 : i32
        %add3A_201 = vector.broadcast %add3A_200 : i32 to vector<16xi32>
        %add3A_202 = arith.addi %iota3A, %add3A_201 : vector<16xi32>
        %swap3A_203 = arith.index_cast %add3A_188 : i32 to index
        %swap3A_204 = tpu.vector_load %arg14[%swap3A_203] masked %le3A_197 {strides = array<i32>} : memref<1088xi32, #tpu.memory_space<vmem>>, vector<16xi32>, vector<16xi1>
        tpu.vector_store %arg14[%swap3A_203], %add3A_202 masked %le3A_197 {strides = array<i32>} : memref<1088xi32, #tpu.memory_space<vmem>>, vector<16xi32>, vector<16xi1>
        %all_reduce_population_count3A_205 = tpu.all_reduce %le3A_197 {dim = 0 : i64, kind = #tpu.reduction_kind<sum>} : vector<16xi1> -> vector<16xi32>
        %slice3A_206 = vector.extract_strided_slice %all_reduce_population_count3A_205 {offsets = [0], sizes = [1], strides = [1]} : vector<16xi32> to vector<1xi32>
        %squeeze3A_207 = vector.extract %slice3A_206[0] : i32 from vector<1xi32>
        %add3A_208 = arith.addi %add3A_188, %squeeze3A_207 : i32
        %mul3A_209 = arith.constant 8 : i32
        %mul3A_210 = arith.muli %scan3A_62, %mul3A_209 : i32
        %add3A_211 = arith.constant 0 : i32
        %add3A_212 = arith.addi %mul3A_210, %add3A_211 : i32
        %get3A_213 = arith.index_cast %add3A_212 : i32 to index
        %get3A_214 = arith.constant 112 : index
        %get3A_215 = tpu.vector_load %arg12[%get3A_213, %get3A_214] {strides = array<i32>} : memref<128x128xf32, #tpu.memory_space<vmem>>, vector<16xf32>,
        %le3A_216 = vector.broadcast %squeeze3A : f32 to vector<16xf32>
        %le3A_217 = arith.cmpf ole, %get3A_215, %le3A_216 : vector<16xf32>
        %swap3A_218 = arith.index_cast %add3A_208 : i32 to index
        %swap3A_219 = tpu.vector_load %arg13[%swap3A_218] masked %le3A_217 {strides = array<i32>} : memref<1088xf32, #tpu.memory_space<vmem>>, vector<16xf32>, vector<16xi1>
        tpu.vector_store %arg13[%swap3A_218], %get3A_215 masked %le3A_217 {strides = array<i32>} : memref<1088xf32, #tpu.memory_space<vmem>>, vector<16xf32>, vector<16xi1>
        %add3A_220 = arith.constant 112 : i32
        %add3A_221 = vector.broadcast %add3A_220 : i32 to vector<16xi32>
        %add3A_222 = arith.addi %iota3A, %add3A_221 : vector<16xi32>
        %swap3A_223 = arith.index_cast %add3A_208 : i32 to index
        %swap3A_224 = tpu.vector_load %arg14[%swap3A_223] masked %le3A_217 {strides = array<i32>} : memref<1088xi32, #tpu.memory_space<vmem>>, vector<16xi32>, vector<16xi1>
        tpu.vector_store %arg14[%swap3A_223], %add3A_222 masked %le3A_217 {strides = array<i32>} : memref<1088xi32, #tpu.memory_space<vmem>>, vector<16xi32>, vector<16xi1>
        %all_reduce_population_count3A_225 = tpu.all_reduce %le3A_217 {dim = 0 : i64, kind = #tpu.reduction_kind<sum>} : vector<16xi1> -> vector<16xi32>
        %slice3A_226 = vector.extract_strided_slice %all_reduce_population_count3A_225 {offsets = [0], sizes = [1], strides = [1]} : vector<16xi32> to vector<1xi32>
        %squeeze3A_227 = vector.extract %slice3A_226[0] : i32 from vector<1xi32>
        %add3A_228 = arith.addi %add3A_208, %squeeze3A_227 : i32
        %mul3A_229 = arith.constant 8 : i32
        %mul3A_230 = arith.muli %scan3A_62, %mul3A_229 : i32
        %add3A_231 = arith.constant 1 : i32
        %add3A_232 = arith.addi %mul3A_230, %add3A_231 : i32
        %get3A_233 = arith.index_cast %add3A_232 : i32 to index
        %get3A_234 = arith.constant 0 : index
        %get3A_235 = tpu.vector_load %arg12[%get3A_233, %get3A_234] {strides = array<i32>} : memref<128x128xf32, #tpu.memory_space<vmem>>, vector<16xf32>,
        %le3A_236 = vector.broadcast %squeeze3A : f32 to vector<16xf32>
        %le3A_237 = arith.cmpf ole, %get3A_235, %le3A_236 : vector<16xf32>
        %swap3A_238 = arith.index_cast %add3A_228 : i32 to index
        %swap3A_239 = tpu.vector_load %arg13[%swap3A_238] masked %le3A_237 {strides = array<i32>} : memref<1088xf32, #tpu.memory_space<vmem>>, vector<16xf32>, vector<16xi1>
        tpu.vector_store %arg13[%swap3A_238], %get3A_235 masked %le3A_237 {strides = array<i32>} : memref<1088xf32, #tpu.memory_space<vmem>>, vector<16xf32>, vector<16xi1>
        %add3A_240 = arith.constant 128 : i32
        %add3A_241 = vector.broadcast %add3A_240 : i32 to vector<16xi32>
        %add3A_242 = arith.addi %iota3A, %add3A_241 : vector<16xi32>
        %swap3A_243 = arith.index_cast %add3A_228 : i32 to index
        %swap3A_244 = tpu.vector_load %arg14[%swap3A_243] masked %le3A_237 {strides = array<i32>} : memref<1088xi32, #tpu.memory_space<vmem>>, vector<16xi32>, vector<16xi1>
        tpu.vector_store %arg14[%swap3A_243], %add3A_242 masked %le3A_237 {strides = array<i32>} : memref<1088xi32, #tpu.memory_space<vmem>>, vector<16xi32>, vector<16xi1>
        %all_reduce_population_count3A_245 = tpu.all_reduce %le3A_237 {dim = 0 : i64, kind = #tpu.reduction_kind<sum>} : vector<16xi1> -> vector<16xi32>
        %slice3A_246 = vector.extract_strided_slice %all_reduce_population_count3A_245 {offsets = [0], sizes = [1], strides = [1]} : vector<16xi32> to vector<1xi32>
        %squeeze3A_247 = vector.extract %slice3A_246[0] : i32 from vector<1xi32>
        %add3A_248 = arith.addi %add3A_228, %squeeze3A_247 : i32
        %mul3A_249 = arith.constant 8 : i32
        %mul3A_250 = arith.muli %scan3A_62, %mul3A_249 : i32
        %add3A_251 = arith.constant 1 : i32
        %add3A_252 = arith.addi %mul3A_250, %add3A_251 : i32
        %get3A_253 = arith.index_cast %add3A_252 : i32 to index
        %get3A_254 = arith.constant 16 : index
        %get3A_255 = tpu.vector_load %arg12[%get3A_253, %get3A_254] {strides = array<i32>} : memref<128x128xf32, #tpu.memory_space<vmem>>, vector<16xf32>,
        %le3A_256 = vector.broadcast %squeeze3A : f32 to vector<16xf32>
        %le3A_257 = arith.cmpf ole, %get3A_255, %le3A_256 : vector<16xf32>
        %swap3A_258 = arith.index_cast %add3A_248 : i32 to index
        %swap3A_259 = tpu.vector_load %arg13[%swap3A_258] masked %le3A_257 {strides = array<i32>} : memref<1088xf32, #tpu.memory_space<vmem>>, vector<16xf32>, vector<16xi1>
        tpu.vector_store %arg13[%swap3A_258], %get3A_255 masked %le3A_257 {strides = array<i32>} : memref<1088xf32, #tpu.memory_space<vmem>>, vector<16xf32>, vector<16xi1>
        %add3A_260 = arith.constant 144 : i32
        %add3A_261 = vector.broadcast %add3A_260 : i32 to vector<16xi32>
        %add3A_262 = arith.addi %iota3A, %add3A_261 : vector<16xi32>
        %swap3A_263 = arith.index_cast %add3A_248 : i32 to index
        %swap3A_264 = tpu.vector_load %arg14[%swap3A_263] masked %le3A_257 {strides = array<i32>} : memref<1088xi32, #tpu.memory_space<vmem>>, vector<16xi32>, vector<16xi1>
        tpu.vector_store %arg14[%swap3A_263], %add3A_262 masked %le3A_257 {strides = array<i32>} : memref<1088xi32, #tpu.memory_space<vmem>>, vector<16xi32>, vector<16xi1>
        %all_reduce_population_count3A_265 = tpu.all_reduce %le3A_257 {dim = 0 : i64, kind = #tpu.reduction_kind<sum>} : vector<16xi1> -> vector<16xi32>
        %slice3A_266 = vector.extract_strided_slice %all_reduce_population_count3A_265 {offsets = [0], sizes = [1], strides = [1]} : vector<16xi32> to vector<1xi32>
        %squeeze3A_267 = vector.extract %slice3A_266[0] : i32 from vector<1xi32>
        %add3A_268 = arith.addi %add3A_248, %squeeze3A_267 : i32
        %mul3A_269 = arith.constant 8 : i32
        %mul3A_270 = arith.muli %scan3A_62, %mul3A_269 : i32
        %add3A_271 = arith.constant 1 : i32
        %add3A_272 = arith.addi %mul3A_270, %add3A_271 : i32
        %get3A_273 = arith.index_cast %add3A_272 : i32 to index
        %get3A_274 = arith.constant 32 : index
        %get3A_275 = tpu.vector_load %arg12[%get3A_273, %get3A_274] {strides = array<i32>} : memref<128x128xf32, #tpu.memory_space<vmem>>, vector<16xf32>,
        %le3A_276 = vector.broadcast %squeeze3A : f32 to vector<16xf32>
        %le3A_277 = arith.cmpf ole, %get3A_275, %le3A_276 : vector<16xf32>
        %swap3A_278 = arith.index_cast %add3A_268 : i32 to index
        %swap3A_279 = tpu.vector_load %arg13[%swap3A_278] masked %le3A_277 {strides = array<i32>} : memref<1088xf32, #tpu.memory_space<vmem>>, vector<16xf32>, vector<16xi1>
        tpu.vector_store %arg13[%swap3A_278], %get3A_275 masked %le3A_277 {strides = array<i32>} : memref<1088xf32, #tpu.memory_space<vmem>>, vector<16xf32>, vector<16xi1>
        %add3A_280 = arith.constant 160 : i32
        %add3A_281 = vector.broadcast %add3A_280 : i32 to vector<16xi32>
        %add3A_282 = arith.addi %iota3A, %add3A_281 : vector<16xi32>
        %swap3A_283 = arith.index_cast %add3A_268 : i32 to index
        %swap3A_284 = tpu.vector_load %arg14[%swap3A_283] masked %le3A_277 {strides = array<i32>} : memref<1088xi32, #tpu.memory_space<vmem>>, vector<16xi32>, vector<16xi1>
        tpu.vector_store %arg14[%swap3A_283], %add3A_282 masked %le3A_277 {strides = array<i32>} : memref<1088xi32, #tpu.memory_space<vmem>>, vector<16xi32>, vector<16xi1>
        %all_reduce_population_count3A_285 = tpu.all_reduce %le3A_277 {dim = 0 : i64, kind = #tpu.reduction_kind<sum>} : vector<16xi1> -> vector<16xi32>
        %slice3A_286 = vector.extract_strided_slice %all_reduce_population_count3A_285 {offsets = [0], sizes = [1], strides = [1]} : vector<16xi32> to vector<1xi32>
        %squeeze3A_287 = vector.extract %slice3A_286[0] : i32 from vector<1xi32>
        %add3A_288 = arith.addi %add3A_268, %squeeze3A_287 : i32
        %mul3A_289 = arith.constant 8 : i32
        %mul3A_290 = arith.muli %scan3A_62, %mul3A_289 : i32
        %add3A_291 = arith.constant 1 : i32
        %add3A_292 = arith.addi %mul3A_290, %add3A_291 : i32
        %get3A_293 = arith.index_cast %add3A_292 : i32 to index
        %get3A_294 = arith.constant 48 : index
        %get3A_295 = tpu.vector_load %arg12[%get3A_293, %get3A_294] {strides = array<i32>} : memref<128x128xf32, #tpu.memory_space<vmem>>, vector<16xf32>,
        %le3A_296 = vector.broadcast %squeeze3A : f32 to vector<16xf32>
        %le3A_297 = arith.cmpf ole, %get3A_295, %le3A_296 : vector<16xf32>
        %swap3A_298 = arith.index_cast %add3A_288 : i32 to index
        %swap3A_299 = tpu.vector_load %arg13[%swap3A_298] masked %le3A_297 {strides = array<i32>} : memref<1088xf32, #tpu.memory_space<vmem>>, vector<16xf32>, vector<16xi1>
        tpu.vector_store %arg13[%swap3A_298], %get3A_295 masked %le3A_297 {strides = array<i32>} : memref<1088xf32, #tpu.memory_space<vmem>>, vector<16xf32>, vector<16xi1>
        %add3A_300 = arith.constant 176 : i32
        %add3A_301 = vector.broadcast %add3A_300 : i32 to vector<16xi32>
        %add3A_302 = arith.addi %iota3A, %add3A_301 : vector<16xi32>
        %swap3A_303 = arith.index_cast %add3A_288 : i32 to index
        %swap3A_304 = tpu.vector_load %arg14[%swap3A_303] masked %le3A_297 {strides = array<i32>} : memref<1088xi32, #tpu.memory_space<vmem>>, vector<16xi32>, vector<16xi1>
        tpu.vector_store %arg14[%swap3A_303], %add3A_302 masked %le3A_297 {strides = array<i32>} : memref<1088xi32, #tpu.memory_space<vmem>>, vector<16xi32>, vector<16xi1>
        %all_reduce_population_count3A_305 = tpu.all_reduce %le3A_297 {dim = 0 : i64, kind = #tpu.reduction_kind<sum>} : vector<16xi1> -> vector<16xi32>
        %slice3A_306 = vector.extract_strided_slice %all_reduce_population_count3A_305 {offsets = [0], sizes = [1], strides = [1]} : vector<16xi32> to vector<1xi32>
        %squeeze3A_307 = vector.extract %slice3A_306[0] : i32 from vector<1xi32>
        %add3A_308 = arith.addi %add3A_288, %squeeze3A_307 : i32
        %mul3A_309 = arith.constant 8 : i32
        %mul3A_310 = arith.muli %scan3A_62, %mul3A_309 : i32
        %add3A_311 = arith.constant 1 : i32
        %add3A_312 = arith.addi %mul3A_310, %add3A_311 : i32
        %get3A_313 = arith.index_cast %add3A_312 : i32 to index
        %get3A_314 = arith.constant 64 : index
        %get3A_315 = tpu.vector_load %arg12[%get3A_313, %get3A_314] {strides = array<i32>} : memref<128x128xf32, #tpu.memory_space<vmem>>, vector<16xf32>,
        %le3A_316 = vector.broadcast %squeeze3A : f32 to vector<16xf32>
        %le3A_317 = arith.cmpf ole, %get3A_315, %le3A_316 : vector<16xf32>
        %swap3A_318 = arith.index_cast %add3A_308 : i32 to index
        %swap3A_319 = tpu.vector_load %arg13[%swap3A_318] masked %le3A_317 {strides = array<i32>} : memref<1088xf32, #tpu.memory_space<vmem>>, vector<16xf32>, vector<16xi1>
        tpu.vector_store %arg13[%swap3A_318], %get3A_315 masked %le3A_317 {strides = array<i32>} : memref<1088xf32, #tpu.memory_space<vmem>>, vector<16xf32>, vector<16xi1>
        %add3A_320 = arith.constant 192 : i32
        %add3A_321 = vector.broadcast %add3A_320 : i32 to vector<16xi32>
        %add3A_322 = arith.addi %iota3A, %add3A_321 : vector<16xi32>
        %swap3A_323 = arith.index_cast %add3A_308 : i32 to index
        %swap3A_324 = tpu.vector_load %arg14[%swap3A_323] masked %le3A_317 {strides = array<i32>} : memref<1088xi32, #tpu.memory_space<vmem>>, vector<16xi32>, vector<16xi1>
        tpu.vector_store %arg14[%swap3A_323], %add3A_322 masked %le3A_317 {strides = array<i32>} : memref<1088xi32, #tpu.memory_space<vmem>>, vector<16xi32>, vector<16xi1>
        %all_reduce_population_count3A_325 = tpu.all_reduce %le3A_317 {dim = 0 : i64, kind = #tpu.reduction_kind<sum>} : vector<16xi1> -> vector<16xi32>
        %slice3A_326 = vector.extract_strided_slice %all_reduce_population_count3A_325 {offsets = [0], sizes = [1], strides = [1]} : vector<16xi32> to vector<1xi32>
        %squeeze3A_327 = vector.extract %slice3A_326[0] : i32 from vector<1xi32>
        %add3A_328 = arith.addi %add3A_308, %squeeze3A_327 : i32
        %mul3A_329 = arith.constant 8 : i32
        %mul3A_330 = arith.muli %scan3A_62, %mul3A_329 : i32
        %add3A_331 = arith.constant 1 : i32
        %add3A_332 = arith.addi %mul3A_330, %add3A_331 : i32
        %get3A_333 = arith.index_cast %add3A_332 : i32 to index
        %get3A_334 = arith.constant 80 : index
        %get3A_335 = tpu.vector_load %arg12[%get3A_333, %get3A_334] {strides = array<i32>} : memref<128x128xf32, #tpu.memory_space<vmem>>, vector<16xf32>,
        %le3A_336 = vector.broadcast %squeeze3A : f32 to vector<16xf32>
        %le3A_337 = arith.cmpf ole, %get3A_335, %le3A_336 : vector<16xf32>
        %swap3A_338 = arith.index_cast %add3A_328 : i32 to index
        %swap3A_339 = tpu.vector_load %arg13[%swap3A_338] masked %le3A_337 {strides = array<i32>} : memref<1088xf32, #tpu.memory_space<vmem>>, vector<16xf32>, vector<16xi1>
        tpu.vector_store %arg13[%swap3A_338], %get3A_335 masked %le3A_337 {strides = array<i32>} : memref<1088xf32, #tpu.memory_space<vmem>>, vector<16xf32>, vector<16xi1>
        %add3A_340 = arith.constant 208 : i32
        %add3A_341 = vector.broadcast %add3A_340 : i32 to vector<16xi32>
        %add3A_342 = arith.addi %iota3A, %add3A_341 : vector<16xi32>
        %swap3A_343 = arith.index_cast %add3A_328 : i32 to index
        %swap3A_344 = tpu.vector_load %arg14[%swap3A_343] masked %le3A_337 {strides = array<i32>} : memref<1088xi32, #tpu.memory_space<vmem>>, vector<16xi32>, vector<16xi1>
        tpu.vector_store %arg14[%swap3A_343], %add3A_342 masked %le3A_337 {strides = array<i32>} : memref<1088xi32, #tpu.memory_space<vmem>>, vector<16xi32>, vector<16xi1>
        %all_reduce_population_count3A_345 = tpu.all_reduce %le3A_337 {dim = 0 : i64, kind = #tpu.reduction_kind<sum>} : vector<16xi1> -> vector<16xi32>
        %slice3A_346 = vector.extract_strided_slice %all_reduce_population_count3A_345 {offsets = [0], sizes = [1], strides = [1]} : vector<16xi32> to vector<1xi32>
        %squeeze3A_347 = vector.extract %slice3A_346[0] : i32 from vector<1xi32>
        %add3A_348 = arith.addi %add3A_328, %squeeze3A_347 : i32
        %mul3A_349 = arith.constant 8 : i32
        %mul3A_350 = arith.muli %scan3A_62, %mul3A_349 : i32
        %add3A_351 = arith.constant 1 : i32
        %add3A_352 = arith.addi %mul3A_350, %add3A_351 : i32
        %get3A_353 = arith.index_cast %add3A_352 : i32 to index
        %get3A_354 = arith.constant 96 : index
        %get3A_355 = tpu.vector_load %arg12[%get3A_353, %get3A_354] {strides = array<i32>} : memref<128x128xf32, #tpu.memory_space<vmem>>, vector<16xf32>,
        %le3A_356 = vector.broadcast %squeeze3A : f32 to vector<16xf32>
        %le3A_357 = arith.cmpf ole, %get3A_355, %le3A_356 : vector<16xf32>
        %swap3A_358 = arith.index_cast %add3A_348 : i32 to index
        %swap3A_359 = tpu.vector_load %arg13[%swap3A_358] masked %le3A_357 {strides = array<i32>} : memref<1088xf32, #tpu.memory_space<vmem>>, vector<16xf32>, vector<16xi1>
        tpu.vector_store %arg13[%swap3A_358], %get3A_355 masked %le3A_357 {strides = array<i32>} : memref<1088xf32, #tpu.memory_space<vmem>>, vector<16xf32>, vector<16xi1>
        %add3A_360 = arith.constant 224 : i32
        %add3A_361 = vector.broadcast %add3A_360 : i32 to vector<16xi32>
        %add3A_362 = arith.addi %iota3A, %add3A_361 : vector<16xi32>
        %swap3A_363 = arith.index_cast %add3A_348 : i32 to index
        %swap3A_364 = tpu.vector_load %arg14[%swap3A_363] masked %le3A_357 {strides = array<i32>} : memref<1088xi32, #tpu.memory_space<vmem>>, vector<16xi32>, vector<16xi1>
        tpu.vector_store %arg14[%swap3A_363], %add3A_362 masked %le3A_357 {strides = array<i32>} : memref<1088xi32, #tpu.memory_space<vmem>>, vector<16xi32>, vector<16xi1>
        %all_reduce_population_count3A_365 = tpu.all_reduce %le3A_357 {dim = 0 : i64, kind = #tpu.reduction_kind<sum>} : vector<16xi1> -> vector<16xi32>
        %slice3A_366 = vector.extract_strided_slice %all_reduce_population_count3A_365 {offsets = [0], sizes = [1], strides = [1]} : vector<16xi32> to vector<1xi32>
        %squeeze3A_367 = vector.extract %slice3A_366[0] : i32 from vector<1xi32>
        %add3A_368 = arith.addi %add3A_348, %squeeze3A_367 : i32
        %mul3A_369 = arith.constant 8 : i32
        %mul3A_370 = arith.muli %scan3A_62, %mul3A_369 : i32
        %add3A_371 = arith.constant 1 : i32
        %add3A_372 = arith.addi %mul3A_370, %add3A_371 : i32
        %get3A_373 = arith.index_cast %add3A_372 : i32 to index
        %get3A_374 = arith.constant 112 : index
        %get3A_375 = tpu.vector_load %arg12[%get3A_373, %get3A_374] {strides = array<i32>} : memref<128x128xf32, #tpu.memory_space<vmem>>, vector<16xf32>,
        %le3A_376 = vector.broadcast %squeeze3A : f32 to vector<16xf32>
        %le3A_377 = arith.cmpf ole, %get3A_375, %le3A_376 : vector<16xf32>
        %swap3A_378 = arith.index_cast %add3A_368 : i32 to index
        %swap3A_379 = tpu.vector_load %arg13[%swap3A_378] masked %le3A_377 {strides = array<i32>} : memref<1088xf32, #tpu.memory_space<vmem>>, vector<16xf32>, vector<16xi1>
        tpu.vector_store %arg13[%swap3A_378], %get3A_375 masked %le3A_377 {strides = array<i32>} : memref<1088xf32, #tpu.memory_space<vmem>>, vector<16xf32>, vector<16xi1>
        %add3A_380 = arith.constant 240 : i32
        %add3A_381 = vector.broadcast %add3A_380 : i32 to vector<16xi32>
        %add3A_382 = arith.addi %iota3A, %add3A_381 : vector<16xi32>
        %swap3A_383 = arith.index_cast %add3A_368 : i32 to index
        %swap3A_384 = tpu.vector_load %arg14[%swap3A_383] masked %le3A_377 {strides = array<i32>} : memref<1088xi32, #tpu.memory_space<vmem>>, vector<16xi32>, vector<16xi1>
        tpu.vector_store %arg14[%swap3A_383], %add3A_382 masked %le3A_377 {strides = array<i32>} : memref<1088xi32, #tpu.memory_space<vmem>>, vector<16xi32>, vector<16xi1>
        %all_reduce_population_count3A_385 = tpu.all_reduce %le3A_377 {dim = 0 : i64, kind = #tpu.reduction_kind<sum>} : vector<16xi1> -> vector<16xi32>
        %slice3A_386 = vector.extract_strided_slice %all_reduce_population_count3A_385 {offsets = [0], sizes = [1], strides = [1]} : vector<16xi32> to vector<1xi32>
        %squeeze3A_387 = vector.extract %slice3A_386[0] : i32 from vector<1xi32>
        %add3A_388 = arith.addi %add3A_368, %squeeze3A_387 : i32
        %mul3A_389 = arith.constant 8 : i32
        %mul3A_390 = arith.muli %scan3A_62, %mul3A_389 : i32
        %add3A_391 = arith.constant 2 : i32
        %add3A_392 = arith.addi %mul3A_390, %add3A_391 : i32
        %get3A_393 = arith.index_cast %add3A_392 : i32 to index
        %get3A_394 = arith.constant 0 : index
        %get3A_395 = tpu.vector_load %arg12[%get3A_393, %get3A_394] {strides = array<i32>} : memref<128x128xf32, #tpu.memory_space<vmem>>, vector<16xf32>,
        %le3A_396 = vector.broadcast %squeeze3A : f32 to vector<16xf32>
        %le3A_397 = arith.cmpf ole, %get3A_395, %le3A_396 : vector<16xf32>
        %swap3A_398 = arith.index_cast %add3A_388 : i32 to index
        %swap3A_399 = tpu.vector_load %arg13[%swap3A_398] masked %le3A_397 {strides = array<i32>} : memref<1088xf32, #tpu.memory_space<vmem>>, vector<16xf32>, vector<16xi1>
        tpu.vector_store %arg13[%swap3A_398], %get3A_395 masked %le3A_397 {strides = array<i32>} : memref<1088xf32, #tpu.memory_space<vmem>>, vector<16xf32>, vector<16xi1>
        %add3A_400 = arith.constant 256 : i32
        %add3A_401 = vector.broadcast %add3A_400 : i32 to vector<16xi32>
        %add3A_402 = arith.addi %iota3A, %add3A_401 : vector<16xi32>
        %swap3A_403 = arith.index_cast %add3A_388 : i32 to index
        %swap3A_404 = tpu.vector_load %arg14[%swap3A_403] masked %le3A_397 {strides = array<i32>} : memref<1088xi32, #tpu.memory_space<vmem>>, vector<16xi32>, vector<16xi1>
        tpu.vector_store %arg14[%swap3A_403], %add3A_402 masked %le3A_397 {strides = array<i32>} : memref<1088xi32, #tpu.memory_space<vmem>>, vector<16xi32>, vector<16xi1>
        %all_reduce_population_count3A_405 = tpu.all_reduce %le3A_397 {dim = 0 : i64, kind = #tpu.reduction_kind<sum>} : vector<16xi1> -> vector<16xi32>
        %slice3A_406 = vector.extract_strided_slice %all_reduce_population_count3A_405 {offsets = [0], sizes = [1], strides = [1]} : vector<16xi32> to vector<1xi32>
        %squeeze3A_407 = vector.extract %slice3A_406[0] : i32 from vector<1xi32>
        %add3A_408 = arith.addi %add3A_388, %squeeze3A_407 : i32
        %mul3A_409 = arith.constant 8 : i32
        %mul3A_410 = arith.muli %scan3A_62, %mul3A_409 : i32
        %add3A_411 = arith.constant 2 : i32
        %add3A_412 = arith.addi %mul3A_410, %add3A_411 : i32
        %get3A_413 = arith.index_cast %add3A_412 : i32 to index
        %get3A_414 = arith.constant 16 : index
        %get3A_415 = tpu.vector_load %arg12[%get3A_413, %get3A_414] {strides = array<i32>} : memref<128x128xf32, #tpu.memory_space<vmem>>, vector<16xf32>,
        %le3A_416 = vector.broadcast %squeeze3A : f32 to vector<16xf32>
        %le3A_417 = arith.cmpf ole, %get3A_415, %le3A_416 : vector<16xf32>
        %swap3A_418 = arith.index_cast %add3A_408 : i32 to index
        %swap3A_419 = tpu.vector_load %arg13[%swap3A_418] masked %le3A_417 {strides = array<i32>} : memref<1088xf32, #tpu.memory_space<vmem>>, vector<16xf32>, vector<16xi1>
        tpu.vector_store %arg13[%swap3A_418], %get3A_415 masked %le3A_417 {strides = array<i32>} : memref<1088xf32, #tpu.memory_space<vmem>>, vector<16xf32>, vector<16xi1>
        %add3A_420 = arith.constant 272 : i32
        %add3A_421 = vector.broadcast %add3A_420 : i32 to vector<16xi32>
        %add3A_422 = arith.addi %iota3A, %add3A_421 : vector<16xi32>
        %swap3A_423 = arith.index_cast %add3A_408 : i32 to index
        %swap3A_424 = tpu.vector_load %arg14[%swap3A_423] masked %le3A_417 {strides = array<i32>} : memref<1088xi32, #tpu.memory_space<vmem>>, vector<16xi32>, vector<16xi1>
        tpu.vector_store %arg14[%swap3A_423], %add3A_422 masked %le3A_417 {strides = array<i32>} : memref<1088xi32, #tpu.memory_space<vmem>>, vector<16xi32>, vector<16xi1>
        %all_reduce_population_count3A_425 = tpu.all_reduce %le3A_417 {dim = 0 : i64, kind = #tpu.reduction_kind<sum>} : vector<16xi1> -> vector<16xi32>
        %slice3A_426 = vector.extract_strided_slice %all_reduce_population_count3A_425 {offsets = [0], sizes = [1], strides = [1]} : vector<16xi32> to vector<1xi32>
        %squeeze3A_427 = vector.extract %slice3A_426[0] : i32 from vector<1xi32>
        %add3A_428 = arith.addi %add3A_408, %squeeze3A_427 : i32
        %mul3A_429 = arith.constant 8 : i32
        %mul3A_430 = arith.muli %scan3A_62, %mul3A_429 : i32
        %add3A_431 = arith.constant 2 : i32
        %add3A_432 = arith.addi %mul3A_430, %add3A_431 : i32
        %get3A_433 = arith.index_cast %add3A_432 : i32 to index
        %get3A_434 = arith.constant 32 : index
        %get3A_435 = tpu.vector_load %arg12[%get3A_433, %get3A_434] {strides = array<i32>} : memref<128x128xf32, #tpu.memory_space<vmem>>, vector<16xf32>,
        %le3A_436 = vector.broadcast %squeeze3A : f32 to vector<16xf32>
        %le3A_437 = arith.cmpf ole, %get3A_435, %le3A_436 : vector<16xf32>
        %swap3A_438 = arith.index_cast %add3A_428 : i32 to index
        %swap3A_439 = tpu.vector_load %arg13[%swap3A_438] masked %le3A_437 {strides = array<i32>} : memref<1088xf32, #tpu.memory_space<vmem>>, vector<16xf32>, vector<16xi1>
        tpu.vector_store %arg13[%swap3A_438], %get3A_435 masked %le3A_437 {strides = array<i32>} : memref<1088xf32, #tpu.memory_space<vmem>>, vector<16xf32>, vector<16xi1>
        %add3A_440 = arith.constant 288 : i32
        %add3A_441 = vector.broadcast %add3A_440 : i32 to vector<16xi32>
        %add3A_442 = arith.addi %iota3A, %add3A_441 : vector<16xi32>
        %swap3A_443 = arith.index_cast %add3A_428 : i32 to index
        %swap3A_444 = tpu.vector_load %arg14[%swap3A_443] masked %le3A_437 {strides = array<i32>} : memref<1088xi32, #tpu.memory_space<vmem>>, vector<16xi32>, vector<16xi1>
        tpu.vector_store %arg14[%swap3A_443], %add3A_442 masked %le3A_437 {strides = array<i32>} : memref<1088xi32, #tpu.memory_space<vmem>>, vector<16xi32>, vector<16xi1>
        %all_reduce_population_count3A_445 = tpu.all_reduce %le3A_437 {dim = 0 : i64, kind = #tpu.reduction_kind<sum>} : vector<16xi1> -> vector<16xi32>
        %slice3A_446 = vector.extract_strided_slice %all_reduce_population_count3A_445 {offsets = [0], sizes = [1], strides = [1]} : vector<16xi32> to vector<1xi32>
        %squeeze3A_447 = vector.extract %slice3A_446[0] : i32 from vector<1xi32>
        %add3A_448 = arith.addi %add3A_428, %squeeze3A_447 : i32
        %mul3A_449 = arith.constant 8 : i32
        %mul3A_450 = arith.muli %scan3A_62, %mul3A_449 : i32
        %add3A_451 = arith.constant 2 : i32
        %add3A_452 = arith.addi %mul3A_450, %add3A_451 : i32
        %get3A_453 = arith.index_cast %add3A_452 : i32 to index
        %get3A_454 = arith.constant 48 : index
        %get3A_455 = tpu.vector_load %arg12[%get3A_453, %get3A_454] {strides = array<i32>} : memref<128x128xf32, #tpu.memory_space<vmem>>, vector<16xf32>,
        %le3A_456 = vector.broadcast %squeeze3A : f32 to vector<16xf32>
        %le3A_457 = arith.cmpf ole, %get3A_455, %le3A_456 : vector<16xf32>
        %swap3A_458 = arith.index_cast %add3A_448 : i32 to index
        %swap3A_459 = tpu.vector_load %arg13[%swap3A_458] masked %le3A_457 {strides = array<i32>} : memref<1088xf32, #tpu.memory_space<vmem>>, vector<16xf32>, vector<16xi1>
        tpu.vector_store %arg13[%swap3A_458], %get3A_455 masked %le3A_457 {strides = array<i32>} : memref<1088xf32, #tpu.memory_space<vmem>>, vector<16xf32>, vector<16xi1>
        %add3A_460 = arith.constant 304 : i32
        %add3A_461 = vector.broadcast %add3A_460 : i32 to vector<16xi32>
        %add3A_462 = arith.addi %iota3A, %add3A_461 : vector<16xi32>
        %swap3A_463 = arith.index_cast %add3A_448 : i32 to index
        %swap3A_464 = tpu.vector_load %arg14[%swap3A_463] masked %le3A_457 {strides = array<i32>} : memref<1088xi32, #tpu.memory_space<vmem>>, vector<16xi32>, vector<16xi1>
        tpu.vector_store %arg14[%swap3A_463], %add3A_462 masked %le3A_457 {strides = array<i32>} : memref<1088xi32, #tpu.memory_space<vmem>>, vector<16xi32>, vector<16xi1>
        %all_reduce_population_count3A_465 = tpu.all_reduce %le3A_457 {dim = 0 : i64, kind = #tpu.reduction_kind<sum>} : vector<16xi1> -> vector<16xi32>
        %slice3A_466 = vector.extract_strided_slice %all_reduce_population_count3A_465 {offsets = [0], sizes = [1], strides = [1]} : vector<16xi32> to vector<1xi32>
        %squeeze3A_467 = vector.extract %slice3A_466[0] : i32 from vector<1xi32>
        %add3A_468 = arith.addi %add3A_448, %squeeze3A_467 : i32
        %mul3A_469 = arith.constant 8 : i32
        %mul3A_470 = arith.muli %scan3A_62, %mul3A_469 : i32
        %add3A_471 = arith.constant 2 : i32
        %add3A_472 = arith.addi %mul3A_470, %add3A_471 : i32
        %get3A_473 = arith.index_cast %add3A_472 : i32 to index
        %get3A_474 = arith.constant 64 : index
        %get3A_475 = tpu.vector_load %arg12[%get3A_473, %get3A_474] {strides = array<i32>} : memref<128x128xf32, #tpu.memory_space<vmem>>, vector<16xf32>,
        %le3A_476 = vector.broadcast %squeeze3A : f32 to vector<16xf32>
        %le3A_477 = arith.cmpf ole, %get3A_475, %le3A_476 : vector<16xf32>
        %swap3A_478 = arith.index_cast %add3A_468 : i32 to index
        %swap3A_479 = tpu.vector_load %arg13[%swap3A_478] masked %le3A_477 {strides = array<i32>} : memref<1088xf32, #tpu.memory_space<vmem>>, vector<16xf32>, vector<16xi1>
        tpu.vector_store %arg13[%swap3A_478], %get3A_475 masked %le3A_477 {strides = array<i32>} : memref<1088xf32, #tpu.memory_space<vmem>>, vector<16xf32>, vector<16xi1>
        %add3A_480 = arith.constant 320 : i32
        %add3A_481 = vector.broadcast %add3A_480 : i32 to vector<16xi32>
        %add3A_482 = arith.addi %iota3A, %add3A_481 : vector<16xi32>
        %swap3A_483 = arith.index_cast %add3A_468 : i32 to index
        %swap3A_484 = tpu.vector_load %arg14[%swap3A_483] masked %le3A_477 {strides = array<i32>} : memref<1088xi32, #tpu.memory_space<vmem>>, vector<16xi32>, vector<16xi1>
        tpu.vector_store %arg14[%swap3A_483], %add3A_482 masked %le3A_477 {strides = array<i32>} : memref<1088xi32, #tpu.memory_space<vmem>>, vector<16xi32>, vector<16xi1>
        %all_reduce_population_count3A_485 = tpu.all_reduce %le3A_477 {dim = 0 : i64, kind = #tpu.reduction_kind<sum>} : vector<16xi1> -> vector<16xi32>
        %slice3A_486 = vector.extract_strided_slice %all_reduce_population_count3A_485 {offsets = [0], sizes = [1], strides = [1]} : vector<16xi32> to vector<1xi32>
        %squeeze3A_487 = vector.extract %slice3A_486[0] : i32 from vector<1xi32>
        %add3A_488 = arith.addi %add3A_468, %squeeze3A_487 : i32
        %mul3A_489 = arith.constant 8 : i32
        %mul3A_490 = arith.muli %scan3A_62, %mul3A_489 : i32
        %add3A_491 = arith.constant 2 : i32
        %add3A_492 = arith.addi %mul3A_490, %add3A_491 : i32
        %get3A_493 = arith.index_cast %add3A_492 : i32 to index
        %get3A_494 = arith.constant 80 : index
        %get3A_495 = tpu.vector_load %arg12[%get3A_493, %get3A_494] {strides = array<i32>} : memref<128x128xf32, #tpu.memory_space<vmem>>, vector<16xf32>,
        %le3A_496 = vector.broadcast %squeeze3A : f32 to vector<16xf32>
        %le3A_497 = arith.cmpf ole, %get3A_495, %le3A_496 : vector<16xf32>
        %swap3A_498 = arith.index_cast %add3A_488 : i32 to index
        %swap3A_499 = tpu.vector_load %arg13[%swap3A_498] masked %le3A_497 {strides = array<i32>} : memref<1088xf32, #tpu.memory_space<vmem>>, vector<16xf32>, vector<16xi1>
        tpu.vector_store %arg13[%swap3A_498], %get3A_495 masked %le3A_497 {strides = array<i32>} : memref<1088xf32, #tpu.memory_space<vmem>>, vector<16xf32>, vector<16xi1>
        %add3A_500 = arith.constant 336 : i32
        %add3A_501 = vector.broadcast %add3A_500 : i32 to vector<16xi32>
        %add3A_502 = arith.addi %iota3A, %add3A_501 : vector<16xi32>
        %swap3A_503 = arith.index_cast %add3A_488 : i32 to index
        %swap3A_504 = tpu.vector_load %arg14[%swap3A_503] masked %le3A_497 {strides = array<i32>} : memref<1088xi32, #tpu.memory_space<vmem>>, vector<16xi32>, vector<16xi1>
        tpu.vector_store %arg14[%swap3A_503], %add3A_502 masked %le3A_497 {strides = array<i32>} : memref<1088xi32, #tpu.memory_space<vmem>>, vector<16xi32>, vector<16xi1>
        %all_reduce_population_count3A_505 = tpu.all_reduce %le3A_497 {dim = 0 : i64, kind = #tpu.reduction_kind<sum>} : vector<16xi1> -> vector<16xi32>
        %slice3A_506 = vector.extract_strided_slice %all_reduce_population_count3A_505 {offsets = [0], sizes = [1], strides = [1]} : vector<16xi32> to vector<1xi32>
        %squeeze3A_507 = vector.extract %slice3A_506[0] : i32 from vector<1xi32>
        %add3A_508 = arith.addi %add3A_488, %squeeze3A_507 : i32
        %mul3A_509 = arith.constant 8 : i32
        %mul3A_510 = arith.muli %scan3A_62, %mul3A_509 : i32
        %add3A_511 = arith.constant 2 : i32
        %add3A_512 = arith.addi %mul3A_510, %add3A_511 : i32
        %get3A_513 = arith.index_cast %add3A_512 : i32 to index
        %get3A_514 = arith.constant 96 : index
        %get3A_515 = tpu.vector_load %arg12[%get3A_513, %get3A_514] {strides = array<i32>} : memref<128x128xf32, #tpu.memory_space<vmem>>, vector<16xf32>,
        %le3A_516 = vector.broadcast %squeeze3A : f32 to vector<16xf32>
        %le3A_517 = arith.cmpf ole, %get3A_515, %le3A_516 : vector<16xf32>
        %swap3A_518 = arith.index_cast %add3A_508 : i32 to index
        %swap3A_519 = tpu.vector_load %arg13[%swap3A_518] masked %le3A_517 {strides = array<i32>} : memref<1088xf32, #tpu.memory_space<vmem>>, vector<16xf32>, vector<16xi1>
        tpu.vector_store %arg13[%swap3A_518], %get3A_515 masked %le3A_517 {strides = array<i32>} : memref<1088xf32, #tpu.memory_space<vmem>>, vector<16xf32>, vector<16xi1>
        %add3A_520 = arith.constant 352 : i32
        %add3A_521 = vector.broadcast %add3A_520 : i32 to vector<16xi32>
        %add3A_522 = arith.addi %iota3A, %add3A_521 : vector<16xi32>
        %swap3A_523 = arith.index_cast %add3A_508 : i32 to index
        %swap3A_524 = tpu.vector_load %arg14[%swap3A_523] masked %le3A_517 {strides = array<i32>} : memref<1088xi32, #tpu.memory_space<vmem>>, vector<16xi32>, vector<16xi1>
        tpu.vector_store %arg14[%swap3A_523], %add3A_522 masked %le3A_517 {strides = array<i32>} : memref<1088xi32, #tpu.memory_space<vmem>>, vector<16xi32>, vector<16xi1>
        %all_reduce_population_count3A_525 = tpu.all_reduce %le3A_517 {dim = 0 : i64, kind = #tpu.reduction_kind<sum>} : vector<16xi1> -> vector<16xi32>
        %slice3A_526 = vector.extract_strided_slice %all_reduce_population_count3A_525 {offsets = [0], sizes = [1], strides = [1]} : vector<16xi32> to vector<1xi32>
        %squeeze3A_527 = vector.extract %slice3A_526[0] : i32 from vector<1xi32>
        %add3A_528 = arith.addi %add3A_508, %squeeze3A_527 : i32
        %mul3A_529 = arith.constant 8 : i32
        %mul3A_530 = arith.muli %scan3A_62, %mul3A_529 : i32
        %add3A_531 = arith.constant 2 : i32
        %add3A_532 = arith.addi %mul3A_530, %add3A_531 : i32
        %get3A_533 = arith.index_cast %add3A_532 : i32 to index
        %get3A_534 = arith.constant 112 : index
        %get3A_535 = tpu.vector_load %arg12[%get3A_533, %get3A_534] {strides = array<i32>} : memref<128x128xf32, #tpu.memory_space<vmem>>, vector<16xf32>,
        %le3A_536 = vector.broadcast %squeeze3A : f32 to vector<16xf32>
        %le3A_537 = arith.cmpf ole, %get3A_535, %le3A_536 : vector<16xf32>
        %swap3A_538 = arith.index_cast %add3A_528 : i32 to index
        %swap3A_539 = tpu.vector_load %arg13[%swap3A_538] masked %le3A_537 {strides = array<i32>} : memref<1088xf32, #tpu.memory_space<vmem>>, vector<16xf32>, vector<16xi1>
        tpu.vector_store %arg13[%swap3A_538], %get3A_535 masked %le3A_537 {strides = array<i32>} : memref<1088xf32, #tpu.memory_space<vmem>>, vector<16xf32>, vector<16xi1>
        %add3A_540 = arith.constant 368 : i32
        %add3A_541 = vector.broadcast %add3A_540 : i32 to vector<16xi32>
        %add3A_542 = arith.addi %iota3A, %add3A_541 : vector<16xi32>
        %swap3A_543 = arith.index_cast %add3A_528 : i32 to index
        %swap3A_544 = tpu.vector_load %arg14[%swap3A_543] masked %le3A_537 {strides = array<i32>} : memref<1088xi32, #tpu.memory_space<vmem>>, vector<16xi32>, vector<16xi1>
        tpu.vector_store %arg14[%swap3A_543], %add3A_542 masked %le3A_537 {strides = array<i32>} : memref<1088xi32, #tpu.memory_space<vmem>>, vector<16xi32>, vector<16xi1>
        %all_reduce_population_count3A_545 = tpu.all_reduce %le3A_537 {dim = 0 : i64, kind = #tpu.reduction_kind<sum>} : vector<16xi1> -> vector<16xi32>
        %slice3A_546 = vector.extract_strided_slice %all_reduce_population_count3A_545 {offsets = [0], sizes = [1], strides = [1]} : vector<16xi32> to vector<1xi32>
        %squeeze3A_547 = vector.extract %slice3A_546[0] : i32 from vector<1xi32>
        %add3A_548 = arith.addi %add3A_528, %squeeze3A_547 : i32
        %mul3A_549 = arith.constant 8 : i32
        %mul3A_550 = arith.muli %scan3A_62, %mul3A_549 : i32
        %add3A_551 = arith.constant 3 : i32
        %add3A_552 = arith.addi %mul3A_550, %add3A_551 : i32
        %get3A_553 = arith.index_cast %add3A_552 : i32 to index
        %get3A_554 = arith.constant 0 : index
        %get3A_555 = tpu.vector_load %arg12[%get3A_553, %get3A_554] {strides = array<i32>} : memref<128x128xf32, #tpu.memory_space<vmem>>, vector<16xf32>,
        %le3A_556 = vector.broadcast %squeeze3A : f32 to vector<16xf32>
        %le3A_557 = arith.cmpf ole, %get3A_555, %le3A_556 : vector<16xf32>
        %swap3A_558 = arith.index_cast %add3A_548 : i32 to index
        %swap3A_559 = tpu.vector_load %arg13[%swap3A_558] masked %le3A_557 {strides = array<i32>} : memref<1088xf32, #tpu.memory_space<vmem>>, vector<16xf32>, vector<16xi1>
        tpu.vector_store %arg13[%swap3A_558], %get3A_555 masked %le3A_557 {strides = array<i32>} : memref<1088xf32, #tpu.memory_space<vmem>>, vector<16xf32>, vector<16xi1>
        %add3A_560 = arith.constant 384 : i32
        %add3A_561 = vector.broadcast %add3A_560 : i32 to vector<16xi32>
        %add3A_562 = arith.addi %iota3A, %add3A_561 : vector<16xi32>
        %swap3A_563 = arith.index_cast %add3A_548 : i32 to index
        %swap3A_564 = tpu.vector_load %arg14[%swap3A_563] masked %le3A_557 {strides = array<i32>} : memref<1088xi32, #tpu.memory_space<vmem>>, vector<16xi32>, vector<16xi1>
        tpu.vector_store %arg14[%swap3A_563], %add3A_562 masked %le3A_557 {strides = array<i32>} : memref<1088xi32, #tpu.memory_space<vmem>>, vector<16xi32>, vector<16xi1>
        %all_reduce_population_count3A_565 = tpu.all_reduce %le3A_557 {dim = 0 : i64, kind = #tpu.reduction_kind<sum>} : vector<16xi1> -> vector<16xi32>
        %slice3A_566 = vector.extract_strided_slice %all_reduce_population_count3A_565 {offsets = [0], sizes = [1], strides = [1]} : vector<16xi32> to vector<1xi32>
        %squeeze3A_567 = vector.extract %slice3A_566[0] : i32 from vector<1xi32>
        %add3A_568 = arith.addi %add3A_548, %squeeze3A_567 : i32
        %mul3A_569 = arith.constant 8 : i32
        %mul3A_570 = arith.muli %scan3A_62, %mul3A_569 : i32
        %add3A_571 = arith.constant 3 : i32
        %add3A_572 = arith.addi %mul3A_570, %add3A_571 : i32
        %get3A_573 = arith.index_cast %add3A_572 : i32 to index
        %get3A_574 = arith.constant 16 : index
        %get3A_575 = tpu.vector_load %arg12[%get3A_573, %get3A_574] {strides = array<i32>} : memref<128x128xf32, #tpu.memory_space<vmem>>, vector<16xf32>,
        %le3A_576 = vector.broadcast %squeeze3A : f32 to vector<16xf32>
        %le3A_577 = arith.cmpf ole, %get3A_575, %le3A_576 : vector<16xf32>
        %swap3A_578 = arith.index_cast %add3A_568 : i32 to index
        %swap3A_579 = tpu.vector_load %arg13[%swap3A_578] masked %le3A_577 {strides = array<i32>} : memref<1088xf32, #tpu.memory_space<vmem>>, vector<16xf32>, vector<16xi1>
        tpu.vector_store %arg13[%swap3A_578], %get3A_575 masked %le3A_577 {strides = array<i32>} : memref<1088xf32, #tpu.memory_space<vmem>>, vector<16xf32>, vector<16xi1>
        %add3A_580 = arith.constant 400 : i32
        %add3A_581 = vector.broadcast %add3A_580 : i32 to vector<16xi32>
        %add3A_582 = arith.addi %iota3A, %add3A_581 : vector<16xi32>
        %swap3A_583 = arith.index_cast %add3A_568 : i32 to index
        %swap3A_584 = tpu.vector_load %arg14[%swap3A_583] masked %le3A_577 {strides = array<i32>} : memref<1088xi32, #tpu.memory_space<vmem>>, vector<16xi32>, vector<16xi1>
        tpu.vector_store %arg14[%swap3A_583], %add3A_582 masked %le3A_577 {strides = array<i32>} : memref<1088xi32, #tpu.memory_space<vmem>>, vector<16xi32>, vector<16xi1>
        %all_reduce_population_count3A_585 = tpu.all_reduce %le3A_577 {dim = 0 : i64, kind = #tpu.reduction_kind<sum>} : vector<16xi1> -> vector<16xi32>
        %slice3A_586 = vector.extract_strided_slice %all_reduce_population_count3A_585 {offsets = [0], sizes = [1], strides = [1]} : vector<16xi32> to vector<1xi32>
        %squeeze3A_587 = vector.extract %slice3A_586[0] : i32 from vector<1xi32>
        %add3A_588 = arith.addi %add3A_568, %squeeze3A_587 : i32
        %mul3A_589 = arith.constant 8 : i32
        %mul3A_590 = arith.muli %scan3A_62, %mul3A_589 : i32
        %add3A_591 = arith.constant 3 : i32
        %add3A_592 = arith.addi %mul3A_590, %add3A_591 : i32
        %get3A_593 = arith.index_cast %add3A_592 : i32 to index
        %get3A_594 = arith.constant 32 : index
        %get3A_595 = tpu.vector_load %arg12[%get3A_593, %get3A_594] {strides = array<i32>} : memref<128x128xf32, #tpu.memory_space<vmem>>, vector<16xf32>,
        %le3A_596 = vector.broadcast %squeeze3A : f32 to vector<16xf32>
        %le3A_597 = arith.cmpf ole, %get3A_595, %le3A_596 : vector<16xf32>
        %swap3A_598 = arith.index_cast %add3A_588 : i32 to index
        %swap3A_599 = tpu.vector_load %arg13[%swap3A_598] masked %le3A_597 {strides = array<i32>} : memref<1088xf32, #tpu.memory_space<vmem>>, vector<16xf32>, vector<16xi1>
        tpu.vector_store %arg13[%swap3A_598], %get3A_595 masked %le3A_597 {strides = array<i32>} : memref<1088xf32, #tpu.memory_space<vmem>>, vector<16xf32>, vector<16xi1>
        %add3A_600 = arith.constant 416 : i32
        %add3A_601 = vector.broadcast %add3A_600 : i32 to vector<16xi32>
        %add3A_602 = arith.addi %iota3A, %add3A_601 : vector<16xi32>
        %swap3A_603 = arith.index_cast %add3A_588 : i32 to index
        %swap3A_604 = tpu.vector_load %arg14[%swap3A_603] masked %le3A_597 {strides = array<i32>} : memref<1088xi32, #tpu.memory_space<vmem>>, vector<16xi32>, vector<16xi1>
        tpu.vector_store %arg14[%swap3A_603], %add3A_602 masked %le3A_597 {strides = array<i32>} : memref<1088xi32, #tpu.memory_space<vmem>>, vector<16xi32>, vector<16xi1>
        %all_reduce_population_count3A_605 = tpu.all_reduce %le3A_597 {dim = 0 : i64, kind = #tpu.reduction_kind<sum>} : vector<16xi1> -> vector<16xi32>
        %slice3A_606 = vector.extract_strided_slice %all_reduce_population_count3A_605 {offsets = [0], sizes = [1], strides = [1]} : vector<16xi32> to vector<1xi32>
        %squeeze3A_607 = vector.extract %slice3A_606[0] : i32 from vector<1xi32>
        %add3A_608 = arith.addi %add3A_588, %squeeze3A_607 : i32
        %mul3A_609 = arith.constant 8 : i32
        %mul3A_610 = arith.muli %scan3A_62, %mul3A_609 : i32
        %add3A_611 = arith.constant 3 : i32
        %add3A_612 = arith.addi %mul3A_610, %add3A_611 : i32
        %get3A_613 = arith.index_cast %add3A_612 : i32 to index
        %get3A_614 = arith.constant 48 : index
        %get3A_615 = tpu.vector_load %arg12[%get3A_613, %get3A_614] {strides = array<i32>} : memref<128x128xf32, #tpu.memory_space<vmem>>, vector<16xf32>,
        %le3A_616 = vector.broadcast %squeeze3A : f32 to vector<16xf32>
        %le3A_617 = arith.cmpf ole, %get3A_615, %le3A_616 : vector<16xf32>
        %swap3A_618 = arith.index_cast %add3A_608 : i32 to index
        %swap3A_619 = tpu.vector_load %arg13[%swap3A_618] masked %le3A_617 {strides = array<i32>} : memref<1088xf32, #tpu.memory_space<vmem>>, vector<16xf32>, vector<16xi1>
        tpu.vector_store %arg13[%swap3A_618], %get3A_615 masked %le3A_617 {strides = array<i32>} : memref<1088xf32, #tpu.memory_space<vmem>>, vector<16xf32>, vector<16xi1>
        %add3A_620 = arith.constant 432 : i32
        %add3A_621 = vector.broadcast %add3A_620 : i32 to vector<16xi32>
        %add3A_622 = arith.addi %iota3A, %add3A_621 : vector<16xi32>
        %swap3A_623 = arith.index_cast %add3A_608 : i32 to index
        %swap3A_624 = tpu.vector_load %arg14[%swap3A_623] masked %le3A_617 {strides = array<i32>} : memref<1088xi32, #tpu.memory_space<vmem>>, vector<16xi32>, vector<16xi1>
        tpu.vector_store %arg14[%swap3A_623], %add3A_622 masked %le3A_617 {strides = array<i32>} : memref<1088xi32, #tpu.memory_space<vmem>>, vector<16xi32>, vector<16xi1>
        %all_reduce_population_count3A_625 = tpu.all_reduce %le3A_617 {dim = 0 : i64, kind = #tpu.reduction_kind<sum>} : vector<16xi1> -> vector<16xi32>
        %slice3A_626 = vector.extract_strided_slice %all_reduce_population_count3A_625 {offsets = [0], sizes = [1], strides = [1]} : vector<16xi32> to vector<1xi32>
        %squeeze3A_627 = vector.extract %slice3A_626[0] : i32 from vector<1xi32>
        %add3A_628 = arith.addi %add3A_608, %squeeze3A_627 : i32
        %mul3A_629 = arith.constant 8 : i32
        %mul3A_630 = arith.muli %scan3A_62, %mul3A_629 : i32
        %add3A_631 = arith.constant 3 : i32
        %add3A_632 = arith.addi %mul3A_630, %add3A_631 : i32
        %get3A_633 = arith.index_cast %add3A_632 : i32 to index
        %get3A_634 = arith.constant 64 : index
        %get3A_635 = tpu.vector_load %arg12[%get3A_633, %get3A_634] {strides = array<i32>} : memref<128x128xf32, #tpu.memory_space<vmem>>, vector<16xf32>,
        %le3A_636 = vector.broadcast %squeeze3A : f32 to vector<16xf32>
        %le3A_637 = arith.cmpf ole, %get3A_635, %le3A_636 : vector<16xf32>
        %swap3A_638 = arith.index_cast %add3A_628 : i32 to index
        %swap3A_639 = tpu.vector_load %arg13[%swap3A_638] masked %le3A_637 {strides = array<i32>} : memref<1088xf32, #tpu.memory_space<vmem>>, vector<16xf32>, vector<16xi1>
        tpu.vector_store %arg13[%swap3A_638], %get3A_635 masked %le3A_637 {strides = array<i32>} : memref<1088xf32, #tpu.memory_space<vmem>>, vector<16xf32>, vector<16xi1>
        %add3A_640 = arith.constant 448 : i32
        %add3A_641 = vector.broadcast %add3A_640 : i32 to vector<16xi32>
        %add3A_642 = arith.addi %iota3A, %add3A_641 : vector<16xi32>
        %swap3A_643 = arith.index_cast %add3A_628 : i32 to index
        %swap3A_644 = tpu.vector_load %arg14[%swap3A_643] masked %le3A_637 {strides = array<i32>} : memref<1088xi32, #tpu.memory_space<vmem>>, vector<16xi32>, vector<16xi1>
        tpu.vector_store %arg14[%swap3A_643], %add3A_642 masked %le3A_637 {strides = array<i32>} : memref<1088xi32, #tpu.memory_space<vmem>>, vector<16xi32>, vector<16xi1>
        %all_reduce_population_count3A_645 = tpu.all_reduce %le3A_637 {dim = 0 : i64, kind = #tpu.reduction_kind<sum>} : vector<16xi1> -> vector<16xi32>
        %slice3A_646 = vector.extract_strided_slice %all_reduce_population_count3A_645 {offsets = [0], sizes = [1], strides = [1]} : vector<16xi32> to vector<1xi32>
        %squeeze3A_647 = vector.extract %slice3A_646[0] : i32 from vector<1xi32>
        %add3A_648 = arith.addi %add3A_628, %squeeze3A_647 : i32
        %mul3A_649 = arith.constant 8 : i32
        %mul3A_650 = arith.muli %scan3A_62, %mul3A_649 : i32
        %add3A_651 = arith.constant 3 : i32
        %add3A_652 = arith.addi %mul3A_650, %add3A_651 : i32
        %get3A_653 = arith.index_cast %add3A_652 : i32 to index
        %get3A_654 = arith.constant 80 : index
        %get3A_655 = tpu.vector_load %arg12[%get3A_653, %get3A_654] {strides = array<i32>} : memref<128x128xf32, #tpu.memory_space<vmem>>, vector<16xf32>,
        %le3A_656 = vector.broadcast %squeeze3A : f32 to vector<16xf32>
        %le3A_657 = arith.cmpf ole, %get3A_655, %le3A_656 : vector<16xf32>
        %swap3A_658 = arith.index_cast %add3A_648 : i32 to index
        %swap3A_659 = tpu.vector_load %arg13[%swap3A_658] masked %le3A_657 {strides = array<i32>} : memref<1088xf32, #tpu.memory_space<vmem>>, vector<16xf32>, vector<16xi1>
        tpu.vector_store %arg13[%swap3A_658], %get3A_655 masked %le3A_657 {strides = array<i32>} : memref<1088xf32, #tpu.memory_space<vmem>>, vector<16xf32>, vector<16xi1>
        %add3A_660 = arith.constant 464 : i32
        %add3A_661 = vector.broadcast %add3A_660 : i32 to vector<16xi32>
        %add3A_662 = arith.addi %iota3A, %add3A_661 : vector<16xi32>
        %swap3A_663 = arith.index_cast %add3A_648 : i32 to index
        %swap3A_664 = tpu.vector_load %arg14[%swap3A_663] masked %le3A_657 {strides = array<i32>} : memref<1088xi32, #tpu.memory_space<vmem>>, vector<16xi32>, vector<16xi1>
        tpu.vector_store %arg14[%swap3A_663], %add3A_662 masked %le3A_657 {strides = array<i32>} : memref<1088xi32, #tpu.memory_space<vmem>>, vector<16xi32>, vector<16xi1>
        %all_reduce_population_count3A_665 = tpu.all_reduce %le3A_657 {dim = 0 : i64, kind = #tpu.reduction_kind<sum>} : vector<16xi1> -> vector<16xi32>
        %slice3A_666 = vector.extract_strided_slice %all_reduce_population_count3A_665 {offsets = [0], sizes = [1], strides = [1]} : vector<16xi32> to vector<1xi32>
        %squeeze3A_667 = vector.extract %slice3A_666[0] : i32 from vector<1xi32>
        %add3A_668 = arith.addi %add3A_648, %squeeze3A_667 : i32
        %mul3A_669 = arith.constant 8 : i32
        %mul3A_670 = arith.muli %scan3A_62, %mul3A_669 : i32
        %add3A_671 = arith.constant 3 : i32
        %add3A_672 = arith.addi %mul3A_670, %add3A_671 : i32
        %get3A_673 = arith.index_cast %add3A_672 : i32 to index
        %get3A_674 = arith.constant 96 : index
        %get3A_675 = tpu.vector_load %arg12[%get3A_673, %get3A_674] {strides = array<i32>} : memref<128x128xf32, #tpu.memory_space<vmem>>, vector<16xf32>,
        %le3A_676 = vector.broadcast %squeeze3A : f32 to vector<16xf32>
        %le3A_677 = arith.cmpf ole, %get3A_675, %le3A_676 : vector<16xf32>
        %swap3A_678 = arith.index_cast %add3A_668 : i32 to index
        %swap3A_679 = tpu.vector_load %arg13[%swap3A_678] masked %le3A_677 {strides = array<i32>} : memref<1088xf32, #tpu.memory_space<vmem>>, vector<16xf32>, vector<16xi1>
        tpu.vector_store %arg13[%swap3A_678], %get3A_675 masked %le3A_677 {strides = array<i32>} : memref<1088xf32, #tpu.memory_space<vmem>>, vector<16xf32>, vector<16xi1>
        %add3A_680 = arith.constant 480 : i32
        %add3A_681 = vector.broadcast %add3A_680 : i32 to vector<16xi32>
        %add3A_682 = arith.addi %iota3A, %add3A_681 : vector<16xi32>
        %swap3A_683 = arith.index_cast %add3A_668 : i32 to index
        %swap3A_684 = tpu.vector_load %arg14[%swap3A_683] masked %le3A_677 {strides = array<i32>} : memref<1088xi32, #tpu.memory_space<vmem>>, vector<16xi32>, vector<16xi1>
        tpu.vector_store %arg14[%swap3A_683], %add3A_682 masked %le3A_677 {strides = array<i32>} : memref<1088xi32, #tpu.memory_space<vmem>>, vector<16xi32>, vector<16xi1>
        %all_reduce_population_count3A_685 = tpu.all_reduce %le3A_677 {dim = 0 : i64, kind = #tpu.reduction_kind<sum>} : vector<16xi1> -> vector<16xi32>
        %slice3A_686 = vector.extract_strided_slice %all_reduce_population_count3A_685 {offsets = [0], sizes = [1], strides = [1]} : vector<16xi32> to vector<1xi32>
        %squeeze3A_687 = vector.extract %slice3A_686[0] : i32 from vector<1xi32>
        %add3A_688 = arith.addi %add3A_668, %squeeze3A_687 : i32
        %mul3A_689 = arith.constant 8 : i32
        %mul3A_690 = arith.muli %scan3A_62, %mul3A_689 : i32
        %add3A_691 = arith.constant 3 : i32
        %add3A_692 = arith.addi %mul3A_690, %add3A_691 : i32
        %get3A_693 = arith.index_cast %add3A_692 : i32 to index
        %get3A_694 = arith.constant 112 : index
        %get3A_695 = tpu.vector_load %arg12[%get3A_693, %get3A_694] {strides = array<i32>} : memref<128x128xf32, #tpu.memory_space<vmem>>, vector<16xf32>,
        %le3A_696 = vector.broadcast %squeeze3A : f32 to vector<16xf32>
        %le3A_697 = arith.cmpf ole, %get3A_695, %le3A_696 : vector<16xf32>
        %swap3A_698 = arith.index_cast %add3A_688 : i32 to index
        %swap3A_699 = tpu.vector_load %arg13[%swap3A_698] masked %le3A_697 {strides = array<i32>} : memref<1088xf32, #tpu.memory_space<vmem>>, vector<16xf32>, vector<16xi1>
        tpu.vector_store %arg13[%swap3A_698], %get3A_695 masked %le3A_697 {strides = array<i32>} : memref<1088xf32, #tpu.memory_space<vmem>>, vector<16xf32>, vector<16xi1>
        %add3A_700 = arith.constant 496 : i32
        %add3A_701 = vector.broadcast %add3A_700 : i32 to vector<16xi32>
        %add3A_702 = arith.addi %iota3A, %add3A_701 : vector<16xi32>
        %swap3A_703 = arith.index_cast %add3A_688 : i32 to index
        %swap3A_704 = tpu.vector_load %arg14[%swap3A_703] masked %le3A_697 {strides = array<i32>} : memref<1088xi32, #tpu.memory_space<vmem>>, vector<16xi32>, vector<16xi1>
        tpu.vector_store %arg14[%swap3A_703], %add3A_702 masked %le3A_697 {strides = array<i32>} : memref<1088xi32, #tpu.memory_space<vmem>>, vector<16xi32>, vector<16xi1>
        %all_reduce_population_count3A_705 = tpu.all_reduce %le3A_697 {dim = 0 : i64, kind = #tpu.reduction_kind<sum>} : vector<16xi1> -> vector<16xi32>
        %slice3A_706 = vector.extract_strided_slice %all_reduce_population_count3A_705 {offsets = [0], sizes = [1], strides = [1]} : vector<16xi32> to vector<1xi32>
        %squeeze3A_707 = vector.extract %slice3A_706[0] : i32 from vector<1xi32>
        %add3A_708 = arith.addi %add3A_688, %squeeze3A_707 : i32
        %mul3A_709 = arith.constant 8 : i32
        %mul3A_710 = arith.muli %scan3A_62, %mul3A_709 : i32
        %add3A_711 = arith.constant 4 : i32
        %add3A_712 = arith.addi %mul3A_710, %add3A_711 : i32
        %get3A_713 = arith.index_cast %add3A_712 : i32 to index
        %get3A_714 = arith.constant 0 : index
        %get3A_715 = tpu.vector_load %arg12[%get3A_713, %get3A_714] {strides = array<i32>} : memref<128x128xf32, #tpu.memory_space<vmem>>, vector<16xf32>,
        %le3A_716 = vector.broadcast %squeeze3A : f32 to vector<16xf32>
        %le3A_717 = arith.cmpf ole, %get3A_715, %le3A_716 : vector<16xf32>
        %swap3A_718 = arith.index_cast %add3A_708 : i32 to index
        %swap3A_719 = tpu.vector_load %arg13[%swap3A_718] masked %le3A_717 {strides = array<i32>} : memref<1088xf32, #tpu.memory_space<vmem>>, vector<16xf32>, vector<16xi1>
        tpu.vector_store %arg13[%swap3A_718], %get3A_715 masked %le3A_717 {strides = array<i32>} : memref<1088xf32, #tpu.memory_space<vmem>>, vector<16xf32>, vector<16xi1>
        %add3A_720 = arith.constant 512 : i32
        %add3A_721 = vector.broadcast %add3A_720 : i32 to vector<16xi32>
        %add3A_722 = arith.addi %iota3A, %add3A_721 : vector<16xi32>
        %swap3A_723 = arith.index_cast %add3A_708 : i32 to index
        %swap3A_724 = tpu.vector_load %arg14[%swap3A_723] masked %le3A_717 {strides = array<i32>} : memref<1088xi32, #tpu.memory_space<vmem>>, vector<16xi32>, vector<16xi1>
        tpu.vector_store %arg14[%swap3A_723], %add3A_722 masked %le3A_717 {strides = array<i32>} : memref<1088xi32, #tpu.memory_space<vmem>>, vector<16xi32>, vector<16xi1>
        %all_reduce_population_count3A_725 = tpu.all_reduce %le3A_717 {dim = 0 : i64, kind = #tpu.reduction_kind<sum>} : vector<16xi1> -> vector<16xi32>
        %slice3A_726 = vector.extract_strided_slice %all_reduce_population_count3A_725 {offsets = [0], sizes = [1], strides = [1]} : vector<16xi32> to vector<1xi32>
        %squeeze3A_727 = vector.extract %slice3A_726[0] : i32 from vector<1xi32>
        %add3A_728 = arith.addi %add3A_708, %squeeze3A_727 : i32
        %mul3A_729 = arith.constant 8 : i32
        %mul3A_730 = arith.muli %scan3A_62, %mul3A_729 : i32
        %add3A_731 = arith.constant 4 : i32
        %add3A_732 = arith.addi %mul3A_730, %add3A_731 : i32
        %get3A_733 = arith.index_cast %add3A_732 : i32 to index
        %get3A_734 = arith.constant 16 : index
        %get3A_735 = tpu.vector_load %arg12[%get3A_733, %get3A_734] {strides = array<i32>} : memref<128x128xf32, #tpu.memory_space<vmem>>, vector<16xf32>,
        %le3A_736 = vector.broadcast %squeeze3A : f32 to vector<16xf32>
        %le3A_737 = arith.cmpf ole, %get3A_735, %le3A_736 : vector<16xf32>
        %swap3A_738 = arith.index_cast %add3A_728 : i32 to index
        %swap3A_739 = tpu.vector_load %arg13[%swap3A_738] masked %le3A_737 {strides = array<i32>} : memref<1088xf32, #tpu.memory_space<vmem>>, vector<16xf32>, vector<16xi1>
        tpu.vector_store %arg13[%swap3A_738], %get3A_735 masked %le3A_737 {strides = array<i32>} : memref<1088xf32, #tpu.memory_space<vmem>>, vector<16xf32>, vector<16xi1>
        %add3A_740 = arith.constant 528 : i32
        %add3A_741 = vector.broadcast %add3A_740 : i32 to vector<16xi32>
        %add3A_742 = arith.addi %iota3A, %add3A_741 : vector<16xi32>
        %swap3A_743 = arith.index_cast %add3A_728 : i32 to index
        %swap3A_744 = tpu.vector_load %arg14[%swap3A_743] masked %le3A_737 {strides = array<i32>} : memref<1088xi32, #tpu.memory_space<vmem>>, vector<16xi32>, vector<16xi1>
        tpu.vector_store %arg14[%swap3A_743], %add3A_742 masked %le3A_737 {strides = array<i32>} : memref<1088xi32, #tpu.memory_space<vmem>>, vector<16xi32>, vector<16xi1>
        %all_reduce_population_count3A_745 = tpu.all_reduce %le3A_737 {dim = 0 : i64, kind = #tpu.reduction_kind<sum>} : vector<16xi1> -> vector<16xi32>
        %slice3A_746 = vector.extract_strided_slice %all_reduce_population_count3A_745 {offsets = [0], sizes = [1], strides = [1]} : vector<16xi32> to vector<1xi32>
        %squeeze3A_747 = vector.extract %slice3A_746[0] : i32 from vector<1xi32>
        %add3A_748 = arith.addi %add3A_728, %squeeze3A_747 : i32
        %mul3A_749 = arith.constant 8 : i32
        %mul3A_750 = arith.muli %scan3A_62, %mul3A_749 : i32
        %add3A_751 = arith.constant 4 : i32
        %add3A_752 = arith.addi %mul3A_750, %add3A_751 : i32
        %get3A_753 = arith.index_cast %add3A_752 : i32 to index
        %get3A_754 = arith.constant 32 : index
        %get3A_755 = tpu.vector_load %arg12[%get3A_753, %get3A_754] {strides = array<i32>} : memref<128x128xf32, #tpu.memory_space<vmem>>, vector<16xf32>,
        %le3A_756 = vector.broadcast %squeeze3A : f32 to vector<16xf32>
        %le3A_757 = arith.cmpf ole, %get3A_755, %le3A_756 : vector<16xf32>
        %swap3A_758 = arith.index_cast %add3A_748 : i32 to index
        %swap3A_759 = tpu.vector_load %arg13[%swap3A_758] masked %le3A_757 {strides = array<i32>} : memref<1088xf32, #tpu.memory_space<vmem>>, vector<16xf32>, vector<16xi1>
        tpu.vector_store %arg13[%swap3A_758], %get3A_755 masked %le3A_757 {strides = array<i32>} : memref<1088xf32, #tpu.memory_space<vmem>>, vector<16xf32>, vector<16xi1>
        %add3A_760 = arith.constant 544 : i32
        %add3A_761 = vector.broadcast %add3A_760 : i32 to vector<16xi32>
        %add3A_762 = arith.addi %iota3A, %add3A_761 : vector<16xi32>
        %swap3A_763 = arith.index_cast %add3A_748 : i32 to index
        %swap3A_764 = tpu.vector_load %arg14[%swap3A_763] masked %le3A_757 {strides = array<i32>} : memref<1088xi32, #tpu.memory_space<vmem>>, vector<16xi32>, vector<16xi1>
        tpu.vector_store %arg14[%swap3A_763], %add3A_762 masked %le3A_757 {strides = array<i32>} : memref<1088xi32, #tpu.memory_space<vmem>>, vector<16xi32>, vector<16xi1>
        %all_reduce_population_count3A_765 = tpu.all_reduce %le3A_757 {dim = 0 : i64, kind = #tpu.reduction_kind<sum>} : vector<16xi1> -> vector<16xi32>
        %slice3A_766 = vector.extract_strided_slice %all_reduce_population_count3A_765 {offsets = [0], sizes = [1], strides = [1]} : vector<16xi32> to vector<1xi32>
        %squeeze3A_767 = vector.extract %slice3A_766[0] : i32 from vector<1xi32>
        %add3A_768 = arith.addi %add3A_748, %squeeze3A_767 : i32
        %mul3A_769 = arith.constant 8 : i32
        %mul3A_770 = arith.muli %scan3A_62, %mul3A_769 : i32
        %add3A_771 = arith.constant 4 : i32
        %add3A_772 = arith.addi %mul3A_770, %add3A_771 : i32
        %get3A_773 = arith.index_cast %add3A_772 : i32 to index
        %get3A_774 = arith.constant 48 : index
        %get3A_775 = tpu.vector_load %arg12[%get3A_773, %get3A_774] {strides = array<i32>} : memref<128x128xf32, #tpu.memory_space<vmem>>, vector<16xf32>,
        %le3A_776 = vector.broadcast %squeeze3A : f32 to vector<16xf32>
        %le3A_777 = arith.cmpf ole, %get3A_775, %le3A_776 : vector<16xf32>
        %swap3A_778 = arith.index_cast %add3A_768 : i32 to index
        %swap3A_779 = tpu.vector_load %arg13[%swap3A_778] masked %le3A_777 {strides = array<i32>} : memref<1088xf32, #tpu.memory_space<vmem>>, vector<16xf32>, vector<16xi1>
        tpu.vector_store %arg13[%swap3A_778], %get3A_775 masked %le3A_777 {strides = array<i32>} : memref<1088xf32, #tpu.memory_space<vmem>>, vector<16xf32>, vector<16xi1>
        %add3A_780 = arith.constant 560 : i32
        %add3A_781 = vector.broadcast %add3A_780 : i32 to vector<16xi32>
        %add3A_782 = arith.addi %iota3A, %add3A_781 : vector<16xi32>
        %swap3A_783 = arith.index_cast %add3A_768 : i32 to index
        %swap3A_784 = tpu.vector_load %arg14[%swap3A_783] masked %le3A_777 {strides = array<i32>} : memref<1088xi32, #tpu.memory_space<vmem>>, vector<16xi32>, vector<16xi1>
        tpu.vector_store %arg14[%swap3A_783], %add3A_782 masked %le3A_777 {strides = array<i32>} : memref<1088xi32, #tpu.memory_space<vmem>>, vector<16xi32>, vector<16xi1>
        %all_reduce_population_count3A_785 = tpu.all_reduce %le3A_777 {dim = 0 : i64, kind = #tpu.reduction_kind<sum>} : vector<16xi1> -> vector<16xi32>
        %slice3A_786 = vector.extract_strided_slice %all_reduce_population_count3A_785 {offsets = [0], sizes = [1], strides = [1]} : vector<16xi32> to vector<1xi32>
        %squeeze3A_787 = vector.extract %slice3A_786[0] : i32 from vector<1xi32>
        %add3A_788 = arith.addi %add3A_768, %squeeze3A_787 : i32
        %mul3A_789 = arith.constant 8 : i32
        %mul3A_790 = arith.muli %scan3A_62, %mul3A_789 : i32
        %add3A_791 = arith.constant 4 : i32
        %add3A_792 = arith.addi %mul3A_790, %add3A_791 : i32
        %get3A_793 = arith.index_cast %add3A_792 : i32 to index
        %get3A_794 = arith.constant 64 : index
        %get3A_795 = tpu.vector_load %arg12[%get3A_793, %get3A_794] {strides = array<i32>} : memref<128x128xf32, #tpu.memory_space<vmem>>, vector<16xf32>,
        %le3A_796 = vector.broadcast %squeeze3A : f32 to vector<16xf32>
        %le3A_797 = arith.cmpf ole, %get3A_795, %le3A_796 : vector<16xf32>
        %swap3A_798 = arith.index_cast %add3A_788 : i32 to index
        %swap3A_799 = tpu.vector_load %arg13[%swap3A_798] masked %le3A_797 {strides = array<i32>} : memref<1088xf32, #tpu.memory_space<vmem>>, vector<16xf32>, vector<16xi1>
        tpu.vector_store %arg13[%swap3A_798], %get3A_795 masked %le3A_797 {strides = array<i32>} : memref<1088xf32, #tpu.memory_space<vmem>>, vector<16xf32>, vector<16xi1>
        %add3A_800 = arith.constant 576 : i32
        %add3A_801 = vector.broadcast %add3A_800 : i32 to vector<16xi32>
        %add3A_802 = arith.addi %iota3A, %add3A_801 : vector<16xi32>
        %swap3A_803 = arith.index_cast %add3A_788 : i32 to index
        %swap3A_804 = tpu.vector_load %arg14[%swap3A_803] masked %le3A_797 {strides = array<i32>} : memref<1088xi32, #tpu.memory_space<vmem>>, vector<16xi32>, vector<16xi1>
        tpu.vector_store %arg14[%swap3A_803], %add3A_802 masked %le3A_797 {strides = array<i32>} : memref<1088xi32, #tpu.memory_space<vmem>>, vector<16xi32>, vector<16xi1>
        %all_reduce_population_count3A_805 = tpu.all_reduce %le3A_797 {dim = 0 : i64, kind = #tpu.reduction_kind<sum>} : vector<16xi1> -> vector<16xi32>
        %slice3A_806 = vector.extract_strided_slice %all_reduce_population_count3A_805 {offsets = [0], sizes = [1], strides = [1]} : vector<16xi32> to vector<1xi32>
        %squeeze3A_807 = vector.extract %slice3A_806[0] : i32 from vector<1xi32>
        %add3A_808 = arith.addi %add3A_788, %squeeze3A_807 : i32
        %mul3A_809 = arith.constant 8 : i32
        %mul3A_810 = arith.muli %scan3A_62, %mul3A_809 : i32
        %add3A_811 = arith.constant 4 : i32
        %add3A_812 = arith.addi %mul3A_810, %add3A_811 : i32
        %get3A_813 = arith.index_cast %add3A_812 : i32 to index
        %get3A_814 = arith.constant 80 : index
        %get3A_815 = tpu.vector_load %arg12[%get3A_813, %get3A_814] {strides = array<i32>} : memref<128x128xf32, #tpu.memory_space<vmem>>, vector<16xf32>,
        %le3A_816 = vector.broadcast %squeeze3A : f32 to vector<16xf32>
        %le3A_817 = arith.cmpf ole, %get3A_815, %le3A_816 : vector<16xf32>
        %swap3A_818 = arith.index_cast %add3A_808 : i32 to index
        %swap3A_819 = tpu.vector_load %arg13[%swap3A_818] masked %le3A_817 {strides = array<i32>} : memref<1088xf32, #tpu.memory_space<vmem>>, vector<16xf32>, vector<16xi1>
        tpu.vector_store %arg13[%swap3A_818], %get3A_815 masked %le3A_817 {strides = array<i32>} : memref<1088xf32, #tpu.memory_space<vmem>>, vector<16xf32>, vector<16xi1>
        %add3A_820 = arith.constant 592 : i32
        %add3A_821 = vector.broadcast %add3A_820 : i32 to vector<16xi32>
        %add3A_822 = arith.addi %iota3A, %add3A_821 : vector<16xi32>
        %swap3A_823 = arith.index_cast %add3A_808 : i32 to index
        %swap3A_824 = tpu.vector_load %arg14[%swap3A_823] masked %le3A_817 {strides = array<i32>} : memref<1088xi32, #tpu.memory_space<vmem>>, vector<16xi32>, vector<16xi1>
        tpu.vector_store %arg14[%swap3A_823], %add3A_822 masked %le3A_817 {strides = array<i32>} : memref<1088xi32, #tpu.memory_space<vmem>>, vector<16xi32>, vector<16xi1>
        %all_reduce_population_count3A_825 = tpu.all_reduce %le3A_817 {dim = 0 : i64, kind = #tpu.reduction_kind<sum>} : vector<16xi1> -> vector<16xi32>
        %slice3A_826 = vector.extract_strided_slice %all_reduce_population_count3A_825 {offsets = [0], sizes = [1], strides = [1]} : vector<16xi32> to vector<1xi32>
        %squeeze3A_827 = vector.extract %slice3A_826[0] : i32 from vector<1xi32>
        %add3A_828 = arith.addi %add3A_808, %squeeze3A_827 : i32
        %mul3A_829 = arith.constant 8 : i32
        %mul3A_830 = arith.muli %scan3A_62, %mul3A_829 : i32
        %add3A_831 = arith.constant 4 : i32
        %add3A_832 = arith.addi %mul3A_830, %add3A_831 : i32
        %get3A_833 = arith.index_cast %add3A_832 : i32 to index
        %get3A_834 = arith.constant 96 : index
        %get3A_835 = tpu.vector_load %arg12[%get3A_833, %get3A_834] {strides = array<i32>} : memref<128x128xf32, #tpu.memory_space<vmem>>, vector<16xf32>,
        %le3A_836 = vector.broadcast %squeeze3A : f32 to vector<16xf32>
        %le3A_837 = arith.cmpf ole, %get3A_835, %le3A_836 : vector<16xf32>
        %swap3A_838 = arith.index_cast %add3A_828 : i32 to index
        %swap3A_839 = tpu.vector_load %arg13[%swap3A_838] masked %le3A_837 {strides = array<i32>} : memref<1088xf32, #tpu.memory_space<vmem>>, vector<16xf32>, vector<16xi1>
        tpu.vector_store %arg13[%swap3A_838], %get3A_835 masked %le3A_837 {strides = array<i32>} : memref<1088xf32, #tpu.memory_space<vmem>>, vector<16xf32>, vector<16xi1>
        %add3A_840 = arith.constant 608 : i32
        %add3A_841 = vector.broadcast %add3A_840 : i32 to vector<16xi32>
        %add3A_842 = arith.addi %iota3A, %add3A_841 : vector<16xi32>
        %swap3A_843 = arith.index_cast %add3A_828 : i32 to index
        %swap3A_844 = tpu.vector_load %arg14[%swap3A_843] masked %le3A_837 {strides = array<i32>} : memref<1088xi32, #tpu.memory_space<vmem>>, vector<16xi32>, vector<16xi1>
        tpu.vector_store %arg14[%swap3A_843], %add3A_842 masked %le3A_837 {strides = array<i32>} : memref<1088xi32, #tpu.memory_space<vmem>>, vector<16xi32>, vector<16xi1>
        %all_reduce_population_count3A_845 = tpu.all_reduce %le3A_837 {dim = 0 : i64, kind = #tpu.reduction_kind<sum>} : vector<16xi1> -> vector<16xi32>
        %slice3A_846 = vector.extract_strided_slice %all_reduce_population_count3A_845 {offsets = [0], sizes = [1], strides = [1]} : vector<16xi32> to vector<1xi32>
        %squeeze3A_847 = vector.extract %slice3A_846[0] : i32 from vector<1xi32>
        %add3A_848 = arith.addi %add3A_828, %squeeze3A_847 : i32
        %mul3A_849 = arith.constant 8 : i32
        %mul3A_850 = arith.muli %scan3A_62, %mul3A_849 : i32
        %add3A_851 = arith.constant 4 : i32
        %add3A_852 = arith.addi %mul3A_850, %add3A_851 : i32
        %get3A_853 = arith.index_cast %add3A_852 : i32 to index
        %get3A_854 = arith.constant 112 : index
        %get3A_855 = tpu.vector_load %arg12[%get3A_853, %get3A_854] {strides = array<i32>} : memref<128x128xf32, #tpu.memory_space<vmem>>, vector<16xf32>,
        %le3A_856 = vector.broadcast %squeeze3A : f32 to vector<16xf32>
        %le3A_857 = arith.cmpf ole, %get3A_855, %le3A_856 : vector<16xf32>
        %swap3A_858 = arith.index_cast %add3A_848 : i32 to index
        %swap3A_859 = tpu.vector_load %arg13[%swap3A_858] masked %le3A_857 {strides = array<i32>} : memref<1088xf32, #tpu.memory_space<vmem>>, vector<16xf32>, vector<16xi1>
        tpu.vector_store %arg13[%swap3A_858], %get3A_855 masked %le3A_857 {strides = array<i32>} : memref<1088xf32, #tpu.memory_space<vmem>>, vector<16xf32>, vector<16xi1>
        %add3A_860 = arith.constant 624 : i32
        %add3A_861 = vector.broadcast %add3A_860 : i32 to vector<16xi32>
        %add3A_862 = arith.addi %iota3A, %add3A_861 : vector<16xi32>
        %swap3A_863 = arith.index_cast %add3A_848 : i32 to index
        %swap3A_864 = tpu.vector_load %arg14[%swap3A_863] masked %le3A_857 {strides = array<i32>} : memref<1088xi32, #tpu.memory_space<vmem>>, vector<16xi32>, vector<16xi1>
        tpu.vector_store %arg14[%swap3A_863], %add3A_862 masked %le3A_857 {strides = array<i32>} : memref<1088xi32, #tpu.memory_space<vmem>>, vector<16xi32>, vector<16xi1>
        %all_reduce_population_count3A_865 = tpu.all_reduce %le3A_857 {dim = 0 : i64, kind = #tpu.reduction_kind<sum>} : vector<16xi1> -> vector<16xi32>
        %slice3A_866 = vector.extract_strided_slice %all_reduce_population_count3A_865 {offsets = [0], sizes = [1], strides = [1]} : vector<16xi32> to vector<1xi32>
        %squeeze3A_867 = vector.extract %slice3A_866[0] : i32 from vector<1xi32>
        %add3A_868 = arith.addi %add3A_848, %squeeze3A_867 : i32
        %mul3A_869 = arith.constant 8 : i32
        %mul3A_870 = arith.muli %scan3A_62, %mul3A_869 : i32
        %add3A_871 = arith.constant 5 : i32
        %add3A_872 = arith.addi %mul3A_870, %add3A_871 : i32
        %get3A_873 = arith.index_cast %add3A_872 : i32 to index
        %get3A_874 = arith.constant 0 : index
        %get3A_875 = tpu.vector_load %arg12[%get3A_873, %get3A_874] {strides = array<i32>} : memref<128x128xf32, #tpu.memory_space<vmem>>, vector<16xf32>,
        %le3A_876 = vector.broadcast %squeeze3A : f32 to vector<16xf32>
        %le3A_877 = arith.cmpf ole, %get3A_875, %le3A_876 : vector<16xf32>
        %swap3A_878 = arith.index_cast %add3A_868 : i32 to index
        %swap3A_879 = tpu.vector_load %arg13[%swap3A_878] masked %le3A_877 {strides = array<i32>} : memref<1088xf32, #tpu.memory_space<vmem>>, vector<16xf32>, vector<16xi1>
        tpu.vector_store %arg13[%swap3A_878], %get3A_875 masked %le3A_877 {strides = array<i32>} : memref<1088xf32, #tpu.memory_space<vmem>>, vector<16xf32>, vector<16xi1>
        %add3A_880 = arith.constant 640 : i32
        %add3A_881 = vector.broadcast %add3A_880 : i32 to vector<16xi32>
        %add3A_882 = arith.addi %iota3A, %add3A_881 : vector<16xi32>
        %swap3A_883 = arith.index_cast %add3A_868 : i32 to index
        %swap3A_884 = tpu.vector_load %arg14[%swap3A_883] masked %le3A_877 {strides = array<i32>} : memref<1088xi32, #tpu.memory_space<vmem>>, vector<16xi32>, vector<16xi1>
        tpu.vector_store %arg14[%swap3A_883], %add3A_882 masked %le3A_877 {strides = array<i32>} : memref<1088xi32, #tpu.memory_space<vmem>>, vector<16xi32>, vector<16xi1>
        %all_reduce_population_count3A_885 = tpu.all_reduce %le3A_877 {dim = 0 : i64, kind = #tpu.reduction_kind<sum>} : vector<16xi1> -> vector<16xi32>
        %slice3A_886 = vector.extract_strided_slice %all_reduce_population_count3A_885 {offsets = [0], sizes = [1], strides = [1]} : vector<16xi32> to vector<1xi32>
        %squeeze3A_887 = vector.extract %slice3A_886[0] : i32 from vector<1xi32>
        %add3A_888 = arith.addi %add3A_868, %squeeze3A_887 : i32
        %mul3A_889 = arith.constant 8 : i32
        %mul3A_890 = arith.muli %scan3A_62, %mul3A_889 : i32
        %add3A_891 = arith.constant 5 : i32
        %add3A_892 = arith.addi %mul3A_890, %add3A_891 : i32
        %get3A_893 = arith.index_cast %add3A_892 : i32 to index
        %get3A_894 = arith.constant 16 : index
        %get3A_895 = tpu.vector_load %arg12[%get3A_893, %get3A_894] {strides = array<i32>} : memref<128x128xf32, #tpu.memory_space<vmem>>, vector<16xf32>,
        %le3A_896 = vector.broadcast %squeeze3A : f32 to vector<16xf32>
        %le3A_897 = arith.cmpf ole, %get3A_895, %le3A_896 : vector<16xf32>
        %swap3A_898 = arith.index_cast %add3A_888 : i32 to index
        %swap3A_899 = tpu.vector_load %arg13[%swap3A_898] masked %le3A_897 {strides = array<i32>} : memref<1088xf32, #tpu.memory_space<vmem>>, vector<16xf32>, vector<16xi1>
        tpu.vector_store %arg13[%swap3A_898], %get3A_895 masked %le3A_897 {strides = array<i32>} : memref<1088xf32, #tpu.memory_space<vmem>>, vector<16xf32>, vector<16xi1>
        %add3A_900 = arith.constant 656 : i32
        %add3A_901 = vector.broadcast %add3A_900 : i32 to vector<16xi32>
        %add3A_902 = arith.addi %iota3A, %add3A_901 : vector<16xi32>
        %swap3A_903 = arith.index_cast %add3A_888 : i32 to index
        %swap3A_904 = tpu.vector_load %arg14[%swap3A_903] masked %le3A_897 {strides = array<i32>} : memref<1088xi32, #tpu.memory_space<vmem>>, vector<16xi32>, vector<16xi1>
        tpu.vector_store %arg14[%swap3A_903], %add3A_902 masked %le3A_897 {strides = array<i32>} : memref<1088xi32, #tpu.memory_space<vmem>>, vector<16xi32>, vector<16xi1>
        %all_reduce_population_count3A_905 = tpu.all_reduce %le3A_897 {dim = 0 : i64, kind = #tpu.reduction_kind<sum>} : vector<16xi1> -> vector<16xi32>
        %slice3A_906 = vector.extract_strided_slice %all_reduce_population_count3A_905 {offsets = [0], sizes = [1], strides = [1]} : vector<16xi32> to vector<1xi32>
        %squeeze3A_907 = vector.extract %slice3A_906[0] : i32 from vector<1xi32>
        %add3A_908 = arith.addi %add3A_888, %squeeze3A_907 : i32
        %mul3A_909 = arith.constant 8 : i32
        %mul3A_910 = arith.muli %scan3A_62, %mul3A_909 : i32
        %add3A_911 = arith.constant 5 : i32
        %add3A_912 = arith.addi %mul3A_910, %add3A_911 : i32
        %get3A_913 = arith.index_cast %add3A_912 : i32 to index
        %get3A_914 = arith.constant 32 : index
        %get3A_915 = tpu.vector_load %arg12[%get3A_913, %get3A_914] {strides = array<i32>} : memref<128x128xf32, #tpu.memory_space<vmem>>, vector<16xf32>,
        %le3A_916 = vector.broadcast %squeeze3A : f32 to vector<16xf32>
        %le3A_917 = arith.cmpf ole, %get3A_915, %le3A_916 : vector<16xf32>
        %swap3A_918 = arith.index_cast %add3A_908 : i32 to index
        %swap3A_919 = tpu.vector_load %arg13[%swap3A_918] masked %le3A_917 {strides = array<i32>} : memref<1088xf32, #tpu.memory_space<vmem>>, vector<16xf32>, vector<16xi1>
        tpu.vector_store %arg13[%swap3A_918], %get3A_915 masked %le3A_917 {strides = array<i32>} : memref<1088xf32, #tpu.memory_space<vmem>>, vector<16xf32>, vector<16xi1>
        %add3A_920 = arith.constant 672 : i32
        %add3A_921 = vector.broadcast %add3A_920 : i32 to vector<16xi32>
        %add3A_922 = arith.addi %iota3A, %add3A_921 : vector<16xi32>
        %swap3A_923 = arith.index_cast %add3A_908 : i32 to index
        %swap3A_924 = tpu.vector_load %arg14[%swap3A_923] masked %le3A_917 {strides = array<i32>} : memref<1088xi32, #tpu.memory_space<vmem>>, vector<16xi32>, vector<16xi1>
        tpu.vector_store %arg14[%swap3A_923], %add3A_922 masked %le3A_917 {strides = array<i32>} : memref<1088xi32, #tpu.memory_space<vmem>>, vector<16xi32>, vector<16xi1>
        %all_reduce_population_count3A_925 = tpu.all_reduce %le3A_917 {dim = 0 : i64, kind = #tpu.reduction_kind<sum>} : vector<16xi1> -> vector<16xi32>
        %slice3A_926 = vector.extract_strided_slice %all_reduce_population_count3A_925 {offsets = [0], sizes = [1], strides = [1]} : vector<16xi32> to vector<1xi32>
        %squeeze3A_927 = vector.extract %slice3A_926[0] : i32 from vector<1xi32>
        %add3A_928 = arith.addi %add3A_908, %squeeze3A_927 : i32
        %mul3A_929 = arith.constant 8 : i32
        %mul3A_930 = arith.muli %scan3A_62, %mul3A_929 : i32
        %add3A_931 = arith.constant 5 : i32
        %add3A_932 = arith.addi %mul3A_930, %add3A_931 : i32
        %get3A_933 = arith.index_cast %add3A_932 : i32 to index
        %get3A_934 = arith.constant 48 : index
        %get3A_935 = tpu.vector_load %arg12[%get3A_933, %get3A_934] {strides = array<i32>} : memref<128x128xf32, #tpu.memory_space<vmem>>, vector<16xf32>,
        %le3A_936 = vector.broadcast %squeeze3A : f32 to vector<16xf32>
        %le3A_937 = arith.cmpf ole, %get3A_935, %le3A_936 : vector<16xf32>
        %swap3A_938 = arith.index_cast %add3A_928 : i32 to index
        %swap3A_939 = tpu.vector_load %arg13[%swap3A_938] masked %le3A_937 {strides = array<i32>} : memref<1088xf32, #tpu.memory_space<vmem>>, vector<16xf32>, vector<16xi1>
        tpu.vector_store %arg13[%swap3A_938], %get3A_935 masked %le3A_937 {strides = array<i32>} : memref<1088xf32, #tpu.memory_space<vmem>>, vector<16xf32>, vector<16xi1>
        %add3A_940 = arith.constant 688 : i32
        %add3A_941 = vector.broadcast %add3A_940 : i32 to vector<16xi32>
        %add3A_942 = arith.addi %iota3A, %add3A_941 : vector<16xi32>
        %swap3A_943 = arith.index_cast %add3A_928 : i32 to index
        %swap3A_944 = tpu.vector_load %arg14[%swap3A_943] masked %le3A_937 {strides = array<i32>} : memref<1088xi32, #tpu.memory_space<vmem>>, vector<16xi32>, vector<16xi1>
        tpu.vector_store %arg14[%swap3A_943], %add3A_942 masked %le3A_937 {strides = array<i32>} : memref<1088xi32, #tpu.memory_space<vmem>>, vector<16xi32>, vector<16xi1>
        %all_reduce_population_count3A_945 = tpu.all_reduce %le3A_937 {dim = 0 : i64, kind = #tpu.reduction_kind<sum>} : vector<16xi1> -> vector<16xi32>
        %slice3A_946 = vector.extract_strided_slice %all_reduce_population_count3A_945 {offsets = [0], sizes = [1], strides = [1]} : vector<16xi32> to vector<1xi32>
        %squeeze3A_947 = vector.extract %slice3A_946[0] : i32 from vector<1xi32>
        %add3A_948 = arith.addi %add3A_928, %squeeze3A_947 : i32
        %mul3A_949 = arith.constant 8 : i32
        %mul3A_950 = arith.muli %scan3A_62, %mul3A_949 : i32
        %add3A_951 = arith.constant 5 : i32
        %add3A_952 = arith.addi %mul3A_950, %add3A_951 : i32
        %get3A_953 = arith.index_cast %add3A_952 : i32 to index
        %get3A_954 = arith.constant 64 : index
        %get3A_955 = tpu.vector_load %arg12[%get3A_953, %get3A_954] {strides = array<i32>} : memref<128x128xf32, #tpu.memory_space<vmem>>, vector<16xf32>,
        %le3A_956 = vector.broadcast %squeeze3A : f32 to vector<16xf32>
        %le3A_957 = arith.cmpf ole, %get3A_955, %le3A_956 : vector<16xf32>
        %swap3A_958 = arith.index_cast %add3A_948 : i32 to index
        %swap3A_959 = tpu.vector_load %arg13[%swap3A_958] masked %le3A_957 {strides = array<i32>} : memref<1088xf32, #tpu.memory_space<vmem>>, vector<16xf32>, vector<16xi1>
        tpu.vector_store %arg13[%swap3A_958], %get3A_955 masked %le3A_957 {strides = array<i32>} : memref<1088xf32, #tpu.memory_space<vmem>>, vector<16xf32>, vector<16xi1>
        %add3A_960 = arith.constant 704 : i32
        %add3A_961 = vector.broadcast %add3A_960 : i32 to vector<16xi32>
        %add3A_962 = arith.addi %iota3A, %add3A_961 : vector<16xi32>
        %swap3A_963 = arith.index_cast %add3A_948 : i32 to index
        %swap3A_964 = tpu.vector_load %arg14[%swap3A_963] masked %le3A_957 {strides = array<i32>} : memref<1088xi32, #tpu.memory_space<vmem>>, vector<16xi32>, vector<16xi1>
        tpu.vector_store %arg14[%swap3A_963], %add3A_962 masked %le3A_957 {strides = array<i32>} : memref<1088xi32, #tpu.memory_space<vmem>>, vector<16xi32>, vector<16xi1>
        %all_reduce_population_count3A_965 = tpu.all_reduce %le3A_957 {dim = 0 : i64, kind = #tpu.reduction_kind<sum>} : vector<16xi1> -> vector<16xi32>
        %slice3A_966 = vector.extract_strided_slice %all_reduce_population_count3A_965 {offsets = [0], sizes = [1], strides = [1]} : vector<16xi32> to vector<1xi32>
        %squeeze3A_967 = vector.extract %slice3A_966[0] : i32 from vector<1xi32>
        %add3A_968 = arith.addi %add3A_948, %squeeze3A_967 : i32
        %mul3A_969 = arith.constant 8 : i32
        %mul3A_970 = arith.muli %scan3A_62, %mul3A_969 : i32
        %add3A_971 = arith.constant 5 : i32
        %add3A_972 = arith.addi %mul3A_970, %add3A_971 : i32
        %get3A_973 = arith.index_cast %add3A_972 : i32 to index
        %get3A_974 = arith.constant 80 : index
        %get3A_975 = tpu.vector_load %arg12[%get3A_973, %get3A_974] {strides = array<i32>} : memref<128x128xf32, #tpu.memory_space<vmem>>, vector<16xf32>,
        %le3A_976 = vector.broadcast %squeeze3A : f32 to vector<16xf32>
        %le3A_977 = arith.cmpf ole, %get3A_975, %le3A_976 : vector<16xf32>
        %swap3A_978 = arith.index_cast %add3A_968 : i32 to index
        %swap3A_979 = tpu.vector_load %arg13[%swap3A_978] masked %le3A_977 {strides = array<i32>} : memref<1088xf32, #tpu.memory_space<vmem>>, vector<16xf32>, vector<16xi1>
        tpu.vector_store %arg13[%swap3A_978], %get3A_975 masked %le3A_977 {strides = array<i32>} : memref<1088xf32, #tpu.memory_space<vmem>>, vector<16xf32>, vector<16xi1>
        %add3A_980 = arith.constant 720 : i32
        %add3A_981 = vector.broadcast %add3A_980 : i32 to vector<16xi32>
        %add3A_982 = arith.addi %iota3A, %add3A_981 : vector<16xi32>
        %swap3A_983 = arith.index_cast %add3A_968 : i32 to index
        %swap3A_984 = tpu.vector_load %arg14[%swap3A_983] masked %le3A_977 {strides = array<i32>} : memref<1088xi32, #tpu.memory_space<vmem>>, vector<16xi32>, vector<16xi1>
        tpu.vector_store %arg14[%swap3A_983], %add3A_982 masked %le3A_977 {strides = array<i32>} : memref<1088xi32, #tpu.memory_space<vmem>>, vector<16xi32>, vector<16xi1>
        %all_reduce_population_count3A_985 = tpu.all_reduce %le3A_977 {dim = 0 : i64, kind = #tpu.reduction_kind<sum>} : vector<16xi1> -> vector<16xi32>
        %slice3A_986 = vector.extract_strided_slice %all_reduce_population_count3A_985 {offsets = [0], sizes = [1], strides = [1]} : vector<16xi32> to vector<1xi32>
        %squeeze3A_987 = vector.extract %slice3A_986[0] : i32 from vector<1xi32>
        %add3A_988 = arith.addi %add3A_968, %squeeze3A_987 : i32
        %mul3A_989 = arith.constant 8 : i32
        %mul3A_990 = arith.muli %scan3A_62, %mul3A_989 : i32
        %add3A_991 = arith.constant 5 : i32
        %add3A_992 = arith.addi %mul3A_990, %add3A_991 : i32
        %get3A_993 = arith.index_cast %add3A_992 : i32 to index
        %get3A_994 = arith.constant 96 : index
        %get3A_995 = tpu.vector_load %arg12[%get3A_993, %get3A_994] {strides = array<i32>} : memref<128x128xf32, #tpu.memory_space<vmem>>, vector<16xf32>,
        %le3A_996 = vector.broadcast %squeeze3A : f32 to vector<16xf32>
        %le3A_997 = arith.cmpf ole, %get3A_995, %le3A_996 : vector<16xf32>
        %swap3A_998 = arith.index_cast %add3A_988 : i32 to index
        %swap3A_999 = tpu.vector_load %arg13[%swap3A_998] masked %le3A_997 {strides = array<i32>} : memref<1088xf32, #tpu.memory_space<vmem>>, vector<16xf32>, vector<16xi1>
        tpu.vector_store %arg13[%swap3A_998], %get3A_995 masked %le3A_997 {strides = array<i32>} : memref<1088xf32, #tpu.memory_space<vmem>>, vector<16xf32>, vector<16xi1>
        %add3A_1000 = arith.constant 736 : i32
        %add3A_1001 = vector.broadcast %add3A_1000 : i32 to vector<16xi32>
        %add3A_1002 = arith.addi %iota3A, %add3A_1001 : vector<16xi32>
        %swap3A_1003 = arith.index_cast %add3A_988 : i32 to index
        %swap3A_1004 = tpu.vector_load %arg14[%swap3A_1003] masked %le3A_997 {strides = array<i32>} : memref<1088xi32, #tpu.memory_space<vmem>>, vector<16xi32>, vector<16xi1>
        tpu.vector_store %arg14[%swap3A_1003], %add3A_1002 masked %le3A_997 {strides = array<i32>} : memref<1088xi32, #tpu.memory_space<vmem>>, vector<16xi32>, vector<16xi1>
        %all_reduce_population_count3A_1005 = tpu.all_reduce %le3A_997 {dim = 0 : i64, kind = #tpu.reduction_kind<sum>} : vector<16xi1> -> vector<16xi32>
        %slice3A_1006 = vector.extract_strided_slice %all_reduce_population_count3A_1005 {offsets = [0], sizes = [1], strides = [1]} : vector<16xi32> to vector<1xi32>
        %squeeze3A_1007 = vector.extract %slice3A_1006[0] : i32 from vector<1xi32>
        %add3A_1008 = arith.addi %add3A_988, %squeeze3A_1007 : i32
        %mul3A_1009 = arith.constant 8 : i32
        %mul3A_1010 = arith.muli %scan3A_62, %mul3A_1009 : i32
        %add3A_1011 = arith.constant 5 : i32
        %add3A_1012 = arith.addi %mul3A_1010, %add3A_1011 : i32
        %get3A_1013 = arith.index_cast %add3A_1012 : i32 to index
        %get3A_1014 = arith.constant 112 : index
        %get3A_1015 = tpu.vector_load %arg12[%get3A_1013, %get3A_1014] {strides = array<i32>} : memref<128x128xf32, #tpu.memory_space<vmem>>, vector<16xf32>,
        %le3A_1016 = vector.broadcast %squeeze3A : f32 to vector<16xf32>
        %le3A_1017 = arith.cmpf ole, %get3A_1015, %le3A_1016 : vector<16xf32>
        %swap3A_1018 = arith.index_cast %add3A_1008 : i32 to index
        %swap3A_1019 = tpu.vector_load %arg13[%swap3A_1018] masked %le3A_1017 {strides = array<i32>} : memref<1088xf32, #tpu.memory_space<vmem>>, vector<16xf32>, vector<16xi1>
        tpu.vector_store %arg13[%swap3A_1018], %get3A_1015 masked %le3A_1017 {strides = array<i32>} : memref<1088xf32, #tpu.memory_space<vmem>>, vector<16xf32>, vector<16xi1>
        %add3A_1020 = arith.constant 752 : i32
        %add3A_1021 = vector.broadcast %add3A_1020 : i32 to vector<16xi32>
        %add3A_1022 = arith.addi %iota3A, %add3A_1021 : vector<16xi32>
        %swap3A_1023 = arith.index_cast %add3A_1008 : i32 to index
        %swap3A_1024 = tpu.vector_load %arg14[%swap3A_1023] masked %le3A_1017 {strides = array<i32>} : memref<1088xi32, #tpu.memory_space<vmem>>, vector<16xi32>, vector<16xi1>
        tpu.vector_store %arg14[%swap3A_1023], %add3A_1022 masked %le3A_1017 {strides = array<i32>} : memref<1088xi32, #tpu.memory_space<vmem>>, vector<16xi32>, vector<16xi1>
        %all_reduce_population_count3A_1025 = tpu.all_reduce %le3A_1017 {dim = 0 : i64, kind = #tpu.reduction_kind<sum>} : vector<16xi1> -> vector<16xi32>
        %slice3A_1026 = vector.extract_strided_slice %all_reduce_population_count3A_1025 {offsets = [0], sizes = [1], strides = [1]} : vector<16xi32> to vector<1xi32>
        %squeeze3A_1027 = vector.extract %slice3A_1026[0] : i32 from vector<1xi32>
        %add3A_1028 = arith.addi %add3A_1008, %squeeze3A_1027 : i32
        %mul3A_1029 = arith.constant 8 : i32
        %mul3A_1030 = arith.muli %scan3A_62, %mul3A_1029 : i32
        %add3A_1031 = arith.constant 6 : i32
        %add3A_1032 = arith.addi %mul3A_1030, %add3A_1031 : i32
        %get3A_1033 = arith.index_cast %add3A_1032 : i32 to index
        %get3A_1034 = arith.constant 0 : index
        %get3A_1035 = tpu.vector_load %arg12[%get3A_1033, %get3A_1034] {strides = array<i32>} : memref<128x128xf32, #tpu.memory_space<vmem>>, vector<16xf32>,
        %le3A_1036 = vector.broadcast %squeeze3A : f32 to vector<16xf32>
        %le3A_1037 = arith.cmpf ole, %get3A_1035, %le3A_1036 : vector<16xf32>
        %swap3A_1038 = arith.index_cast %add3A_1028 : i32 to index
        %swap3A_1039 = tpu.vector_load %arg13[%swap3A_1038] masked %le3A_1037 {strides = array<i32>} : memref<1088xf32, #tpu.memory_space<vmem>>, vector<16xf32>, vector<16xi1>
        tpu.vector_store %arg13[%swap3A_1038], %get3A_1035 masked %le3A_1037 {strides = array<i32>} : memref<1088xf32, #tpu.memory_space<vmem>>, vector<16xf32>, vector<16xi1>
        %add3A_1040 = arith.constant 768 : i32
        %add3A_1041 = vector.broadcast %add3A_1040 : i32 to vector<16xi32>
        %add3A_1042 = arith.addi %iota3A, %add3A_1041 : vector<16xi32>
        %swap3A_1043 = arith.index_cast %add3A_1028 : i32 to index
        %swap3A_1044 = tpu.vector_load %arg14[%swap3A_1043] masked %le3A_1037 {strides = array<i32>} : memref<1088xi32, #tpu.memory_space<vmem>>, vector<16xi32>, vector<16xi1>
        tpu.vector_store %arg14[%swap3A_1043], %add3A_1042 masked %le3A_1037 {strides = array<i32>} : memref<1088xi32, #tpu.memory_space<vmem>>, vector<16xi32>, vector<16xi1>
        %all_reduce_population_count3A_1045 = tpu.all_reduce %le3A_1037 {dim = 0 : i64, kind = #tpu.reduction_kind<sum>} : vector<16xi1> -> vector<16xi32>
        %slice3A_1046 = vector.extract_strided_slice %all_reduce_population_count3A_1045 {offsets = [0], sizes = [1], strides = [1]} : vector<16xi32> to vector<1xi32>
        %squeeze3A_1047 = vector.extract %slice3A_1046[0] : i32 from vector<1xi32>
        %add3A_1048 = arith.addi %add3A_1028, %squeeze3A_1047 : i32
        %mul3A_1049 = arith.constant 8 : i32
        %mul3A_1050 = arith.muli %scan3A_62, %mul3A_1049 : i32
        %add3A_1051 = arith.constant 6 : i32
        %add3A_1052 = arith.addi %mul3A_1050, %add3A_1051 : i32
        %get3A_1053 = arith.index_cast %add3A_1052 : i32 to index
        %get3A_1054 = arith.constant 16 : index
        %get3A_1055 = tpu.vector_load %arg12[%get3A_1053, %get3A_1054] {strides = array<i32>} : memref<128x128xf32, #tpu.memory_space<vmem>>, vector<16xf32>,
        %le3A_1056 = vector.broadcast %squeeze3A : f32 to vector<16xf32>
        %le3A_1057 = arith.cmpf ole, %get3A_1055, %le3A_1056 : vector<16xf32>
        %swap3A_1058 = arith.index_cast %add3A_1048 : i32 to index
        %swap3A_1059 = tpu.vector_load %arg13[%swap3A_1058] masked %le3A_1057 {strides = array<i32>} : memref<1088xf32, #tpu.memory_space<vmem>>, vector<16xf32>, vector<16xi1>
        tpu.vector_store %arg13[%swap3A_1058], %get3A_1055 masked %le3A_1057 {strides = array<i32>} : memref<1088xf32, #tpu.memory_space<vmem>>, vector<16xf32>, vector<16xi1>
        %add3A_1060 = arith.constant 784 : i32
        %add3A_1061 = vector.broadcast %add3A_1060 : i32 to vector<16xi32>
        %add3A_1062 = arith.addi %iota3A, %add3A_1061 : vector<16xi32>
        %swap3A_1063 = arith.index_cast %add3A_1048 : i32 to index
        %swap3A_1064 = tpu.vector_load %arg14[%swap3A_1063] masked %le3A_1057 {strides = array<i32>} : memref<1088xi32, #tpu.memory_space<vmem>>, vector<16xi32>, vector<16xi1>
        tpu.vector_store %arg14[%swap3A_1063], %add3A_1062 masked %le3A_1057 {strides = array<i32>} : memref<1088xi32, #tpu.memory_space<vmem>>, vector<16xi32>, vector<16xi1>
        %all_reduce_population_count3A_1065 = tpu.all_reduce %le3A_1057 {dim = 0 : i64, kind = #tpu.reduction_kind<sum>} : vector<16xi1> -> vector<16xi32>
        %slice3A_1066 = vector.extract_strided_slice %all_reduce_population_count3A_1065 {offsets = [0], sizes = [1], strides = [1]} : vector<16xi32> to vector<1xi32>
        %squeeze3A_1067 = vector.extract %slice3A_1066[0] : i32 from vector<1xi32>
        %add3A_1068 = arith.addi %add3A_1048, %squeeze3A_1067 : i32
        %mul3A_1069 = arith.constant 8 : i32
        %mul3A_1070 = arith.muli %scan3A_62, %mul3A_1069 : i32
        %add3A_1071 = arith.constant 6 : i32
        %add3A_1072 = arith.addi %mul3A_1070, %add3A_1071 : i32
        %get3A_1073 = arith.index_cast %add3A_1072 : i32 to index
        %get3A_1074 = arith.constant 32 : index
        %get3A_1075 = tpu.vector_load %arg12[%get3A_1073, %get3A_1074] {strides = array<i32>} : memref<128x128xf32, #tpu.memory_space<vmem>>, vector<16xf32>,
        %le3A_1076 = vector.broadcast %squeeze3A : f32 to vector<16xf32>
        %le3A_1077 = arith.cmpf ole, %get3A_1075, %le3A_1076 : vector<16xf32>
        %swap3A_1078 = arith.index_cast %add3A_1068 : i32 to index
        %swap3A_1079 = tpu.vector_load %arg13[%swap3A_1078] masked %le3A_1077 {strides = array<i32>} : memref<1088xf32, #tpu.memory_space<vmem>>, vector<16xf32>, vector<16xi1>
        tpu.vector_store %arg13[%swap3A_1078], %get3A_1075 masked %le3A_1077 {strides = array<i32>} : memref<1088xf32, #tpu.memory_space<vmem>>, vector<16xf32>, vector<16xi1>
        %add3A_1080 = arith.constant 800 : i32
        %add3A_1081 = vector.broadcast %add3A_1080 : i32 to vector<16xi32>
        %add3A_1082 = arith.addi %iota3A, %add3A_1081 : vector<16xi32>
        %swap3A_1083 = arith.index_cast %add3A_1068 : i32 to index
        %swap3A_1084 = tpu.vector_load %arg14[%swap3A_1083] masked %le3A_1077 {strides = array<i32>} : memref<1088xi32, #tpu.memory_space<vmem>>, vector<16xi32>, vector<16xi1>
        tpu.vector_store %arg14[%swap3A_1083], %add3A_1082 masked %le3A_1077 {strides = array<i32>} : memref<1088xi32, #tpu.memory_space<vmem>>, vector<16xi32>, vector<16xi1>
        %all_reduce_population_count3A_1085 = tpu.all_reduce %le3A_1077 {dim = 0 : i64, kind = #tpu.reduction_kind<sum>} : vector<16xi1> -> vector<16xi32>
        %slice3A_1086 = vector.extract_strided_slice %all_reduce_population_count3A_1085 {offsets = [0], sizes = [1], strides = [1]} : vector<16xi32> to vector<1xi32>
        %squeeze3A_1087 = vector.extract %slice3A_1086[0] : i32 from vector<1xi32>
        %add3A_1088 = arith.addi %add3A_1068, %squeeze3A_1087 : i32
        %mul3A_1089 = arith.constant 8 : i32
        %mul3A_1090 = arith.muli %scan3A_62, %mul3A_1089 : i32
        %add3A_1091 = arith.constant 6 : i32
        %add3A_1092 = arith.addi %mul3A_1090, %add3A_1091 : i32
        %get3A_1093 = arith.index_cast %add3A_1092 : i32 to index
        %get3A_1094 = arith.constant 48 : index
        %get3A_1095 = tpu.vector_load %arg12[%get3A_1093, %get3A_1094] {strides = array<i32>} : memref<128x128xf32, #tpu.memory_space<vmem>>, vector<16xf32>,
        %le3A_1096 = vector.broadcast %squeeze3A : f32 to vector<16xf32>
        %le3A_1097 = arith.cmpf ole, %get3A_1095, %le3A_1096 : vector<16xf32>
        %swap3A_1098 = arith.index_cast %add3A_1088 : i32 to index
        %swap3A_1099 = tpu.vector_load %arg13[%swap3A_1098] masked %le3A_1097 {strides = array<i32>} : memref<1088xf32, #tpu.memory_space<vmem>>, vector<16xf32>, vector<16xi1>
        tpu.vector_store %arg13[%swap3A_1098], %get3A_1095 masked %le3A_1097 {strides = array<i32>} : memref<1088xf32, #tpu.memory_space<vmem>>, vector<16xf32>, vector<16xi1>
        %add3A_1100 = arith.constant 816 : i32
        %add3A_1101 = vector.broadcast %add3A_1100 : i32 to vector<16xi32>
        %add3A_1102 = arith.addi %iota3A, %add3A_1101 : vector<16xi32>
        %swap3A_1103 = arith.index_cast %add3A_1088 : i32 to index
        %swap3A_1104 = tpu.vector_load %arg14[%swap3A_1103] masked %le3A_1097 {strides = array<i32>} : memref<1088xi32, #tpu.memory_space<vmem>>, vector<16xi32>, vector<16xi1>
        tpu.vector_store %arg14[%swap3A_1103], %add3A_1102 masked %le3A_1097 {strides = array<i32>} : memref<1088xi32, #tpu.memory_space<vmem>>, vector<16xi32>, vector<16xi1>
        %all_reduce_population_count3A_1105 = tpu.all_reduce %le3A_1097 {dim = 0 : i64, kind = #tpu.reduction_kind<sum>} : vector<16xi1> -> vector<16xi32>
        %slice3A_1106 = vector.extract_strided_slice %all_reduce_population_count3A_1105 {offsets = [0], sizes = [1], strides = [1]} : vector<16xi32> to vector<1xi32>
        %squeeze3A_1107 = vector.extract %slice3A_1106[0] : i32 from vector<1xi32>
        %add3A_1108 = arith.addi %add3A_1088, %squeeze3A_1107 : i32
        %mul3A_1109 = arith.constant 8 : i32
        %mul3A_1110 = arith.muli %scan3A_62, %mul3A_1109 : i32
        %add3A_1111 = arith.constant 6 : i32
        %add3A_1112 = arith.addi %mul3A_1110, %add3A_1111 : i32
        %get3A_1113 = arith.index_cast %add3A_1112 : i32 to index
        %get3A_1114 = arith.constant 64 : index
        %get3A_1115 = tpu.vector_load %arg12[%get3A_1113, %get3A_1114] {strides = array<i32>} : memref<128x128xf32, #tpu.memory_space<vmem>>, vector<16xf32>,
        %le3A_1116 = vector.broadcast %squeeze3A : f32 to vector<16xf32>
        %le3A_1117 = arith.cmpf ole, %get3A_1115, %le3A_1116 : vector<16xf32>
        %swap3A_1118 = arith.index_cast %add3A_1108 : i32 to index
        %swap3A_1119 = tpu.vector_load %arg13[%swap3A_1118] masked %le3A_1117 {strides = array<i32>} : memref<1088xf32, #tpu.memory_space<vmem>>, vector<16xf32>, vector<16xi1>
        tpu.vector_store %arg13[%swap3A_1118], %get3A_1115 masked %le3A_1117 {strides = array<i32>} : memref<1088xf32, #tpu.memory_space<vmem>>, vector<16xf32>, vector<16xi1>
        %add3A_1120 = arith.constant 832 : i32
        %add3A_1121 = vector.broadcast %add3A_1120 : i32 to vector<16xi32>
        %add3A_1122 = arith.addi %iota3A, %add3A_1121 : vector<16xi32>
        %swap3A_1123 = arith.index_cast %add3A_1108 : i32 to index
        %swap3A_1124 = tpu.vector_load %arg14[%swap3A_1123] masked %le3A_1117 {strides = array<i32>} : memref<1088xi32, #tpu.memory_space<vmem>>, vector<16xi32>, vector<16xi1>
        tpu.vector_store %arg14[%swap3A_1123], %add3A_1122 masked %le3A_1117 {strides = array<i32>} : memref<1088xi32, #tpu.memory_space<vmem>>, vector<16xi32>, vector<16xi1>
        %all_reduce_population_count3A_1125 = tpu.all_reduce %le3A_1117 {dim = 0 : i64, kind = #tpu.reduction_kind<sum>} : vector<16xi1> -> vector<16xi32>
        %slice3A_1126 = vector.extract_strided_slice %all_reduce_population_count3A_1125 {offsets = [0], sizes = [1], strides = [1]} : vector<16xi32> to vector<1xi32>
        %squeeze3A_1127 = vector.extract %slice3A_1126[0] : i32 from vector<1xi32>
        %add3A_1128 = arith.addi %add3A_1108, %squeeze3A_1127 : i32
        %mul3A_1129 = arith.constant 8 : i32
        %mul3A_1130 = arith.muli %scan3A_62, %mul3A_1129 : i32
        %add3A_1131 = arith.constant 6 : i32
        %add3A_1132 = arith.addi %mul3A_1130, %add3A_1131 : i32
        %get3A_1133 = arith.index_cast %add3A_1132 : i32 to index
        %get3A_1134 = arith.constant 80 : index
        %get3A_1135 = tpu.vector_load %arg12[%get3A_1133, %get3A_1134] {strides = array<i32>} : memref<128x128xf32, #tpu.memory_space<vmem>>, vector<16xf32>,
        %le3A_1136 = vector.broadcast %squeeze3A : f32 to vector<16xf32>
        %le3A_1137 = arith.cmpf ole, %get3A_1135, %le3A_1136 : vector<16xf32>
        %swap3A_1138 = arith.index_cast %add3A_1128 : i32 to index
        %swap3A_1139 = tpu.vector_load %arg13[%swap3A_1138] masked %le3A_1137 {strides = array<i32>} : memref<1088xf32, #tpu.memory_space<vmem>>, vector<16xf32>, vector<16xi1>
        tpu.vector_store %arg13[%swap3A_1138], %get3A_1135 masked %le3A_1137 {strides = array<i32>} : memref<1088xf32, #tpu.memory_space<vmem>>, vector<16xf32>, vector<16xi1>
        %add3A_1140 = arith.constant 848 : i32
        %add3A_1141 = vector.broadcast %add3A_1140 : i32 to vector<16xi32>
        %add3A_1142 = arith.addi %iota3A, %add3A_1141 : vector<16xi32>
        %swap3A_1143 = arith.index_cast %add3A_1128 : i32 to index
        %swap3A_1144 = tpu.vector_load %arg14[%swap3A_1143] masked %le3A_1137 {strides = array<i32>} : memref<1088xi32, #tpu.memory_space<vmem>>, vector<16xi32>, vector<16xi1>
        tpu.vector_store %arg14[%swap3A_1143], %add3A_1142 masked %le3A_1137 {strides = array<i32>} : memref<1088xi32, #tpu.memory_space<vmem>>, vector<16xi32>, vector<16xi1>
        %all_reduce_population_count3A_1145 = tpu.all_reduce %le3A_1137 {dim = 0 : i64, kind = #tpu.reduction_kind<sum>} : vector<16xi1> -> vector<16xi32>
        %slice3A_1146 = vector.extract_strided_slice %all_reduce_population_count3A_1145 {offsets = [0], sizes = [1], strides = [1]} : vector<16xi32> to vector<1xi32>
        %squeeze3A_1147 = vector.extract %slice3A_1146[0] : i32 from vector<1xi32>
        %add3A_1148 = arith.addi %add3A_1128, %squeeze3A_1147 : i32
        %mul3A_1149 = arith.constant 8 : i32
        %mul3A_1150 = arith.muli %scan3A_62, %mul3A_1149 : i32
        %add3A_1151 = arith.constant 6 : i32
        %add3A_1152 = arith.addi %mul3A_1150, %add3A_1151 : i32
        %get3A_1153 = arith.index_cast %add3A_1152 : i32 to index
        %get3A_1154 = arith.constant 96 : index
        %get3A_1155 = tpu.vector_load %arg12[%get3A_1153, %get3A_1154] {strides = array<i32>} : memref<128x128xf32, #tpu.memory_space<vmem>>, vector<16xf32>,
        %le3A_1156 = vector.broadcast %squeeze3A : f32 to vector<16xf32>
        %le3A_1157 = arith.cmpf ole, %get3A_1155, %le3A_1156 : vector<16xf32>
        %swap3A_1158 = arith.index_cast %add3A_1148 : i32 to index
        %swap3A_1159 = tpu.vector_load %arg13[%swap3A_1158] masked %le3A_1157 {strides = array<i32>} : memref<1088xf32, #tpu.memory_space<vmem>>, vector<16xf32>, vector<16xi1>
        tpu.vector_store %arg13[%swap3A_1158], %get3A_1155 masked %le3A_1157 {strides = array<i32>} : memref<1088xf32, #tpu.memory_space<vmem>>, vector<16xf32>, vector<16xi1>
        %add3A_1160 = arith.constant 864 : i32
        %add3A_1161 = vector.broadcast %add3A_1160 : i32 to vector<16xi32>
        %add3A_1162 = arith.addi %iota3A, %add3A_1161 : vector<16xi32>
        %swap3A_1163 = arith.index_cast %add3A_1148 : i32 to index
        %swap3A_1164 = tpu.vector_load %arg14[%swap3A_1163] masked %le3A_1157 {strides = array<i32>} : memref<1088xi32, #tpu.memory_space<vmem>>, vector<16xi32>, vector<16xi1>
        tpu.vector_store %arg14[%swap3A_1163], %add3A_1162 masked %le3A_1157 {strides = array<i32>} : memref<1088xi32, #tpu.memory_space<vmem>>, vector<16xi32>, vector<16xi1>
        %all_reduce_population_count3A_1165 = tpu.all_reduce %le3A_1157 {dim = 0 : i64, kind = #tpu.reduction_kind<sum>} : vector<16xi1> -> vector<16xi32>
        %slice3A_1166 = vector.extract_strided_slice %all_reduce_population_count3A_1165 {offsets = [0], sizes = [1], strides = [1]} : vector<16xi32> to vector<1xi32>
        %squeeze3A_1167 = vector.extract %slice3A_1166[0] : i32 from vector<1xi32>
        %add3A_1168 = arith.addi %add3A_1148, %squeeze3A_1167 : i32
        %mul3A_1169 = arith.constant 8 : i32
        %mul3A_1170 = arith.muli %scan3A_62, %mul3A_1169 : i32
        %add3A_1171 = arith.constant 6 : i32
        %add3A_1172 = arith.addi %mul3A_1170, %add3A_1171 : i32
        %get3A_1173 = arith.index_cast %add3A_1172 : i32 to index
        %get3A_1174 = arith.constant 112 : index
        %get3A_1175 = tpu.vector_load %arg12[%get3A_1173, %get3A_1174] {strides = array<i32>} : memref<128x128xf32, #tpu.memory_space<vmem>>, vector<16xf32>,
        %le3A_1176 = vector.broadcast %squeeze3A : f32 to vector<16xf32>
        %le3A_1177 = arith.cmpf ole, %get3A_1175, %le3A_1176 : vector<16xf32>
        %swap3A_1178 = arith.index_cast %add3A_1168 : i32 to index
        %swap3A_1179 = tpu.vector_load %arg13[%swap3A_1178] masked %le3A_1177 {strides = array<i32>} : memref<1088xf32, #tpu.memory_space<vmem>>, vector<16xf32>, vector<16xi1>
        tpu.vector_store %arg13[%swap3A_1178], %get3A_1175 masked %le3A_1177 {strides = array<i32>} : memref<1088xf32, #tpu.memory_space<vmem>>, vector<16xf32>, vector<16xi1>
        %add3A_1180 = arith.constant 880 : i32
        %add3A_1181 = vector.broadcast %add3A_1180 : i32 to vector<16xi32>
        %add3A_1182 = arith.addi %iota3A, %add3A_1181 : vector<16xi32>
        %swap3A_1183 = arith.index_cast %add3A_1168 : i32 to index
        %swap3A_1184 = tpu.vector_load %arg14[%swap3A_1183] masked %le3A_1177 {strides = array<i32>} : memref<1088xi32, #tpu.memory_space<vmem>>, vector<16xi32>, vector<16xi1>
        tpu.vector_store %arg14[%swap3A_1183], %add3A_1182 masked %le3A_1177 {strides = array<i32>} : memref<1088xi32, #tpu.memory_space<vmem>>, vector<16xi32>, vector<16xi1>
        %all_reduce_population_count3A_1185 = tpu.all_reduce %le3A_1177 {dim = 0 : i64, kind = #tpu.reduction_kind<sum>} : vector<16xi1> -> vector<16xi32>
        %slice3A_1186 = vector.extract_strided_slice %all_reduce_population_count3A_1185 {offsets = [0], sizes = [1], strides = [1]} : vector<16xi32> to vector<1xi32>
        %squeeze3A_1187 = vector.extract %slice3A_1186[0] : i32 from vector<1xi32>
        %add3A_1188 = arith.addi %add3A_1168, %squeeze3A_1187 : i32
        %mul3A_1189 = arith.constant 8 : i32
        %mul3A_1190 = arith.muli %scan3A_62, %mul3A_1189 : i32
        %add3A_1191 = arith.constant 7 : i32
        %add3A_1192 = arith.addi %mul3A_1190, %add3A_1191 : i32
        %get3A_1193 = arith.index_cast %add3A_1192 : i32 to index
        %get3A_1194 = arith.constant 0 : index
        %get3A_1195 = tpu.vector_load %arg12[%get3A_1193, %get3A_1194] {strides = array<i32>} : memref<128x128xf32, #tpu.memory_space<vmem>>, vector<16xf32>,
        %le3A_1196 = vector.broadcast %squeeze3A : f32 to vector<16xf32>
        %le3A_1197 = arith.cmpf ole, %get3A_1195, %le3A_1196 : vector<16xf32>
        %swap3A_1198 = arith.index_cast %add3A_1188 : i32 to index
        %swap3A_1199 = tpu.vector_load %arg13[%swap3A_1198] masked %le3A_1197 {strides = array<i32>} : memref<1088xf32, #tpu.memory_space<vmem>>, vector<16xf32>, vector<16xi1>
        tpu.vector_store %arg13[%swap3A_1198], %get3A_1195 masked %le3A_1197 {strides = array<i32>} : memref<1088xf32, #tpu.memory_space<vmem>>, vector<16xf32>, vector<16xi1>
        %add3A_1200 = arith.constant 896 : i32
        %add3A_1201 = vector.broadcast %add3A_1200 : i32 to vector<16xi32>
        %add3A_1202 = arith.addi %iota3A, %add3A_1201 : vector<16xi32>
        %swap3A_1203 = arith.index_cast %add3A_1188 : i32 to index
        %swap3A_1204 = tpu.vector_load %arg14[%swap3A_1203] masked %le3A_1197 {strides = array<i32>} : memref<1088xi32, #tpu.memory_space<vmem>>, vector<16xi32>, vector<16xi1>
        tpu.vector_store %arg14[%swap3A_1203], %add3A_1202 masked %le3A_1197 {strides = array<i32>} : memref<1088xi32, #tpu.memory_space<vmem>>, vector<16xi32>, vector<16xi1>
        %all_reduce_population_count3A_1205 = tpu.all_reduce %le3A_1197 {dim = 0 : i64, kind = #tpu.reduction_kind<sum>} : vector<16xi1> -> vector<16xi32>
        %slice3A_1206 = vector.extract_strided_slice %all_reduce_population_count3A_1205 {offsets = [0], sizes = [1], strides = [1]} : vector<16xi32> to vector<1xi32>
        %squeeze3A_1207 = vector.extract %slice3A_1206[0] : i32 from vector<1xi32>
        %add3A_1208 = arith.addi %add3A_1188, %squeeze3A_1207 : i32
        %mul3A_1209 = arith.constant 8 : i32
        %mul3A_1210 = arith.muli %scan3A_62, %mul3A_1209 : i32
        %add3A_1211 = arith.constant 7 : i32
        %add3A_1212 = arith.addi %mul3A_1210, %add3A_1211 : i32
        %get3A_1213 = arith.index_cast %add3A_1212 : i32 to index
        %get3A_1214 = arith.constant 16 : index
        %get3A_1215 = tpu.vector_load %arg12[%get3A_1213, %get3A_1214] {strides = array<i32>} : memref<128x128xf32, #tpu.memory_space<vmem>>, vector<16xf32>,
        %le3A_1216 = vector.broadcast %squeeze3A : f32 to vector<16xf32>
        %le3A_1217 = arith.cmpf ole, %get3A_1215, %le3A_1216 : vector<16xf32>
        %swap3A_1218 = arith.index_cast %add3A_1208 : i32 to index
        %swap3A_1219 = tpu.vector_load %arg13[%swap3A_1218] masked %le3A_1217 {strides = array<i32>} : memref<1088xf32, #tpu.memory_space<vmem>>, vector<16xf32>, vector<16xi1>
        tpu.vector_store %arg13[%swap3A_1218], %get3A_1215 masked %le3A_1217 {strides = array<i32>} : memref<1088xf32, #tpu.memory_space<vmem>>, vector<16xf32>, vector<16xi1>
        %add3A_1220 = arith.constant 912 : i32
        %add3A_1221 = vector.broadcast %add3A_1220 : i32 to vector<16xi32>
        %add3A_1222 = arith.addi %iota3A, %add3A_1221 : vector<16xi32>
        %swap3A_1223 = arith.index_cast %add3A_1208 : i32 to index
        %swap3A_1224 = tpu.vector_load %arg14[%swap3A_1223] masked %le3A_1217 {strides = array<i32>} : memref<1088xi32, #tpu.memory_space<vmem>>, vector<16xi32>, vector<16xi1>
        tpu.vector_store %arg14[%swap3A_1223], %add3A_1222 masked %le3A_1217 {strides = array<i32>} : memref<1088xi32, #tpu.memory_space<vmem>>, vector<16xi32>, vector<16xi1>
        %all_reduce_population_count3A_1225 = tpu.all_reduce %le3A_1217 {dim = 0 : i64, kind = #tpu.reduction_kind<sum>} : vector<16xi1> -> vector<16xi32>
        %slice3A_1226 = vector.extract_strided_slice %all_reduce_population_count3A_1225 {offsets = [0], sizes = [1], strides = [1]} : vector<16xi32> to vector<1xi32>
        %squeeze3A_1227 = vector.extract %slice3A_1226[0] : i32 from vector<1xi32>
        %add3A_1228 = arith.addi %add3A_1208, %squeeze3A_1227 : i32
        %mul3A_1229 = arith.constant 8 : i32
        %mul3A_1230 = arith.muli %scan3A_62, %mul3A_1229 : i32
        %add3A_1231 = arith.constant 7 : i32
        %add3A_1232 = arith.addi %mul3A_1230, %add3A_1231 : i32
        %get3A_1233 = arith.index_cast %add3A_1232 : i32 to index
        %get3A_1234 = arith.constant 32 : index
        %get3A_1235 = tpu.vector_load %arg12[%get3A_1233, %get3A_1234] {strides = array<i32>} : memref<128x128xf32, #tpu.memory_space<vmem>>, vector<16xf32>,
        %le3A_1236 = vector.broadcast %squeeze3A : f32 to vector<16xf32>
        %le3A_1237 = arith.cmpf ole, %get3A_1235, %le3A_1236 : vector<16xf32>
        %swap3A_1238 = arith.index_cast %add3A_1228 : i32 to index
        %swap3A_1239 = tpu.vector_load %arg13[%swap3A_1238] masked %le3A_1237 {strides = array<i32>} : memref<1088xf32, #tpu.memory_space<vmem>>, vector<16xf32>, vector<16xi1>
        tpu.vector_store %arg13[%swap3A_1238], %get3A_1235 masked %le3A_1237 {strides = array<i32>} : memref<1088xf32, #tpu.memory_space<vmem>>, vector<16xf32>, vector<16xi1>
        %add3A_1240 = arith.constant 928 : i32
        %add3A_1241 = vector.broadcast %add3A_1240 : i32 to vector<16xi32>
        %add3A_1242 = arith.addi %iota3A, %add3A_1241 : vector<16xi32>
        %swap3A_1243 = arith.index_cast %add3A_1228 : i32 to index
        %swap3A_1244 = tpu.vector_load %arg14[%swap3A_1243] masked %le3A_1237 {strides = array<i32>} : memref<1088xi32, #tpu.memory_space<vmem>>, vector<16xi32>, vector<16xi1>
        tpu.vector_store %arg14[%swap3A_1243], %add3A_1242 masked %le3A_1237 {strides = array<i32>} : memref<1088xi32, #tpu.memory_space<vmem>>, vector<16xi32>, vector<16xi1>
        %all_reduce_population_count3A_1245 = tpu.all_reduce %le3A_1237 {dim = 0 : i64, kind = #tpu.reduction_kind<sum>} : vector<16xi1> -> vector<16xi32>
        %slice3A_1246 = vector.extract_strided_slice %all_reduce_population_count3A_1245 {offsets = [0], sizes = [1], strides = [1]} : vector<16xi32> to vector<1xi32>
        %squeeze3A_1247 = vector.extract %slice3A_1246[0] : i32 from vector<1xi32>
        %add3A_1248 = arith.addi %add3A_1228, %squeeze3A_1247 : i32
        %mul3A_1249 = arith.constant 8 : i32
        %mul3A_1250 = arith.muli %scan3A_62, %mul3A_1249 : i32
        %add3A_1251 = arith.constant 7 : i32
        %add3A_1252 = arith.addi %mul3A_1250, %add3A_1251 : i32
        %get3A_1253 = arith.index_cast %add3A_1252 : i32 to index
        %get3A_1254 = arith.constant 48 : index
        %get3A_1255 = tpu.vector_load %arg12[%get3A_1253, %get3A_1254] {strides = array<i32>} : memref<128x128xf32, #tpu.memory_space<vmem>>, vector<16xf32>,
        %le3A_1256 = vector.broadcast %squeeze3A : f32 to vector<16xf32>
        %le3A_1257 = arith.cmpf ole, %get3A_1255, %le3A_1256 : vector<16xf32>
        %swap3A_1258 = arith.index_cast %add3A_1248 : i32 to index
        %swap3A_1259 = tpu.vector_load %arg13[%swap3A_1258] masked %le3A_1257 {strides = array<i32>} : memref<1088xf32, #tpu.memory_space<vmem>>, vector<16xf32>, vector<16xi1>
        tpu.vector_store %arg13[%swap3A_1258], %get3A_1255 masked %le3A_1257 {strides = array<i32>} : memref<1088xf32, #tpu.memory_space<vmem>>, vector<16xf32>, vector<16xi1>
        %add3A_1260 = arith.constant 944 : i32
        %add3A_1261 = vector.broadcast %add3A_1260 : i32 to vector<16xi32>
        %add3A_1262 = arith.addi %iota3A, %add3A_1261 : vector<16xi32>
        %swap3A_1263 = arith.index_cast %add3A_1248 : i32 to index
        %swap3A_1264 = tpu.vector_load %arg14[%swap3A_1263] masked %le3A_1257 {strides = array<i32>} : memref<1088xi32, #tpu.memory_space<vmem>>, vector<16xi32>, vector<16xi1>
        tpu.vector_store %arg14[%swap3A_1263], %add3A_1262 masked %le3A_1257 {strides = array<i32>} : memref<1088xi32, #tpu.memory_space<vmem>>, vector<16xi32>, vector<16xi1>
        %all_reduce_population_count3A_1265 = tpu.all_reduce %le3A_1257 {dim = 0 : i64, kind = #tpu.reduction_kind<sum>} : vector<16xi1> -> vector<16xi32>
        %slice3A_1266 = vector.extract_strided_slice %all_reduce_population_count3A_1265 {offsets = [0], sizes = [1], strides = [1]} : vector<16xi32> to vector<1xi32>
        %squeeze3A_1267 = vector.extract %slice3A_1266[0] : i32 from vector<1xi32>
        %add3A_1268 = arith.addi %add3A_1248, %squeeze3A_1267 : i32
        %mul3A_1269 = arith.constant 8 : i32
        %mul3A_1270 = arith.muli %scan3A_62, %mul3A_1269 : i32
        %add3A_1271 = arith.constant 7 : i32
        %add3A_1272 = arith.addi %mul3A_1270, %add3A_1271 : i32
        %get3A_1273 = arith.index_cast %add3A_1272 : i32 to index
        %get3A_1274 = arith.constant 64 : index
        %get3A_1275 = tpu.vector_load %arg12[%get3A_1273, %get3A_1274] {strides = array<i32>} : memref<128x128xf32, #tpu.memory_space<vmem>>, vector<16xf32>,
        %le3A_1276 = vector.broadcast %squeeze3A : f32 to vector<16xf32>
        %le3A_1277 = arith.cmpf ole, %get3A_1275, %le3A_1276 : vector<16xf32>
        %swap3A_1278 = arith.index_cast %add3A_1268 : i32 to index
        %swap3A_1279 = tpu.vector_load %arg13[%swap3A_1278] masked %le3A_1277 {strides = array<i32>} : memref<1088xf32, #tpu.memory_space<vmem>>, vector<16xf32>, vector<16xi1>
        tpu.vector_store %arg13[%swap3A_1278], %get3A_1275 masked %le3A_1277 {strides = array<i32>} : memref<1088xf32, #tpu.memory_space<vmem>>, vector<16xf32>, vector<16xi1>
        %add3A_1280 = arith.constant 960 : i32
        %add3A_1281 = vector.broadcast %add3A_1280 : i32 to vector<16xi32>
        %add3A_1282 = arith.addi %iota3A, %add3A_1281 : vector<16xi32>
        %swap3A_1283 = arith.index_cast %add3A_1268 : i32 to index
        %swap3A_1284 = tpu.vector_load %arg14[%swap3A_1283] masked %le3A_1277 {strides = array<i32>} : memref<1088xi32, #tpu.memory_space<vmem>>, vector<16xi32>, vector<16xi1>
        tpu.vector_store %arg14[%swap3A_1283], %add3A_1282 masked %le3A_1277 {strides = array<i32>} : memref<1088xi32, #tpu.memory_space<vmem>>, vector<16xi32>, vector<16xi1>
        %all_reduce_population_count3A_1285 = tpu.all_reduce %le3A_1277 {dim = 0 : i64, kind = #tpu.reduction_kind<sum>} : vector<16xi1> -> vector<16xi32>
        %slice3A_1286 = vector.extract_strided_slice %all_reduce_population_count3A_1285 {offsets = [0], sizes = [1], strides = [1]} : vector<16xi32> to vector<1xi32>
        %squeeze3A_1287 = vector.extract %slice3A_1286[0] : i32 from vector<1xi32>
        %add3A_1288 = arith.addi %add3A_1268, %squeeze3A_1287 : i32
        %mul3A_1289 = arith.constant 8 : i32
        %mul3A_1290 = arith.muli %scan3A_62, %mul3A_1289 : i32
        %add3A_1291 = arith.constant 7 : i32
        %add3A_1292 = arith.addi %mul3A_1290, %add3A_1291 : i32
        %get3A_1293 = arith.index_cast %add3A_1292 : i32 to index
        %get3A_1294 = arith.constant 80 : index
        %get3A_1295 = tpu.vector_load %arg12[%get3A_1293, %get3A_1294] {strides = array<i32>} : memref<128x128xf32, #tpu.memory_space<vmem>>, vector<16xf32>,
        %le3A_1296 = vector.broadcast %squeeze3A : f32 to vector<16xf32>
        %le3A_1297 = arith.cmpf ole, %get3A_1295, %le3A_1296 : vector<16xf32>
        %swap3A_1298 = arith.index_cast %add3A_1288 : i32 to index
        %swap3A_1299 = tpu.vector_load %arg13[%swap3A_1298] masked %le3A_1297 {strides = array<i32>} : memref<1088xf32, #tpu.memory_space<vmem>>, vector<16xf32>, vector<16xi1>
        tpu.vector_store %arg13[%swap3A_1298], %get3A_1295 masked %le3A_1297 {strides = array<i32>} : memref<1088xf32, #tpu.memory_space<vmem>>, vector<16xf32>, vector<16xi1>
        %add3A_1300 = arith.constant 976 : i32
        %add3A_1301 = vector.broadcast %add3A_1300 : i32 to vector<16xi32>
        %add3A_1302 = arith.addi %iota3A, %add3A_1301 : vector<16xi32>
        %swap3A_1303 = arith.index_cast %add3A_1288 : i32 to index
        %swap3A_1304 = tpu.vector_load %arg14[%swap3A_1303] masked %le3A_1297 {strides = array<i32>} : memref<1088xi32, #tpu.memory_space<vmem>>, vector<16xi32>, vector<16xi1>
        tpu.vector_store %arg14[%swap3A_1303], %add3A_1302 masked %le3A_1297 {strides = array<i32>} : memref<1088xi32, #tpu.memory_space<vmem>>, vector<16xi32>, vector<16xi1>
        %all_reduce_population_count3A_1305 = tpu.all_reduce %le3A_1297 {dim = 0 : i64, kind = #tpu.reduction_kind<sum>} : vector<16xi1> -> vector<16xi32>
        %slice3A_1306 = vector.extract_strided_slice %all_reduce_population_count3A_1305 {offsets = [0], sizes = [1], strides = [1]} : vector<16xi32> to vector<1xi32>
        %squeeze3A_1307 = vector.extract %slice3A_1306[0] : i32 from vector<1xi32>
        %add3A_1308 = arith.addi %add3A_1288, %squeeze3A_1307 : i32
        %mul3A_1309 = arith.constant 8 : i32
        %mul3A_1310 = arith.muli %scan3A_62, %mul3A_1309 : i32
        %add3A_1311 = arith.constant 7 : i32
        %add3A_1312 = arith.addi %mul3A_1310, %add3A_1311 : i32
        %get3A_1313 = arith.index_cast %add3A_1312 : i32 to index
        %get3A_1314 = arith.constant 96 : index
        %get3A_1315 = tpu.vector_load %arg12[%get3A_1313, %get3A_1314] {strides = array<i32>} : memref<128x128xf32, #tpu.memory_space<vmem>>, vector<16xf32>,
        %le3A_1316 = vector.broadcast %squeeze3A : f32 to vector<16xf32>
        %le3A_1317 = arith.cmpf ole, %get3A_1315, %le3A_1316 : vector<16xf32>
        %swap3A_1318 = arith.index_cast %add3A_1308 : i32 to index
        %swap3A_1319 = tpu.vector_load %arg13[%swap3A_1318] masked %le3A_1317 {strides = array<i32>} : memref<1088xf32, #tpu.memory_space<vmem>>, vector<16xf32>, vector<16xi1>
        tpu.vector_store %arg13[%swap3A_1318], %get3A_1315 masked %le3A_1317 {strides = array<i32>} : memref<1088xf32, #tpu.memory_space<vmem>>, vector<16xf32>, vector<16xi1>
        %add3A_1320 = arith.constant 992 : i32
        %add3A_1321 = vector.broadcast %add3A_1320 : i32 to vector<16xi32>
        %add3A_1322 = arith.addi %iota3A, %add3A_1321 : vector<16xi32>
        %swap3A_1323 = arith.index_cast %add3A_1308 : i32 to index
        %swap3A_1324 = tpu.vector_load %arg14[%swap3A_1323] masked %le3A_1317 {strides = array<i32>} : memref<1088xi32, #tpu.memory_space<vmem>>, vector<16xi32>, vector<16xi1>
        tpu.vector_store %arg14[%swap3A_1323], %add3A_1322 masked %le3A_1317 {strides = array<i32>} : memref<1088xi32, #tpu.memory_space<vmem>>, vector<16xi32>, vector<16xi1>
        %all_reduce_population_count3A_1325 = tpu.all_reduce %le3A_1317 {dim = 0 : i64, kind = #tpu.reduction_kind<sum>} : vector<16xi1> -> vector<16xi32>
        %slice3A_1326 = vector.extract_strided_slice %all_reduce_population_count3A_1325 {offsets = [0], sizes = [1], strides = [1]} : vector<16xi32> to vector<1xi32>
        %squeeze3A_1327 = vector.extract %slice3A_1326[0] : i32 from vector<1xi32>
        %add3A_1328 = arith.addi %add3A_1308, %squeeze3A_1327 : i32
        %mul3A_1329 = arith.constant 8 : i32
        %mul3A_1330 = arith.muli %scan3A_62, %mul3A_1329 : i32
        %add3A_1331 = arith.constant 7 : i32
        %add3A_1332 = arith.addi %mul3A_1330, %add3A_1331 : i32
        %get3A_1333 = arith.index_cast %add3A_1332 : i32 to index
        %get3A_1334 = arith.constant 112 : index
        %get3A_1335 = tpu.vector_load %arg12[%get3A_1333, %get3A_1334] {strides = array<i32>} : memref<128x128xf32, #tpu.memory_space<vmem>>, vector<16xf32>,
        %le3A_1336 = vector.broadcast %squeeze3A : f32 to vector<16xf32>
        %le3A_1337 = arith.cmpf ole, %get3A_1335, %le3A_1336 : vector<16xf32>
        %swap3A_1338 = arith.index_cast %add3A_1328 : i32 to index
        %swap3A_1339 = tpu.vector_load %arg13[%swap3A_1338] masked %le3A_1337 {strides = array<i32>} : memref<1088xf32, #tpu.memory_space<vmem>>, vector<16xf32>, vector<16xi1>
        tpu.vector_store %arg13[%swap3A_1338], %get3A_1335 masked %le3A_1337 {strides = array<i32>} : memref<1088xf32, #tpu.memory_space<vmem>>, vector<16xf32>, vector<16xi1>
        %add3A_1340 = arith.constant 1008 : i32
        %add3A_1341 = vector.broadcast %add3A_1340 : i32 to vector<16xi32>
        %add3A_1342 = arith.addi %iota3A, %add3A_1341 : vector<16xi32>
        %swap3A_1343 = arith.index_cast %add3A_1328 : i32 to index
        %swap3A_1344 = tpu.vector_load %arg14[%swap3A_1343] masked %le3A_1337 {strides = array<i32>} : memref<1088xi32, #tpu.memory_space<vmem>>, vector<16xi32>, vector<16xi1>
        tpu.vector_store %arg14[%swap3A_1343], %add3A_1342 masked %le3A_1337 {strides = array<i32>} : memref<1088xi32, #tpu.memory_space<vmem>>, vector<16xi32>, vector<16xi1>
        %all_reduce_population_count3A_1345 = tpu.all_reduce %le3A_1337 {dim = 0 : i64, kind = #tpu.reduction_kind<sum>} : vector<16xi1> -> vector<16xi32>
        %slice3A_1346 = vector.extract_strided_slice %all_reduce_population_count3A_1345 {offsets = [0], sizes = [1], strides = [1]} : vector<16xi32> to vector<1xi32>
        %squeeze3A_1347 = vector.extract %slice3A_1346[0] : i32 from vector<1xi32>
        %add3A_1348 = arith.addi %add3A_1328, %squeeze3A_1347 : i32
        %swap3A_1349 = arith.index_cast %add3A_1348 : i32 to index
        %swap3A_1350 = tpu.vector_load %arg13[%swap3A_1349] {strides = array<i32>} : memref<1088xf32, #tpu.memory_space<vmem>>, vector<16xf32>,
        tpu.vector_store %arg13[%swap3A_1349], %broadcast_in_dim3A_28 {strides = array<i32>} : memref<1088xf32, #tpu.memory_space<vmem>>, vector<16xf32>,
        %swap3A_1351 = arith.index_cast %add3A_1348 : i32 to index
        %swap3A_1352 = tpu.vector_load %arg14[%swap3A_1351] {strides = array<i32>} : memref<1088xi32, #tpu.memory_space<vmem>>, vector<16xi32>,
        tpu.vector_store %arg14[%swap3A_1351], %broadcast_in_dim3A_30 {strides = array<i32>} : memref<1088xi32, #tpu.memory_space<vmem>>, vector<16xi32>,
        %get3A_1353 = arith.constant 0 : index
        %get3A_1354 = tpu.vector_load %arg13[%get3A_1353] {strides = array<i32>} : memref<1088xf32, #tpu.memory_space<vmem>>, vector<16xf32>,
        %get3A_1355 = arith.constant 0 : index
        %get3A_1356 = tpu.vector_load %arg14[%get3A_1355] {strides = array<i32>} : memref<1088xi32, #tpu.memory_space<vmem>>, vector<16xi32>,
        %masked_sort3A = arith.constant dense<true> : vector<16xi1>
        %masked_sort3A_1357, %masked_sort3A_1358, %masked_sort3A_1359 = tpu.sort %get3A_1354, %get3A_1356 masked %masked_sort3A : (vector<16xf32>, vector<16xi32>, vector<16xi1>) -> (vector<16xi1>, vector<16xf32>, vector<16xi32>)
        %add3A_1360 = arith.constant 15 : i32
        %add3A_1361 = arith.addi %add3A_1348, %add3A_1360 : i32
        %jit3A_1362 = arith.constant 16 : i32
        %div3A_1363 = arith.divsi %add3A_1361, %jit3A_1362 : i32
        %sign3A_1364 = arith.constant 0 : i32
        %sign3A_1365 = arith.cmpi sgt, %add3A_1361, %sign3A_1364 : i32
        %sign3A_1366 = arith.extui %sign3A_1365 : i1 to i32
        %sign3A_1367 = arith.constant 0 : i32
        %sign3A_1368 = arith.cmpi slt, %add3A_1361, %sign3A_1367 : i32
        %sign3A_1369 = arith.extui %sign3A_1368 : i1 to i32
        %sign3A_1370 = arith.subi %sign3A_1366, %sign3A_1369 : i32
        %sign3A_1371 = arith.constant 0 : i32
        %sign3A_1372 = arith.cmpi sgt, %jit3A_1362, %sign3A_1371 : i32
        %sign3A_1373 = arith.extui %sign3A_1372 : i1 to i32
        %sign3A_1374 = arith.constant 0 : i32
        %sign3A_1375 = arith.cmpi slt, %jit3A_1362, %sign3A_1374 : i32
        %sign3A_1376 = arith.extui %sign3A_1375 : i1 to i32
        %sign3A_1377 = arith.subi %sign3A_1373, %sign3A_1376 : i32
        %ne3A_1378 = arith.cmpi ne, %sign3A_1370, %sign3A_1377 : i32
        %rem3A_1379 = arith.remsi %add3A_1361, %jit3A_1362 : i32
        %ne3A_1380 = arith.constant 0 : i32
        %ne3A_1381 = arith.cmpi ne, %rem3A_1379, %ne3A_1380 : i32
        %and3A_1382 = arith.andi %ne3A_1378, %ne3A_1381 : i1
        %sub3A_1383 = arith.constant 1 : i32
        %sub3A_1384 = arith.subi %div3A_1363, %sub3A_1383 : i32
        %select_n3A_1385 = arith.select %and3A_1382, %sub3A_1384, %div3A_1363 : i32
        %while3A = arith.constant 1 : i32
        %while3A_1386 = arith.subi %select_n3A_1385, %while3A : i32
        %while3A_1387 = arith.addi %while3A, %while3A_1386 : i32
        %while3A_1388 = arith.constant 1 : i32
        %while3A_1389 = arith.divsi %while3A_1386, %while3A_1388 : i32
        %while3A_1390 = arith.muli %while3A_1389, %while3A_1388 : i32
        %while3A_1391 = arith.addi %while3A, %while3A_1390 : i32
        %while3A_1392 = arith.constant 1 : i32
        %while3A_1393:2 = scf.for %while3A_1431 = %while3A to %while3A_1391 step %while3A_1392 iter_args(%while3A_1432 = %masked_sort3A_1358, %while3A_1433 = %masked_sort3A_1359) -> (vector<16xf32>, vector<16xi32>)  : i32 {
          %mul3A_1434 = arith.constant 16 : i32
          %mul3A_1435 = arith.muli %while3A_1431, %mul3A_1434 : i32
          %get3A_1436 = arith.index_cast %mul3A_1435 : i32 to index
          %get3A_1437 = tpu.vector_load %arg13[%get3A_1436] {strides = array<i32>} : memref<1088xf32, #tpu.memory_space<vmem>>, vector<16xf32>,
          %mul3A_1438 = arith.constant 16 : i32
          %mul3A_1439 = arith.muli %while3A_1431, %mul3A_1438 : i32
          %get3A_1440 = arith.index_cast %mul3A_1439 : i32 to index
          %get3A_1441 = tpu.vector_load %arg14[%get3A_1440] {strides = array<i32>} : memref<1088xi32, #tpu.memory_space<vmem>>, vector<16xi32>,
          %masked_sort3A_1442 = arith.constant dense<true> : vector<16xi1>
          %masked_sort3A_1443, %masked_sort3A_1444, %masked_sort3A_1445 = tpu.sort %get3A_1437, %get3A_1441 masked %masked_sort3A_1442 : (vector<16xf32>, vector<16xi32>, vector<16xi1>) -> (vector<16xi1>, vector<16xf32>, vector<16xi32>)
          %rev3A = arith.constant 15 : i32
          %rev3A_1446 = vector.broadcast %rev3A : i32 to vector<16xi32>
          %rev3A_1447 = tpu.iota {dimensions = array<i32: 0>} : vector<16xi32>
          %rev3A_1448 = arith.subi %rev3A_1446, %rev3A_1447 : vector<16xi32>
          %rev3A_1449 = tpu.dynamic_gather %masked_sort3A_1444[%rev3A_1448] in [0] : vector<16xf32>, vector<16xi32> -> vector<16xf32>
          %rev3A_1450 = arith.constant 15 : i32
          %rev3A_1451 = vector.broadcast %rev3A_1450 : i32 to vector<16xi32>
          %rev3A_1452 = tpu.iota {dimensions = array<i32: 0>} : vector<16xi32>
          %rev3A_1453 = arith.subi %rev3A_1451, %rev3A_1452 : vector<16xi32>
          %rev3A_1454 = tpu.dynamic_gather %masked_sort3A_1445[%rev3A_1453] in [0] : vector<16xi32>, vector<16xi32> -> vector<16xi32>
          %lt3A_1455 = arith.cmpf olt, %while3A_1432, %rev3A_1449 : vector<16xf32>
          %eq3A_1456 = arith.cmpf oeq, %while3A_1432, %rev3A_1449 : vector<16xf32>
          %lt3A_1457 = arith.cmpi slt, %while3A_1433, %rev3A_1454 : vector<16xi32>
          %and3A_1458 = arith.andi %eq3A_1456, %lt3A_1457 : vector<16xi1>
          %or3A = arith.ori %lt3A_1455, %and3A_1458 : vector<16xi1>
          %select_n3A_1459 = arith.select %or3A, %while3A_1432, %rev3A_1449 : vector<16xi1>, vector<16xf32>
          %select_n3A_1460 = arith.select %or3A, %while3A_1433, %rev3A_1454 : vector<16xi1>, vector<16xi32>
          %masked_sort3A_1461 = arith.constant dense<true> : vector<16xi1>
          %masked_sort3A_1462 = arith.constant -2147483648 : i32
          %masked_sort3A_1463 = vector.broadcast %masked_sort3A_1462 : i32 to vector<16xi32>
          %masked_sort3A_1464 = arith.xori %select_n3A_1460, %masked_sort3A_1463 : vector<16xi32>
          %masked_sort3A_1465, %masked_sort3A_1466, %masked_sort3A_1467 = tpu.sort %masked_sort3A_1464, %select_n3A_1459 masked %masked_sort3A_1461 : (vector<16xi32>, vector<16xf32>, vector<16xi1>) -> (vector<16xi1>, vector<16xi32>, vector<16xf32>)
          %masked_sort3A_1468 = arith.xori %masked_sort3A_1466, %masked_sort3A_1463 : vector<16xi32>
          %masked_sort3A_1469 = arith.constant dense<true> : vector<16xi1>
          %masked_sort3A_1470, %masked_sort3A_1471, %masked_sort3A_1472 = tpu.sort %masked_sort3A_1467, %masked_sort3A_1468 masked %masked_sort3A_1469 : (vector<16xf32>, vector<16xi32>, vector<16xi1>) -> (vector<16xi1>, vector<16xf32>, vector<16xi32>)
          scf.yield %masked_sort3A_1471, %masked_sort3A_1472 : vector<16xf32>, vector<16xi32>
        }
        %while3A_1394 = arith.constant 1 : i32
        %while3A_1395:2 = scf.for %while3A_1431 = %while3A_1391 to %while3A_1387 step %while3A_1394 iter_args(%while3A_1432 = %while3A_1393#0, %while3A_1433 = %while3A_1393#1) -> (vector<16xf32>, vector<16xi32>)  : i32 {
          %mul3A_1434 = arith.constant 16 : i32
          %mul3A_1435 = arith.muli %while3A_1431, %mul3A_1434 : i32
          %get3A_1436 = arith.index_cast %mul3A_1435 : i32 to index
          %get3A_1437 = tpu.vector_load %arg13[%get3A_1436] {strides = array<i32>} : memref<1088xf32, #tpu.memory_space<vmem>>, vector<16xf32>,
          %mul3A_1438 = arith.constant 16 : i32
          %mul3A_1439 = arith.muli %while3A_1431, %mul3A_1438 : i32
          %get3A_1440 = arith.index_cast %mul3A_1439 : i32 to index
          %get3A_1441 = tpu.vector_load %arg14[%get3A_1440] {strides = array<i32>} : memref<1088xi32, #tpu.memory_space<vmem>>, vector<16xi32>,
          %masked_sort3A_1442 = arith.constant dense<true> : vector<16xi1>
          %masked_sort3A_1443, %masked_sort3A_1444, %masked_sort3A_1445 = tpu.sort %get3A_1437, %get3A_1441 masked %masked_sort3A_1442 : (vector<16xf32>, vector<16xi32>, vector<16xi1>) -> (vector<16xi1>, vector<16xf32>, vector<16xi32>)
          %rev3A = arith.constant 15 : i32
          %rev3A_1446 = vector.broadcast %rev3A : i32 to vector<16xi32>
          %rev3A_1447 = tpu.iota {dimensions = array<i32: 0>} : vector<16xi32>
          %rev3A_1448 = arith.subi %rev3A_1446, %rev3A_1447 : vector<16xi32>
          %rev3A_1449 = tpu.dynamic_gather %masked_sort3A_1444[%rev3A_1448] in [0] : vector<16xf32>, vector<16xi32> -> vector<16xf32>
          %rev3A_1450 = arith.constant 15 : i32
          %rev3A_1451 = vector.broadcast %rev3A_1450 : i32 to vector<16xi32>
          %rev3A_1452 = tpu.iota {dimensions = array<i32: 0>} : vector<16xi32>
          %rev3A_1453 = arith.subi %rev3A_1451, %rev3A_1452 : vector<16xi32>
          %rev3A_1454 = tpu.dynamic_gather %masked_sort3A_1445[%rev3A_1453] in [0] : vector<16xi32>, vector<16xi32> -> vector<16xi32>
          %lt3A_1455 = arith.cmpf olt, %while3A_1432, %rev3A_1449 : vector<16xf32>
          %eq3A_1456 = arith.cmpf oeq, %while3A_1432, %rev3A_1449 : vector<16xf32>
          %lt3A_1457 = arith.cmpi slt, %while3A_1433, %rev3A_1454 : vector<16xi32>
          %and3A_1458 = arith.andi %eq3A_1456, %lt3A_1457 : vector<16xi1>
          %or3A = arith.ori %lt3A_1455, %and3A_1458 : vector<16xi1>
          %select_n3A_1459 = arith.select %or3A, %while3A_1432, %rev3A_1449 : vector<16xi1>, vector<16xf32>
          %select_n3A_1460 = arith.select %or3A, %while3A_1433, %rev3A_1454 : vector<16xi1>, vector<16xi32>
          %masked_sort3A_1461 = arith.constant dense<true> : vector<16xi1>
          %masked_sort3A_1462 = arith.constant -2147483648 : i32
          %masked_sort3A_1463 = vector.broadcast %masked_sort3A_1462 : i32 to vector<16xi32>
          %masked_sort3A_1464 = arith.xori %select_n3A_1460, %masked_sort3A_1463 : vector<16xi32>
          %masked_sort3A_1465, %masked_sort3A_1466, %masked_sort3A_1467 = tpu.sort %masked_sort3A_1464, %select_n3A_1459 masked %masked_sort3A_1461 : (vector<16xi32>, vector<16xf32>, vector<16xi1>) -> (vector<16xi1>, vector<16xi32>, vector<16xf32>)
          %masked_sort3A_1468 = arith.xori %masked_sort3A_1466, %masked_sort3A_1463 : vector<16xi32>
          %masked_sort3A_1469 = arith.constant dense<true> : vector<16xi1>
          %masked_sort3A_1470, %masked_sort3A_1471, %masked_sort3A_1472 = tpu.sort %masked_sort3A_1467, %masked_sort3A_1468 masked %masked_sort3A_1469 : (vector<16xf32>, vector<16xi32>, vector<16xi1>) -> (vector<16xi1>, vector<16xf32>, vector<16xi32>)
          scf.yield %masked_sort3A_1471, %masked_sort3A_1472 : vector<16xf32>, vector<16xi32>
        }
        %shift_right_arithmetic3A = arith.constant 7 : i32
        %shift_right_arithmetic3A_1396 = vector.broadcast %shift_right_arithmetic3A : i32 to vector<16xi32>
        %shift_right_arithmetic3A_1397 = arith.shrsi %while3A_1395#1, %shift_right_arithmetic3A_1396 : vector<16xi32>
        %min3A = arith.constant 7 : i32
        %min3A_1398 = vector.broadcast %min3A : i32 to vector<16xi32>
        %min3A_1399 = arith.minsi %shift_right_arithmetic3A_1397, %min3A_1398 : vector<16xi32>
        %mul3A_1400 = arith.constant 8 : i32
        %mul3A_1401 = arith.muli %scan3A_62, %mul3A_1400 : i32
        %add3A_1402 = vector.broadcast %mul3A_1401 : i32 to vector<16xi32>
        %add3A_1403 = arith.addi %add3A_1402, %min3A_1399 : vector<16xi32>
        %gather3A = tpu.vector_load_idx %arg11[%add3A_1403] : memref<144xi32, #tpu.memory_space<vmem>>[vector<16xi32>], vector<16xi32>,
        %and3A_1404 = arith.constant 127 : i32
        %and3A_1405 = vector.broadcast %and3A_1404 : i32 to vector<16xi32>
        %and3A_1406 = arith.andi %while3A_1395#1, %and3A_1405 : vector<16xi32>
        %add3A_1407 = arith.addi %gather3A, %and3A_1406 : vector<16xi32>
        %min3A_1408 = arith.constant 8191 : i32
        %min3A_1409 = vector.broadcast %min3A_1408 : i32 to vector<16xi32>
        %min3A_1410 = arith.minsi %add3A_1407, %min3A_1409 : vector<16xi32>
        %gather3A_1411 = tpu.vector_load_idx %arg7[%min3A_1410] : memref<8192xf32, #tpu.memory_space<vmem>>[vector<16xi32>], vector<16xf32>,
        %lt3A = arith.constant 8 : i32
        %lt3A_1412 = vector.broadcast %lt3A : i32 to vector<16xi32>
        %lt3A_1413 = arith.cmpi slt, %iota3A, %lt3A_1412 : vector<16xi32>
        %lt3A_1414 = arith.constant 9.990000e+02 : f32
        %lt3A_1415 = vector.broadcast %lt3A_1414 : f32 to vector<16xf32>
        %lt3A_1416 = arith.cmpf olt, %while3A_1395#0, %lt3A_1415 : vector<16xf32>
        %and3A_1417 = arith.andi %lt3A_1413, %lt3A_1416 : vector<16xi1>
        %jit3A_1418 = arith.constant 0.000000e+00 : f32
        %broadcast_in_dim3A_1419 = vector.broadcast %jit3A_1418 : f32 to vector<16xf32>
        %select_n3A_1420 = arith.select %and3A_1417, %gather3A_1411, %broadcast_in_dim3A_1419 : vector<16xi1>, vector<16xf32>
        %reduce_sum3A = arith.constant true
        %reduce_sum3A_1421 = vector.broadcast %reduce_sum3A : i1 to vector<16xi1>
        %reduce_sum3A_1422 = tpu.scan <sum>, %select_n3A_1420 masked %reduce_sum3A_1421 : vector<16xf32>, vector<16xi1> -> vector<16xf32>
        %reduce_sum3A_1423 = vector.extract %reduce_sum3A_1422[15] : f32 from vector<16xf32>
        %gt3A = arith.constant 4.000000e+00 : f32
        %gt3A_1424 = arith.cmpf ogt, %reduce_sum3A_1423, %gt3A : f32
        %jit3A_1425 = arith.constant 1.000000e+00 : f32
        %jit3A_1426 = arith.constant 0.000000e+00 : f32
        %select_n3A_1427 = arith.select %gt3A_1424, %jit3A_1425, %jit3A_1426 : f32
        %eq3A = vector.broadcast %scan3A_62 : i32 to vector<16xi32>
        %eq3A_1428 = arith.cmpi eq, %iota3A, %eq3A : vector<16xi32>
        %broadcast_in_dim3A_1429 = vector.broadcast %select_n3A_1427 : f32 to vector<16xf32>
        %select_n3A_1430 = arith.select %eq3A_1428, %broadcast_in_dim3A_1429, %scan3A_63 : vector<16xi1>, vector<16xf32>
        scf.yield %select_n3A_1430 : vector<16xf32>
      }
      %scan3A_57 = arith.constant 16 : i32
      %mul3A_58 = arith.constant 16 : i32
      %mul3A_59 = arith.muli %scan3A_37, %mul3A_58 : i32
      %swap3A = arith.index_cast %mul3A_59 : i32 to index
      %swap3A_60 = tpu.vector_load %arg15[%swap3A] {strides = array<i32>} : memref<256xf32, #tpu.memory_space<vmem>>, vector<16xf32>,
      tpu.vector_store %arg15[%swap3A], %scan3A_56 {strides = array<i32>} : memref<256xf32, #tpu.memory_space<vmem>>, vector<16xf32>,
      %scan3A_61 = arith.constant 0 : i32
      scf.yield %scan3A_61 : i32
    }
    %scan3A_36 = arith.constant 16 : i32
    "tpu.region"() ({
      %run_scoped3A = tpu.sem_alloc : memref<!tpu.dma_semaphore, #tpu.memory_space<semaphore_mem>>
      %dma_start3A = arith.constant 0 : i32
      %dma_start3A_37 = tpu.memref_slice %arg15[%dma_start3A] : memref<256xf32, #tpu.memory_space<vmem>> -> memref<256xf32, #tpu.memory_space<vmem>>
      %dma_start3A_38 = tpu.memref_slice %arg6[%mul3A_2] : memref<8192xf32, #tpu.memory_space<hbm>> -> memref<256xf32, #tpu.memory_space<hbm>>
      %dma_start3A_39 = tpu.memref_slice %arg6[%mul3A_2] : memref<8192xf32, #tpu.memory_space<hbm>> -> memref<256xf32, #tpu.memory_space<hbm>>
      %dma_start3A_40 = arith.constant 0 : i32
      %dma_start3A_41 = tpu.memref_slice %arg15[%dma_start3A_40] : memref<256xf32, #tpu.memory_space<vmem>> -> memref<256xf32, #tpu.memory_space<vmem>>
      tpu.enqueue_dma source(%dma_start3A_41 : memref<256xf32, #tpu.memory_space<vmem>>) target(%dma_start3A_39 : memref<256xf32, #tpu.memory_space<hbm>>) target_semaphore(%run_scoped3A : memref<!tpu.dma_semaphore, #tpu.memory_space<semaphore_mem>>)
      %dma_wait3A = arith.constant 0 : i32
      %dma_wait3A_42 = tpu.memref_slice %arg15[%dma_wait3A] : memref<256xf32, #tpu.memory_space<vmem>> -> memref<256xf32, #tpu.memory_space<vmem>>
      %dma_wait3A_43 = tpu.memref_slice %arg6[%mul3A_2] : memref<8192xf32, #tpu.memory_space<hbm>> -> memref<256xf32, #tpu.memory_space<hbm>>
      %dma_wait3A_44 = tpu.memref_slice %arg6[%mul3A_2] : memref<8192xf32, #tpu.memory_space<hbm>> -> memref<256xf32, #tpu.memory_space<hbm>>
      %dma_wait3A_45 = arith.constant 0 : i32
      %dma_wait3A_46 = tpu.memref_slice %arg15[%dma_wait3A_45] : memref<256xf32, #tpu.memory_space<vmem>> -> memref<256xf32, #tpu.memory_space<vmem>>
      tpu.wait_dma2 semaphore(%run_scoped3A : memref<!tpu.dma_semaphore, #tpu.memory_space<semaphore_mem>>) src(%dma_wait3A_46 : memref<256xf32, #tpu.memory_space<vmem>>) dst(%dma_wait3A_44 : memref<256xf32, #tpu.memory_space<hbm>>)
      tpu.yield
    }) : () -> ()
    return
  }
}

module attributes {stable_mosaic.version = 14 : i64} {
  func.func @_tc_tile(%arg0: i32, %arg1: memref<256x2xf32, #tpu.memory_space<vmem>>, %arg2: memref<2x8192xf32, #tpu.memory_space<vmem>>, %arg3: memref<256x8192xf32, #tpu.memory_space<vmem>>, %arg4: memref<256x8xi32, #tpu.memory_space<vmem>>, %arg5: memref<256x1xf32, #tpu.memory_space<vmem>>) attributes {dimension_semantics = [#tpu.dimension_semantics<arbitrary>], iteration_bounds = array<i64: 32>, scalar_prefetch = 0 : i64, scratch_operands = 0 : i64, tpu.core_type = #tpu.core_type<tc>, window_params = [{transform_indices = @transform_0, window_bounds = array<i64: 256, 2>}, {pipeline_mode = #tpu.pipeline_mode<synchronous>, transform_indices = @transform_1, window_bounds = array<i64: 2, 8192>}, {transform_indices = @transform_2, window_bounds = array<i64: 256, 8192>}, {transform_indices = @transform_3, window_bounds = array<i64: 256, 8>}, {transform_indices = @transform_4, window_bounds = array<i64: 256, 1>}]} {
    %get3A = arith.constant 0 : index
    %get3A_0 = arith.constant 0 : index
    %get3A_1 = vector.load %arg1[%get3A, %get3A_0] : memref<256x2xf32, #tpu.memory_space<vmem>>, vector<256x2xf32>
    %get3A_2 = arith.constant 0 : index
    %get3A_3 = arith.constant 0 : index
    %get3A_4 = vector.load %arg2[%get3A_2, %get3A_3] : memref<2x8192xf32, #tpu.memory_space<vmem>>, vector<2x8192xf32>
    %dot_general3A = arith.constant dense<0.000000e+00> : vector<256x8192xf32>
    %dot_general3A_5 = tpu.matmul %get3A_1, %get3A_4, %dot_general3A {dimension_numbers = #tpu.dot_dimension_numbers<[1], [0], [0], [1], [0, 0, 1, 1], [], []>, transpose_lhs_hint = false} : vector<256x2xf32>, vector<2x8192xf32>, vector<256x8192xf32> -> vector<256x8192xf32>
    %slice3A = vector.extract_strided_slice %get3A_1 {offsets = [0, 0], sizes = [256, 1], strides = [1, 1]} : vector<256x2xf32> to vector<256x1xf32>
    %slice3A_6 = vector.extract_strided_slice %get3A_1 {offsets = [0, 0], sizes = [256, 1], strides = [1, 1]} : vector<256x2xf32> to vector<256x1xf32>
    %mul3A = arith.mulf %slice3A, %slice3A_6 : vector<256x1xf32>
    %slice3A_7 = vector.extract_strided_slice %get3A_1 {offsets = [0, 1], sizes = [256, 1], strides = [1, 1]} : vector<256x2xf32> to vector<256x1xf32>
    %slice3A_8 = vector.extract_strided_slice %get3A_1 {offsets = [0, 1], sizes = [256, 1], strides = [1, 1]} : vector<256x2xf32> to vector<256x1xf32>
    %mul3A_9 = arith.mulf %slice3A_7, %slice3A_8 : vector<256x1xf32>
    %add3A = arith.addf %mul3A, %mul3A_9 : vector<256x1xf32>
    %slice3A_10 = vector.extract_strided_slice %get3A_4 {offsets = [0, 0], sizes = [1, 8192], strides = [1, 1]} : vector<2x8192xf32> to vector<1x8192xf32>
    %slice3A_11 = vector.extract_strided_slice %get3A_4 {offsets = [0, 0], sizes = [1, 8192], strides = [1, 1]} : vector<2x8192xf32> to vector<1x8192xf32>
    %mul3A_12 = arith.mulf %slice3A_10, %slice3A_11 : vector<1x8192xf32>
    %slice3A_13 = vector.extract_strided_slice %get3A_4 {offsets = [1, 0], sizes = [1, 8192], strides = [1, 1]} : vector<2x8192xf32> to vector<1x8192xf32>
    %slice3A_14 = vector.extract_strided_slice %get3A_4 {offsets = [1, 0], sizes = [1, 8192], strides = [1, 1]} : vector<2x8192xf32> to vector<1x8192xf32>
    %mul3A_15 = arith.mulf %slice3A_13, %slice3A_14 : vector<1x8192xf32>
    %add3A_16 = arith.addf %mul3A_12, %mul3A_15 : vector<1x8192xf32>
    %add3A_17 = vector.broadcast %add3A : vector<256x1xf32> to vector<256x8192xf32>
    %add3A_18 = vector.broadcast %add3A_16 : vector<1x8192xf32> to vector<256x8192xf32>
    %add3A_19 = arith.addf %add3A_17, %add3A_18 : vector<256x8192xf32>
    %mul3A_20 = arith.constant 2.000000e+00 : f32
    %mul3A_21 = vector.broadcast %mul3A_20 : f32 to vector<256x8192xf32>
    %mul3A_22 = arith.mulf %mul3A_21, %dot_general3A_5 : vector<256x8192xf32>
    %sub3A = arith.subf %add3A_19, %mul3A_22 : vector<256x8192xf32>
    %max3A = arith.constant 0.000000e+00 : f32
    %max3A_23 = vector.broadcast %max3A : f32 to vector<256x8192xf32>
    %max3A_24 = arith.maximumf %sub3A, %max3A_23 : vector<256x8192xf32>
    %mul3A_25 = arith.constant 256 : i32
    %mul3A_26 = arith.muli %arg0, %mul3A_25 : i32
    %iota3A = tpu.iota {dimensions = array<i32: 0>} : vector<256x1xi32>
    %add3A_27 = vector.broadcast %mul3A_26 : i32 to vector<256x1xi32>
    %add3A_28 = arith.addi %add3A_27, %iota3A : vector<256x1xi32>
    %iota3A_29 = tpu.iota {dimensions = array<i32: 1>} : vector<256x8192xi32>
    %eq3A = vector.broadcast %add3A_28 : vector<256x1xi32> to vector<256x8192xi32>
    %eq3A_30 = arith.cmpi eq, %iota3A_29, %eq3A : vector<256x8192xi32>
    %jit3A = arith.constant 0x7F800000 : f32
    %broadcast_in_dim3A = vector.broadcast %jit3A : f32 to vector<256x8192xf32>
    %select_n3A = arith.select %eq3A_30, %broadcast_in_dim3A, %max3A_24 : vector<256x8192xi1>, vector<256x8192xf32>
    %swap3A = arith.constant 0 : index
    %swap3A_31 = arith.constant 0 : index
    %swap3A_32 = vector.load %arg3[%swap3A, %swap3A_31] : memref<256x8192xf32, #tpu.memory_space<vmem>>, vector<256x8192xf32>
    tpu.vector_store %arg3[%swap3A, %swap3A_31], %select_n3A {strides = array<i32>} : memref<256x8192xf32, #tpu.memory_space<vmem>>, vector<256x8192xf32>,
    %slice3A_33 = vector.extract_strided_slice %select_n3A {offsets = [0, 0], sizes = [256, 128], strides = [1, 1]} : vector<256x8192xf32> to vector<256x128xf32>
    %reduce_min3A = arith.constant dense<0x7F800000> : vector<256xf32>
    %reduce_min3A_34 = vector.multi_reduction <minimumf>, %slice3A_33, %reduce_min3A [1] : vector<256x128xf32> to vector<256xf32>
    %broadcast_in_dim3A_35 = vector.shape_cast %reduce_min3A_34 : vector<256xf32> to vector<256x1xf32>
    %slice3A_36 = vector.extract_strided_slice %select_n3A {offsets = [0, 128], sizes = [256, 128], strides = [1, 1]} : vector<256x8192xf32> to vector<256x128xf32>
    %reduce_min3A_37 = arith.constant dense<0x7F800000> : vector<256xf32>
    %reduce_min3A_38 = vector.multi_reduction <minimumf>, %slice3A_36, %reduce_min3A_37 [1] : vector<256x128xf32> to vector<256xf32>
    %broadcast_in_dim3A_39 = vector.shape_cast %reduce_min3A_38 : vector<256xf32> to vector<256x1xf32>
    %slice3A_40 = vector.extract_strided_slice %select_n3A {offsets = [0, 256], sizes = [256, 128], strides = [1, 1]} : vector<256x8192xf32> to vector<256x128xf32>
    %reduce_min3A_41 = arith.constant dense<0x7F800000> : vector<256xf32>
    %reduce_min3A_42 = vector.multi_reduction <minimumf>, %slice3A_40, %reduce_min3A_41 [1] : vector<256x128xf32> to vector<256xf32>
    %broadcast_in_dim3A_43 = vector.shape_cast %reduce_min3A_42 : vector<256xf32> to vector<256x1xf32>
    %slice3A_44 = vector.extract_strided_slice %select_n3A {offsets = [0, 384], sizes = [256, 128], strides = [1, 1]} : vector<256x8192xf32> to vector<256x128xf32>
    %reduce_min3A_45 = arith.constant dense<0x7F800000> : vector<256xf32>
    %reduce_min3A_46 = vector.multi_reduction <minimumf>, %slice3A_44, %reduce_min3A_45 [1] : vector<256x128xf32> to vector<256xf32>
    %broadcast_in_dim3A_47 = vector.shape_cast %reduce_min3A_46 : vector<256xf32> to vector<256x1xf32>
    %slice3A_48 = vector.extract_strided_slice %select_n3A {offsets = [0, 512], sizes = [256, 128], strides = [1, 1]} : vector<256x8192xf32> to vector<256x128xf32>
    %reduce_min3A_49 = arith.constant dense<0x7F800000> : vector<256xf32>
    %reduce_min3A_50 = vector.multi_reduction <minimumf>, %slice3A_48, %reduce_min3A_49 [1] : vector<256x128xf32> to vector<256xf32>
    %broadcast_in_dim3A_51 = vector.shape_cast %reduce_min3A_50 : vector<256xf32> to vector<256x1xf32>
    %slice3A_52 = vector.extract_strided_slice %select_n3A {offsets = [0, 640], sizes = [256, 128], strides = [1, 1]} : vector<256x8192xf32> to vector<256x128xf32>
    %reduce_min3A_53 = arith.constant dense<0x7F800000> : vector<256xf32>
    %reduce_min3A_54 = vector.multi_reduction <minimumf>, %slice3A_52, %reduce_min3A_53 [1] : vector<256x128xf32> to vector<256xf32>
    %broadcast_in_dim3A_55 = vector.shape_cast %reduce_min3A_54 : vector<256xf32> to vector<256x1xf32>
    %slice3A_56 = vector.extract_strided_slice %select_n3A {offsets = [0, 768], sizes = [256, 128], strides = [1, 1]} : vector<256x8192xf32> to vector<256x128xf32>
    %reduce_min3A_57 = arith.constant dense<0x7F800000> : vector<256xf32>
    %reduce_min3A_58 = vector.multi_reduction <minimumf>, %slice3A_56, %reduce_min3A_57 [1] : vector<256x128xf32> to vector<256xf32>
    %broadcast_in_dim3A_59 = vector.shape_cast %reduce_min3A_58 : vector<256xf32> to vector<256x1xf32>
    %slice3A_60 = vector.extract_strided_slice %select_n3A {offsets = [0, 896], sizes = [256, 128], strides = [1, 1]} : vector<256x8192xf32> to vector<256x128xf32>
    %reduce_min3A_61 = arith.constant dense<0x7F800000> : vector<256xf32>
    %reduce_min3A_62 = vector.multi_reduction <minimumf>, %slice3A_60, %reduce_min3A_61 [1] : vector<256x128xf32> to vector<256xf32>
    %broadcast_in_dim3A_63 = vector.shape_cast %reduce_min3A_62 : vector<256xf32> to vector<256x1xf32>
    %slice3A_64 = vector.extract_strided_slice %select_n3A {offsets = [0, 1024], sizes = [256, 128], strides = [1, 1]} : vector<256x8192xf32> to vector<256x128xf32>
    %reduce_min3A_65 = arith.constant dense<0x7F800000> : vector<256xf32>
    %reduce_min3A_66 = vector.multi_reduction <minimumf>, %slice3A_64, %reduce_min3A_65 [1] : vector<256x128xf32> to vector<256xf32>
    %broadcast_in_dim3A_67 = vector.shape_cast %reduce_min3A_66 : vector<256xf32> to vector<256x1xf32>
    %slice3A_68 = vector.extract_strided_slice %select_n3A {offsets = [0, 1152], sizes = [256, 128], strides = [1, 1]} : vector<256x8192xf32> to vector<256x128xf32>
    %reduce_min3A_69 = arith.constant dense<0x7F800000> : vector<256xf32>
    %reduce_min3A_70 = vector.multi_reduction <minimumf>, %slice3A_68, %reduce_min3A_69 [1] : vector<256x128xf32> to vector<256xf32>
    %broadcast_in_dim3A_71 = vector.shape_cast %reduce_min3A_70 : vector<256xf32> to vector<256x1xf32>
    %slice3A_72 = vector.extract_strided_slice %select_n3A {offsets = [0, 1280], sizes = [256, 128], strides = [1, 1]} : vector<256x8192xf32> to vector<256x128xf32>
    %reduce_min3A_73 = arith.constant dense<0x7F800000> : vector<256xf32>
    %reduce_min3A_74 = vector.multi_reduction <minimumf>, %slice3A_72, %reduce_min3A_73 [1] : vector<256x128xf32> to vector<256xf32>
    %broadcast_in_dim3A_75 = vector.shape_cast %reduce_min3A_74 : vector<256xf32> to vector<256x1xf32>
    %slice3A_76 = vector.extract_strided_slice %select_n3A {offsets = [0, 1408], sizes = [256, 128], strides = [1, 1]} : vector<256x8192xf32> to vector<256x128xf32>
    %reduce_min3A_77 = arith.constant dense<0x7F800000> : vector<256xf32>
    %reduce_min3A_78 = vector.multi_reduction <minimumf>, %slice3A_76, %reduce_min3A_77 [1] : vector<256x128xf32> to vector<256xf32>
    %broadcast_in_dim3A_79 = vector.shape_cast %reduce_min3A_78 : vector<256xf32> to vector<256x1xf32>
    %slice3A_80 = vector.extract_strided_slice %select_n3A {offsets = [0, 1536], sizes = [256, 128], strides = [1, 1]} : vector<256x8192xf32> to vector<256x128xf32>
    %reduce_min3A_81 = arith.constant dense<0x7F800000> : vector<256xf32>
    %reduce_min3A_82 = vector.multi_reduction <minimumf>, %slice3A_80, %reduce_min3A_81 [1] : vector<256x128xf32> to vector<256xf32>
    %broadcast_in_dim3A_83 = vector.shape_cast %reduce_min3A_82 : vector<256xf32> to vector<256x1xf32>
    %slice3A_84 = vector.extract_strided_slice %select_n3A {offsets = [0, 1664], sizes = [256, 128], strides = [1, 1]} : vector<256x8192xf32> to vector<256x128xf32>
    %reduce_min3A_85 = arith.constant dense<0x7F800000> : vector<256xf32>
    %reduce_min3A_86 = vector.multi_reduction <minimumf>, %slice3A_84, %reduce_min3A_85 [1] : vector<256x128xf32> to vector<256xf32>
    %broadcast_in_dim3A_87 = vector.shape_cast %reduce_min3A_86 : vector<256xf32> to vector<256x1xf32>
    %slice3A_88 = vector.extract_strided_slice %select_n3A {offsets = [0, 1792], sizes = [256, 128], strides = [1, 1]} : vector<256x8192xf32> to vector<256x128xf32>
    %reduce_min3A_89 = arith.constant dense<0x7F800000> : vector<256xf32>
    %reduce_min3A_90 = vector.multi_reduction <minimumf>, %slice3A_88, %reduce_min3A_89 [1] : vector<256x128xf32> to vector<256xf32>
    %broadcast_in_dim3A_91 = vector.shape_cast %reduce_min3A_90 : vector<256xf32> to vector<256x1xf32>
    %slice3A_92 = vector.extract_strided_slice %select_n3A {offsets = [0, 1920], sizes = [256, 128], strides = [1, 1]} : vector<256x8192xf32> to vector<256x128xf32>
    %reduce_min3A_93 = arith.constant dense<0x7F800000> : vector<256xf32>
    %reduce_min3A_94 = vector.multi_reduction <minimumf>, %slice3A_92, %reduce_min3A_93 [1] : vector<256x128xf32> to vector<256xf32>
    %broadcast_in_dim3A_95 = vector.shape_cast %reduce_min3A_94 : vector<256xf32> to vector<256x1xf32>
    %slice3A_96 = vector.extract_strided_slice %select_n3A {offsets = [0, 2048], sizes = [256, 128], strides = [1, 1]} : vector<256x8192xf32> to vector<256x128xf32>
    %reduce_min3A_97 = arith.constant dense<0x7F800000> : vector<256xf32>
    %reduce_min3A_98 = vector.multi_reduction <minimumf>, %slice3A_96, %reduce_min3A_97 [1] : vector<256x128xf32> to vector<256xf32>
    %broadcast_in_dim3A_99 = vector.shape_cast %reduce_min3A_98 : vector<256xf32> to vector<256x1xf32>
    %slice3A_100 = vector.extract_strided_slice %select_n3A {offsets = [0, 2176], sizes = [256, 128], strides = [1, 1]} : vector<256x8192xf32> to vector<256x128xf32>
    %reduce_min3A_101 = arith.constant dense<0x7F800000> : vector<256xf32>
    %reduce_min3A_102 = vector.multi_reduction <minimumf>, %slice3A_100, %reduce_min3A_101 [1] : vector<256x128xf32> to vector<256xf32>
    %broadcast_in_dim3A_103 = vector.shape_cast %reduce_min3A_102 : vector<256xf32> to vector<256x1xf32>
    %slice3A_104 = vector.extract_strided_slice %select_n3A {offsets = [0, 2304], sizes = [256, 128], strides = [1, 1]} : vector<256x8192xf32> to vector<256x128xf32>
    %reduce_min3A_105 = arith.constant dense<0x7F800000> : vector<256xf32>
    %reduce_min3A_106 = vector.multi_reduction <minimumf>, %slice3A_104, %reduce_min3A_105 [1] : vector<256x128xf32> to vector<256xf32>
    %broadcast_in_dim3A_107 = vector.shape_cast %reduce_min3A_106 : vector<256xf32> to vector<256x1xf32>
    %slice3A_108 = vector.extract_strided_slice %select_n3A {offsets = [0, 2432], sizes = [256, 128], strides = [1, 1]} : vector<256x8192xf32> to vector<256x128xf32>
    %reduce_min3A_109 = arith.constant dense<0x7F800000> : vector<256xf32>
    %reduce_min3A_110 = vector.multi_reduction <minimumf>, %slice3A_108, %reduce_min3A_109 [1] : vector<256x128xf32> to vector<256xf32>
    %broadcast_in_dim3A_111 = vector.shape_cast %reduce_min3A_110 : vector<256xf32> to vector<256x1xf32>
    %slice3A_112 = vector.extract_strided_slice %select_n3A {offsets = [0, 2560], sizes = [256, 128], strides = [1, 1]} : vector<256x8192xf32> to vector<256x128xf32>
    %reduce_min3A_113 = arith.constant dense<0x7F800000> : vector<256xf32>
    %reduce_min3A_114 = vector.multi_reduction <minimumf>, %slice3A_112, %reduce_min3A_113 [1] : vector<256x128xf32> to vector<256xf32>
    %broadcast_in_dim3A_115 = vector.shape_cast %reduce_min3A_114 : vector<256xf32> to vector<256x1xf32>
    %slice3A_116 = vector.extract_strided_slice %select_n3A {offsets = [0, 2688], sizes = [256, 128], strides = [1, 1]} : vector<256x8192xf32> to vector<256x128xf32>
    %reduce_min3A_117 = arith.constant dense<0x7F800000> : vector<256xf32>
    %reduce_min3A_118 = vector.multi_reduction <minimumf>, %slice3A_116, %reduce_min3A_117 [1] : vector<256x128xf32> to vector<256xf32>
    %broadcast_in_dim3A_119 = vector.shape_cast %reduce_min3A_118 : vector<256xf32> to vector<256x1xf32>
    %slice3A_120 = vector.extract_strided_slice %select_n3A {offsets = [0, 2816], sizes = [256, 128], strides = [1, 1]} : vector<256x8192xf32> to vector<256x128xf32>
    %reduce_min3A_121 = arith.constant dense<0x7F800000> : vector<256xf32>
    %reduce_min3A_122 = vector.multi_reduction <minimumf>, %slice3A_120, %reduce_min3A_121 [1] : vector<256x128xf32> to vector<256xf32>
    %broadcast_in_dim3A_123 = vector.shape_cast %reduce_min3A_122 : vector<256xf32> to vector<256x1xf32>
    %slice3A_124 = vector.extract_strided_slice %select_n3A {offsets = [0, 2944], sizes = [256, 128], strides = [1, 1]} : vector<256x8192xf32> to vector<256x128xf32>
    %reduce_min3A_125 = arith.constant dense<0x7F800000> : vector<256xf32>
    %reduce_min3A_126 = vector.multi_reduction <minimumf>, %slice3A_124, %reduce_min3A_125 [1] : vector<256x128xf32> to vector<256xf32>
    %broadcast_in_dim3A_127 = vector.shape_cast %reduce_min3A_126 : vector<256xf32> to vector<256x1xf32>
    %slice3A_128 = vector.extract_strided_slice %select_n3A {offsets = [0, 3072], sizes = [256, 128], strides = [1, 1]} : vector<256x8192xf32> to vector<256x128xf32>
    %reduce_min3A_129 = arith.constant dense<0x7F800000> : vector<256xf32>
    %reduce_min3A_130 = vector.multi_reduction <minimumf>, %slice3A_128, %reduce_min3A_129 [1] : vector<256x128xf32> to vector<256xf32>
    %broadcast_in_dim3A_131 = vector.shape_cast %reduce_min3A_130 : vector<256xf32> to vector<256x1xf32>
    %slice3A_132 = vector.extract_strided_slice %select_n3A {offsets = [0, 3200], sizes = [256, 128], strides = [1, 1]} : vector<256x8192xf32> to vector<256x128xf32>
    %reduce_min3A_133 = arith.constant dense<0x7F800000> : vector<256xf32>
    %reduce_min3A_134 = vector.multi_reduction <minimumf>, %slice3A_132, %reduce_min3A_133 [1] : vector<256x128xf32> to vector<256xf32>
    %broadcast_in_dim3A_135 = vector.shape_cast %reduce_min3A_134 : vector<256xf32> to vector<256x1xf32>
    %slice3A_136 = vector.extract_strided_slice %select_n3A {offsets = [0, 3328], sizes = [256, 128], strides = [1, 1]} : vector<256x8192xf32> to vector<256x128xf32>
    %reduce_min3A_137 = arith.constant dense<0x7F800000> : vector<256xf32>
    %reduce_min3A_138 = vector.multi_reduction <minimumf>, %slice3A_136, %reduce_min3A_137 [1] : vector<256x128xf32> to vector<256xf32>
    %broadcast_in_dim3A_139 = vector.shape_cast %reduce_min3A_138 : vector<256xf32> to vector<256x1xf32>
    %slice3A_140 = vector.extract_strided_slice %select_n3A {offsets = [0, 3456], sizes = [256, 128], strides = [1, 1]} : vector<256x8192xf32> to vector<256x128xf32>
    %reduce_min3A_141 = arith.constant dense<0x7F800000> : vector<256xf32>
    %reduce_min3A_142 = vector.multi_reduction <minimumf>, %slice3A_140, %reduce_min3A_141 [1] : vector<256x128xf32> to vector<256xf32>
    %broadcast_in_dim3A_143 = vector.shape_cast %reduce_min3A_142 : vector<256xf32> to vector<256x1xf32>
    %slice3A_144 = vector.extract_strided_slice %select_n3A {offsets = [0, 3584], sizes = [256, 128], strides = [1, 1]} : vector<256x8192xf32> to vector<256x128xf32>
    %reduce_min3A_145 = arith.constant dense<0x7F800000> : vector<256xf32>
    %reduce_min3A_146 = vector.multi_reduction <minimumf>, %slice3A_144, %reduce_min3A_145 [1] : vector<256x128xf32> to vector<256xf32>
    %broadcast_in_dim3A_147 = vector.shape_cast %reduce_min3A_146 : vector<256xf32> to vector<256x1xf32>
    %slice3A_148 = vector.extract_strided_slice %select_n3A {offsets = [0, 3712], sizes = [256, 128], strides = [1, 1]} : vector<256x8192xf32> to vector<256x128xf32>
    %reduce_min3A_149 = arith.constant dense<0x7F800000> : vector<256xf32>
    %reduce_min3A_150 = vector.multi_reduction <minimumf>, %slice3A_148, %reduce_min3A_149 [1] : vector<256x128xf32> to vector<256xf32>
    %broadcast_in_dim3A_151 = vector.shape_cast %reduce_min3A_150 : vector<256xf32> to vector<256x1xf32>
    %slice3A_152 = vector.extract_strided_slice %select_n3A {offsets = [0, 3840], sizes = [256, 128], strides = [1, 1]} : vector<256x8192xf32> to vector<256x128xf32>
    %reduce_min3A_153 = arith.constant dense<0x7F800000> : vector<256xf32>
    %reduce_min3A_154 = vector.multi_reduction <minimumf>, %slice3A_152, %reduce_min3A_153 [1] : vector<256x128xf32> to vector<256xf32>
    %broadcast_in_dim3A_155 = vector.shape_cast %reduce_min3A_154 : vector<256xf32> to vector<256x1xf32>
    %slice3A_156 = vector.extract_strided_slice %select_n3A {offsets = [0, 3968], sizes = [256, 128], strides = [1, 1]} : vector<256x8192xf32> to vector<256x128xf32>
    %reduce_min3A_157 = arith.constant dense<0x7F800000> : vector<256xf32>
    %reduce_min3A_158 = vector.multi_reduction <minimumf>, %slice3A_156, %reduce_min3A_157 [1] : vector<256x128xf32> to vector<256xf32>
    %broadcast_in_dim3A_159 = vector.shape_cast %reduce_min3A_158 : vector<256xf32> to vector<256x1xf32>
    %slice3A_160 = vector.extract_strided_slice %select_n3A {offsets = [0, 4096], sizes = [256, 128], strides = [1, 1]} : vector<256x8192xf32> to vector<256x128xf32>
    %reduce_min3A_161 = arith.constant dense<0x7F800000> : vector<256xf32>
    %reduce_min3A_162 = vector.multi_reduction <minimumf>, %slice3A_160, %reduce_min3A_161 [1] : vector<256x128xf32> to vector<256xf32>
    %broadcast_in_dim3A_163 = vector.shape_cast %reduce_min3A_162 : vector<256xf32> to vector<256x1xf32>
    %slice3A_164 = vector.extract_strided_slice %select_n3A {offsets = [0, 4224], sizes = [256, 128], strides = [1, 1]} : vector<256x8192xf32> to vector<256x128xf32>
    %reduce_min3A_165 = arith.constant dense<0x7F800000> : vector<256xf32>
    %reduce_min3A_166 = vector.multi_reduction <minimumf>, %slice3A_164, %reduce_min3A_165 [1] : vector<256x128xf32> to vector<256xf32>
    %broadcast_in_dim3A_167 = vector.shape_cast %reduce_min3A_166 : vector<256xf32> to vector<256x1xf32>
    %slice3A_168 = vector.extract_strided_slice %select_n3A {offsets = [0, 4352], sizes = [256, 128], strides = [1, 1]} : vector<256x8192xf32> to vector<256x128xf32>
    %reduce_min3A_169 = arith.constant dense<0x7F800000> : vector<256xf32>
    %reduce_min3A_170 = vector.multi_reduction <minimumf>, %slice3A_168, %reduce_min3A_169 [1] : vector<256x128xf32> to vector<256xf32>
    %broadcast_in_dim3A_171 = vector.shape_cast %reduce_min3A_170 : vector<256xf32> to vector<256x1xf32>
    %slice3A_172 = vector.extract_strided_slice %select_n3A {offsets = [0, 4480], sizes = [256, 128], strides = [1, 1]} : vector<256x8192xf32> to vector<256x128xf32>
    %reduce_min3A_173 = arith.constant dense<0x7F800000> : vector<256xf32>
    %reduce_min3A_174 = vector.multi_reduction <minimumf>, %slice3A_172, %reduce_min3A_173 [1] : vector<256x128xf32> to vector<256xf32>
    %broadcast_in_dim3A_175 = vector.shape_cast %reduce_min3A_174 : vector<256xf32> to vector<256x1xf32>
    %slice3A_176 = vector.extract_strided_slice %select_n3A {offsets = [0, 4608], sizes = [256, 128], strides = [1, 1]} : vector<256x8192xf32> to vector<256x128xf32>
    %reduce_min3A_177 = arith.constant dense<0x7F800000> : vector<256xf32>
    %reduce_min3A_178 = vector.multi_reduction <minimumf>, %slice3A_176, %reduce_min3A_177 [1] : vector<256x128xf32> to vector<256xf32>
    %broadcast_in_dim3A_179 = vector.shape_cast %reduce_min3A_178 : vector<256xf32> to vector<256x1xf32>
    %slice3A_180 = vector.extract_strided_slice %select_n3A {offsets = [0, 4736], sizes = [256, 128], strides = [1, 1]} : vector<256x8192xf32> to vector<256x128xf32>
    %reduce_min3A_181 = arith.constant dense<0x7F800000> : vector<256xf32>
    %reduce_min3A_182 = vector.multi_reduction <minimumf>, %slice3A_180, %reduce_min3A_181 [1] : vector<256x128xf32> to vector<256xf32>
    %broadcast_in_dim3A_183 = vector.shape_cast %reduce_min3A_182 : vector<256xf32> to vector<256x1xf32>
    %slice3A_184 = vector.extract_strided_slice %select_n3A {offsets = [0, 4864], sizes = [256, 128], strides = [1, 1]} : vector<256x8192xf32> to vector<256x128xf32>
    %reduce_min3A_185 = arith.constant dense<0x7F800000> : vector<256xf32>
    %reduce_min3A_186 = vector.multi_reduction <minimumf>, %slice3A_184, %reduce_min3A_185 [1] : vector<256x128xf32> to vector<256xf32>
    %broadcast_in_dim3A_187 = vector.shape_cast %reduce_min3A_186 : vector<256xf32> to vector<256x1xf32>
    %slice3A_188 = vector.extract_strided_slice %select_n3A {offsets = [0, 4992], sizes = [256, 128], strides = [1, 1]} : vector<256x8192xf32> to vector<256x128xf32>
    %reduce_min3A_189 = arith.constant dense<0x7F800000> : vector<256xf32>
    %reduce_min3A_190 = vector.multi_reduction <minimumf>, %slice3A_188, %reduce_min3A_189 [1] : vector<256x128xf32> to vector<256xf32>
    %broadcast_in_dim3A_191 = vector.shape_cast %reduce_min3A_190 : vector<256xf32> to vector<256x1xf32>
    %slice3A_192 = vector.extract_strided_slice %select_n3A {offsets = [0, 5120], sizes = [256, 128], strides = [1, 1]} : vector<256x8192xf32> to vector<256x128xf32>
    %reduce_min3A_193 = arith.constant dense<0x7F800000> : vector<256xf32>
    %reduce_min3A_194 = vector.multi_reduction <minimumf>, %slice3A_192, %reduce_min3A_193 [1] : vector<256x128xf32> to vector<256xf32>
    %broadcast_in_dim3A_195 = vector.shape_cast %reduce_min3A_194 : vector<256xf32> to vector<256x1xf32>
    %slice3A_196 = vector.extract_strided_slice %select_n3A {offsets = [0, 5248], sizes = [256, 128], strides = [1, 1]} : vector<256x8192xf32> to vector<256x128xf32>
    %reduce_min3A_197 = arith.constant dense<0x7F800000> : vector<256xf32>
    %reduce_min3A_198 = vector.multi_reduction <minimumf>, %slice3A_196, %reduce_min3A_197 [1] : vector<256x128xf32> to vector<256xf32>
    %broadcast_in_dim3A_199 = vector.shape_cast %reduce_min3A_198 : vector<256xf32> to vector<256x1xf32>
    %slice3A_200 = vector.extract_strided_slice %select_n3A {offsets = [0, 5376], sizes = [256, 128], strides = [1, 1]} : vector<256x8192xf32> to vector<256x128xf32>
    %reduce_min3A_201 = arith.constant dense<0x7F800000> : vector<256xf32>
    %reduce_min3A_202 = vector.multi_reduction <minimumf>, %slice3A_200, %reduce_min3A_201 [1] : vector<256x128xf32> to vector<256xf32>
    %broadcast_in_dim3A_203 = vector.shape_cast %reduce_min3A_202 : vector<256xf32> to vector<256x1xf32>
    %slice3A_204 = vector.extract_strided_slice %select_n3A {offsets = [0, 5504], sizes = [256, 128], strides = [1, 1]} : vector<256x8192xf32> to vector<256x128xf32>
    %reduce_min3A_205 = arith.constant dense<0x7F800000> : vector<256xf32>
    %reduce_min3A_206 = vector.multi_reduction <minimumf>, %slice3A_204, %reduce_min3A_205 [1] : vector<256x128xf32> to vector<256xf32>
    %broadcast_in_dim3A_207 = vector.shape_cast %reduce_min3A_206 : vector<256xf32> to vector<256x1xf32>
    %slice3A_208 = vector.extract_strided_slice %select_n3A {offsets = [0, 5632], sizes = [256, 128], strides = [1, 1]} : vector<256x8192xf32> to vector<256x128xf32>
    %reduce_min3A_209 = arith.constant dense<0x7F800000> : vector<256xf32>
    %reduce_min3A_210 = vector.multi_reduction <minimumf>, %slice3A_208, %reduce_min3A_209 [1] : vector<256x128xf32> to vector<256xf32>
    %broadcast_in_dim3A_211 = vector.shape_cast %reduce_min3A_210 : vector<256xf32> to vector<256x1xf32>
    %slice3A_212 = vector.extract_strided_slice %select_n3A {offsets = [0, 5760], sizes = [256, 128], strides = [1, 1]} : vector<256x8192xf32> to vector<256x128xf32>
    %reduce_min3A_213 = arith.constant dense<0x7F800000> : vector<256xf32>
    %reduce_min3A_214 = vector.multi_reduction <minimumf>, %slice3A_212, %reduce_min3A_213 [1] : vector<256x128xf32> to vector<256xf32>
    %broadcast_in_dim3A_215 = vector.shape_cast %reduce_min3A_214 : vector<256xf32> to vector<256x1xf32>
    %slice3A_216 = vector.extract_strided_slice %select_n3A {offsets = [0, 5888], sizes = [256, 128], strides = [1, 1]} : vector<256x8192xf32> to vector<256x128xf32>
    %reduce_min3A_217 = arith.constant dense<0x7F800000> : vector<256xf32>
    %reduce_min3A_218 = vector.multi_reduction <minimumf>, %slice3A_216, %reduce_min3A_217 [1] : vector<256x128xf32> to vector<256xf32>
    %broadcast_in_dim3A_219 = vector.shape_cast %reduce_min3A_218 : vector<256xf32> to vector<256x1xf32>
    %slice3A_220 = vector.extract_strided_slice %select_n3A {offsets = [0, 6016], sizes = [256, 128], strides = [1, 1]} : vector<256x8192xf32> to vector<256x128xf32>
    %reduce_min3A_221 = arith.constant dense<0x7F800000> : vector<256xf32>
    %reduce_min3A_222 = vector.multi_reduction <minimumf>, %slice3A_220, %reduce_min3A_221 [1] : vector<256x128xf32> to vector<256xf32>
    %broadcast_in_dim3A_223 = vector.shape_cast %reduce_min3A_222 : vector<256xf32> to vector<256x1xf32>
    %slice3A_224 = vector.extract_strided_slice %select_n3A {offsets = [0, 6144], sizes = [256, 128], strides = [1, 1]} : vector<256x8192xf32> to vector<256x128xf32>
    %reduce_min3A_225 = arith.constant dense<0x7F800000> : vector<256xf32>
    %reduce_min3A_226 = vector.multi_reduction <minimumf>, %slice3A_224, %reduce_min3A_225 [1] : vector<256x128xf32> to vector<256xf32>
    %broadcast_in_dim3A_227 = vector.shape_cast %reduce_min3A_226 : vector<256xf32> to vector<256x1xf32>
    %slice3A_228 = vector.extract_strided_slice %select_n3A {offsets = [0, 6272], sizes = [256, 128], strides = [1, 1]} : vector<256x8192xf32> to vector<256x128xf32>
    %reduce_min3A_229 = arith.constant dense<0x7F800000> : vector<256xf32>
    %reduce_min3A_230 = vector.multi_reduction <minimumf>, %slice3A_228, %reduce_min3A_229 [1] : vector<256x128xf32> to vector<256xf32>
    %broadcast_in_dim3A_231 = vector.shape_cast %reduce_min3A_230 : vector<256xf32> to vector<256x1xf32>
    %slice3A_232 = vector.extract_strided_slice %select_n3A {offsets = [0, 6400], sizes = [256, 128], strides = [1, 1]} : vector<256x8192xf32> to vector<256x128xf32>
    %reduce_min3A_233 = arith.constant dense<0x7F800000> : vector<256xf32>
    %reduce_min3A_234 = vector.multi_reduction <minimumf>, %slice3A_232, %reduce_min3A_233 [1] : vector<256x128xf32> to vector<256xf32>
    %broadcast_in_dim3A_235 = vector.shape_cast %reduce_min3A_234 : vector<256xf32> to vector<256x1xf32>
    %slice3A_236 = vector.extract_strided_slice %select_n3A {offsets = [0, 6528], sizes = [256, 128], strides = [1, 1]} : vector<256x8192xf32> to vector<256x128xf32>
    %reduce_min3A_237 = arith.constant dense<0x7F800000> : vector<256xf32>
    %reduce_min3A_238 = vector.multi_reduction <minimumf>, %slice3A_236, %reduce_min3A_237 [1] : vector<256x128xf32> to vector<256xf32>
    %broadcast_in_dim3A_239 = vector.shape_cast %reduce_min3A_238 : vector<256xf32> to vector<256x1xf32>
    %slice3A_240 = vector.extract_strided_slice %select_n3A {offsets = [0, 6656], sizes = [256, 128], strides = [1, 1]} : vector<256x8192xf32> to vector<256x128xf32>
    %reduce_min3A_241 = arith.constant dense<0x7F800000> : vector<256xf32>
    %reduce_min3A_242 = vector.multi_reduction <minimumf>, %slice3A_240, %reduce_min3A_241 [1] : vector<256x128xf32> to vector<256xf32>
    %broadcast_in_dim3A_243 = vector.shape_cast %reduce_min3A_242 : vector<256xf32> to vector<256x1xf32>
    %slice3A_244 = vector.extract_strided_slice %select_n3A {offsets = [0, 6784], sizes = [256, 128], strides = [1, 1]} : vector<256x8192xf32> to vector<256x128xf32>
    %reduce_min3A_245 = arith.constant dense<0x7F800000> : vector<256xf32>
    %reduce_min3A_246 = vector.multi_reduction <minimumf>, %slice3A_244, %reduce_min3A_245 [1] : vector<256x128xf32> to vector<256xf32>
    %broadcast_in_dim3A_247 = vector.shape_cast %reduce_min3A_246 : vector<256xf32> to vector<256x1xf32>
    %slice3A_248 = vector.extract_strided_slice %select_n3A {offsets = [0, 6912], sizes = [256, 128], strides = [1, 1]} : vector<256x8192xf32> to vector<256x128xf32>
    %reduce_min3A_249 = arith.constant dense<0x7F800000> : vector<256xf32>
    %reduce_min3A_250 = vector.multi_reduction <minimumf>, %slice3A_248, %reduce_min3A_249 [1] : vector<256x128xf32> to vector<256xf32>
    %broadcast_in_dim3A_251 = vector.shape_cast %reduce_min3A_250 : vector<256xf32> to vector<256x1xf32>
    %slice3A_252 = vector.extract_strided_slice %select_n3A {offsets = [0, 7040], sizes = [256, 128], strides = [1, 1]} : vector<256x8192xf32> to vector<256x128xf32>
    %reduce_min3A_253 = arith.constant dense<0x7F800000> : vector<256xf32>
    %reduce_min3A_254 = vector.multi_reduction <minimumf>, %slice3A_252, %reduce_min3A_253 [1] : vector<256x128xf32> to vector<256xf32>
    %broadcast_in_dim3A_255 = vector.shape_cast %reduce_min3A_254 : vector<256xf32> to vector<256x1xf32>
    %slice3A_256 = vector.extract_strided_slice %select_n3A {offsets = [0, 7168], sizes = [256, 128], strides = [1, 1]} : vector<256x8192xf32> to vector<256x128xf32>
    %reduce_min3A_257 = arith.constant dense<0x7F800000> : vector<256xf32>
    %reduce_min3A_258 = vector.multi_reduction <minimumf>, %slice3A_256, %reduce_min3A_257 [1] : vector<256x128xf32> to vector<256xf32>
    %broadcast_in_dim3A_259 = vector.shape_cast %reduce_min3A_258 : vector<256xf32> to vector<256x1xf32>
    %slice3A_260 = vector.extract_strided_slice %select_n3A {offsets = [0, 7296], sizes = [256, 128], strides = [1, 1]} : vector<256x8192xf32> to vector<256x128xf32>
    %reduce_min3A_261 = arith.constant dense<0x7F800000> : vector<256xf32>
    %reduce_min3A_262 = vector.multi_reduction <minimumf>, %slice3A_260, %reduce_min3A_261 [1] : vector<256x128xf32> to vector<256xf32>
    %broadcast_in_dim3A_263 = vector.shape_cast %reduce_min3A_262 : vector<256xf32> to vector<256x1xf32>
    %slice3A_264 = vector.extract_strided_slice %select_n3A {offsets = [0, 7424], sizes = [256, 128], strides = [1, 1]} : vector<256x8192xf32> to vector<256x128xf32>
    %reduce_min3A_265 = arith.constant dense<0x7F800000> : vector<256xf32>
    %reduce_min3A_266 = vector.multi_reduction <minimumf>, %slice3A_264, %reduce_min3A_265 [1] : vector<256x128xf32> to vector<256xf32>
    %broadcast_in_dim3A_267 = vector.shape_cast %reduce_min3A_266 : vector<256xf32> to vector<256x1xf32>
    %slice3A_268 = vector.extract_strided_slice %select_n3A {offsets = [0, 7552], sizes = [256, 128], strides = [1, 1]} : vector<256x8192xf32> to vector<256x128xf32>
    %reduce_min3A_269 = arith.constant dense<0x7F800000> : vector<256xf32>
    %reduce_min3A_270 = vector.multi_reduction <minimumf>, %slice3A_268, %reduce_min3A_269 [1] : vector<256x128xf32> to vector<256xf32>
    %broadcast_in_dim3A_271 = vector.shape_cast %reduce_min3A_270 : vector<256xf32> to vector<256x1xf32>
    %slice3A_272 = vector.extract_strided_slice %select_n3A {offsets = [0, 7680], sizes = [256, 128], strides = [1, 1]} : vector<256x8192xf32> to vector<256x128xf32>
    %reduce_min3A_273 = arith.constant dense<0x7F800000> : vector<256xf32>
    %reduce_min3A_274 = vector.multi_reduction <minimumf>, %slice3A_272, %reduce_min3A_273 [1] : vector<256x128xf32> to vector<256xf32>
    %broadcast_in_dim3A_275 = vector.shape_cast %reduce_min3A_274 : vector<256xf32> to vector<256x1xf32>
    %slice3A_276 = vector.extract_strided_slice %select_n3A {offsets = [0, 7808], sizes = [256, 128], strides = [1, 1]} : vector<256x8192xf32> to vector<256x128xf32>
    %reduce_min3A_277 = arith.constant dense<0x7F800000> : vector<256xf32>
    %reduce_min3A_278 = vector.multi_reduction <minimumf>, %slice3A_276, %reduce_min3A_277 [1] : vector<256x128xf32> to vector<256xf32>
    %broadcast_in_dim3A_279 = vector.shape_cast %reduce_min3A_278 : vector<256xf32> to vector<256x1xf32>
    %slice3A_280 = vector.extract_strided_slice %select_n3A {offsets = [0, 7936], sizes = [256, 128], strides = [1, 1]} : vector<256x8192xf32> to vector<256x128xf32>
    %reduce_min3A_281 = arith.constant dense<0x7F800000> : vector<256xf32>
    %reduce_min3A_282 = vector.multi_reduction <minimumf>, %slice3A_280, %reduce_min3A_281 [1] : vector<256x128xf32> to vector<256xf32>
    %broadcast_in_dim3A_283 = vector.shape_cast %reduce_min3A_282 : vector<256xf32> to vector<256x1xf32>
    %slice3A_284 = vector.extract_strided_slice %select_n3A {offsets = [0, 8064], sizes = [256, 128], strides = [1, 1]} : vector<256x8192xf32> to vector<256x128xf32>
    %reduce_min3A_285 = arith.constant dense<0x7F800000> : vector<256xf32>
    %reduce_min3A_286 = vector.multi_reduction <minimumf>, %slice3A_284, %reduce_min3A_285 [1] : vector<256x128xf32> to vector<256xf32>
    %broadcast_in_dim3A_287 = vector.shape_cast %reduce_min3A_286 : vector<256xf32> to vector<256x1xf32>
    %concatenate3A = tpu.concatenate %broadcast_in_dim3A_35, %broadcast_in_dim3A_39, %broadcast_in_dim3A_43, %broadcast_in_dim3A_47, %broadcast_in_dim3A_51, %broadcast_in_dim3A_55, %broadcast_in_dim3A_59, %broadcast_in_dim3A_63, %broadcast_in_dim3A_67, %broadcast_in_dim3A_71, %broadcast_in_dim3A_75, %broadcast_in_dim3A_79, %broadcast_in_dim3A_83, %broadcast_in_dim3A_87, %broadcast_in_dim3A_91, %broadcast_in_dim3A_95, %broadcast_in_dim3A_99, %broadcast_in_dim3A_103, %broadcast_in_dim3A_107, %broadcast_in_dim3A_111, %broadcast_in_dim3A_115, %broadcast_in_dim3A_119, %broadcast_in_dim3A_123, %broadcast_in_dim3A_127, %broadcast_in_dim3A_131, %broadcast_in_dim3A_135, %broadcast_in_dim3A_139, %broadcast_in_dim3A_143, %broadcast_in_dim3A_147, %broadcast_in_dim3A_151, %broadcast_in_dim3A_155, %broadcast_in_dim3A_159, %broadcast_in_dim3A_163, %broadcast_in_dim3A_167, %broadcast_in_dim3A_171, %broadcast_in_dim3A_175, %broadcast_in_dim3A_179, %broadcast_in_dim3A_183, %broadcast_in_dim3A_187, %broadcast_in_dim3A_191, %broadcast_in_dim3A_195, %broadcast_in_dim3A_199, %broadcast_in_dim3A_203, %broadcast_in_dim3A_207, %broadcast_in_dim3A_211, %broadcast_in_dim3A_215, %broadcast_in_dim3A_219, %broadcast_in_dim3A_223, %broadcast_in_dim3A_227, %broadcast_in_dim3A_231, %broadcast_in_dim3A_235, %broadcast_in_dim3A_239, %broadcast_in_dim3A_243, %broadcast_in_dim3A_247, %broadcast_in_dim3A_251, %broadcast_in_dim3A_255, %broadcast_in_dim3A_259, %broadcast_in_dim3A_263, %broadcast_in_dim3A_267, %broadcast_in_dim3A_271, %broadcast_in_dim3A_275, %broadcast_in_dim3A_279, %broadcast_in_dim3A_283, %broadcast_in_dim3A_287 in 1 : vector<256x1xf32>, vector<256x1xf32>, vector<256x1xf32>, vector<256x1xf32>, vector<256x1xf32>, vector<256x1xf32>, vector<256x1xf32>, vector<256x1xf32>, vector<256x1xf32>, vector<256x1xf32>, vector<256x1xf32>, vector<256x1xf32>, vector<256x1xf32>, vector<256x1xf32>, vector<256x1xf32>, vector<256x1xf32>, vector<256x1xf32>, vector<256x1xf32>, vector<256x1xf32>, vector<256x1xf32>, vector<256x1xf32>, vector<256x1xf32>, vector<256x1xf32>, vector<256x1xf32>, vector<256x1xf32>, vector<256x1xf32>, vector<256x1xf32>, vector<256x1xf32>, vector<256x1xf32>, vector<256x1xf32>, vector<256x1xf32>, vector<256x1xf32>, vector<256x1xf32>, vector<256x1xf32>, vector<256x1xf32>, vector<256x1xf32>, vector<256x1xf32>, vector<256x1xf32>, vector<256x1xf32>, vector<256x1xf32>, vector<256x1xf32>, vector<256x1xf32>, vector<256x1xf32>, vector<256x1xf32>, vector<256x1xf32>, vector<256x1xf32>, vector<256x1xf32>, vector<256x1xf32>, vector<256x1xf32>, vector<256x1xf32>, vector<256x1xf32>, vector<256x1xf32>, vector<256x1xf32>, vector<256x1xf32>, vector<256x1xf32>, vector<256x1xf32>, vector<256x1xf32>, vector<256x1xf32>, vector<256x1xf32>, vector<256x1xf32>, vector<256x1xf32>, vector<256x1xf32>, vector<256x1xf32>, vector<256x1xf32> -> vector<256x64xf32>
    %iota3A_288 = tpu.iota {dimensions = array<i32: 1>} : vector<256x64xi32>
    %broadcast_in_dim3A_289 = arith.constant false
    %broadcast_in_dim3A_290 = vector.broadcast %broadcast_in_dim3A_289 : i1 to vector<256x64xi1>
    %reduce_min3A_291 = arith.constant dense<0x7F800000> : vector<256xf32>
    %reduce_min3A_292 = vector.multi_reduction <minimumf>, %concatenate3A, %reduce_min3A_291 [1] : vector<256x64xf32> to vector<256xf32>
    %broadcast_in_dim3A_293 = vector.shape_cast %reduce_min3A_292 : vector<256xf32> to vector<256x1xf32>
    %eq3A_294 = vector.broadcast %broadcast_in_dim3A_293 : vector<256x1xf32> to vector<256x64xf32>
    %eq3A_295 = arith.cmpf oeq, %concatenate3A, %eq3A_294 : vector<256x64xf32>
    %jit3A_296 = arith.constant 64 : i32
    %broadcast_in_dim3A_297 = vector.broadcast %jit3A_296 : i32 to vector<256x64xi32>
    %select_n3A_298 = arith.select %eq3A_295, %iota3A_288, %broadcast_in_dim3A_297 : vector<256x64xi1>, vector<256x64xi32>
    %reduce_min3A_299 = arith.constant dense<2147483647> : vector<256xi32>
    %reduce_min3A_300 = vector.multi_reduction <minsi>, %select_n3A_298, %reduce_min3A_299 [1] : vector<256x64xi32> to vector<256xi32>
    %broadcast_in_dim3A_301 = vector.shape_cast %reduce_min3A_300 : vector<256xi32> to vector<256x1xi32>
    %eq3A_302 = vector.broadcast %broadcast_in_dim3A_301 : vector<256x1xi32> to vector<256x64xi32>
    %eq3A_303 = arith.cmpi eq, %iota3A_288, %eq3A_302 : vector<256x64xi32>
    %or3A = arith.ori %broadcast_in_dim3A_290, %eq3A_303 : vector<256x64xi1>
    %jit3A_304 = arith.constant 0x7F800000 : f32
    %broadcast_in_dim3A_305 = vector.broadcast %jit3A_304 : f32 to vector<256x64xf32>
    %select_n3A_306 = arith.select %eq3A_303, %broadcast_in_dim3A_305, %concatenate3A : vector<256x64xi1>, vector<256x64xf32>
    %reduce_min3A_307 = arith.constant dense<0x7F800000> : vector<256xf32>
    %reduce_min3A_308 = vector.multi_reduction <minimumf>, %select_n3A_306, %reduce_min3A_307 [1] : vector<256x64xf32> to vector<256xf32>
    %broadcast_in_dim3A_309 = vector.shape_cast %reduce_min3A_308 : vector<256xf32> to vector<256x1xf32>
    %eq3A_310 = vector.broadcast %broadcast_in_dim3A_309 : vector<256x1xf32> to vector<256x64xf32>
    %eq3A_311 = arith.cmpf oeq, %select_n3A_306, %eq3A_310 : vector<256x64xf32>
    %jit3A_312 = arith.constant 64 : i32
    %broadcast_in_dim3A_313 = vector.broadcast %jit3A_312 : i32 to vector<256x64xi32>
    %select_n3A_314 = arith.select %eq3A_311, %iota3A_288, %broadcast_in_dim3A_313 : vector<256x64xi1>, vector<256x64xi32>
    %reduce_min3A_315 = arith.constant dense<2147483647> : vector<256xi32>
    %reduce_min3A_316 = vector.multi_reduction <minsi>, %select_n3A_314, %reduce_min3A_315 [1] : vector<256x64xi32> to vector<256xi32>
    %broadcast_in_dim3A_317 = vector.shape_cast %reduce_min3A_316 : vector<256xi32> to vector<256x1xi32>
    %eq3A_318 = vector.broadcast %broadcast_in_dim3A_317 : vector<256x1xi32> to vector<256x64xi32>
    %eq3A_319 = arith.cmpi eq, %iota3A_288, %eq3A_318 : vector<256x64xi32>
    %or3A_320 = arith.ori %or3A, %eq3A_319 : vector<256x64xi1>
    %jit3A_321 = arith.constant 0x7F800000 : f32
    %broadcast_in_dim3A_322 = vector.broadcast %jit3A_321 : f32 to vector<256x64xf32>
    %select_n3A_323 = arith.select %eq3A_319, %broadcast_in_dim3A_322, %select_n3A_306 : vector<256x64xi1>, vector<256x64xf32>
    %reduce_min3A_324 = arith.constant dense<0x7F800000> : vector<256xf32>
    %reduce_min3A_325 = vector.multi_reduction <minimumf>, %select_n3A_323, %reduce_min3A_324 [1] : vector<256x64xf32> to vector<256xf32>
    %broadcast_in_dim3A_326 = vector.shape_cast %reduce_min3A_325 : vector<256xf32> to vector<256x1xf32>
    %eq3A_327 = vector.broadcast %broadcast_in_dim3A_326 : vector<256x1xf32> to vector<256x64xf32>
    %eq3A_328 = arith.cmpf oeq, %select_n3A_323, %eq3A_327 : vector<256x64xf32>
    %jit3A_329 = arith.constant 64 : i32
    %broadcast_in_dim3A_330 = vector.broadcast %jit3A_329 : i32 to vector<256x64xi32>
    %select_n3A_331 = arith.select %eq3A_328, %iota3A_288, %broadcast_in_dim3A_330 : vector<256x64xi1>, vector<256x64xi32>
    %reduce_min3A_332 = arith.constant dense<2147483647> : vector<256xi32>
    %reduce_min3A_333 = vector.multi_reduction <minsi>, %select_n3A_331, %reduce_min3A_332 [1] : vector<256x64xi32> to vector<256xi32>
    %broadcast_in_dim3A_334 = vector.shape_cast %reduce_min3A_333 : vector<256xi32> to vector<256x1xi32>
    %eq3A_335 = vector.broadcast %broadcast_in_dim3A_334 : vector<256x1xi32> to vector<256x64xi32>
    %eq3A_336 = arith.cmpi eq, %iota3A_288, %eq3A_335 : vector<256x64xi32>
    %or3A_337 = arith.ori %or3A_320, %eq3A_336 : vector<256x64xi1>
    %jit3A_338 = arith.constant 0x7F800000 : f32
    %broadcast_in_dim3A_339 = vector.broadcast %jit3A_338 : f32 to vector<256x64xf32>
    %select_n3A_340 = arith.select %eq3A_336, %broadcast_in_dim3A_339, %select_n3A_323 : vector<256x64xi1>, vector<256x64xf32>
    %reduce_min3A_341 = arith.constant dense<0x7F800000> : vector<256xf32>
    %reduce_min3A_342 = vector.multi_reduction <minimumf>, %select_n3A_340, %reduce_min3A_341 [1] : vector<256x64xf32> to vector<256xf32>
    %broadcast_in_dim3A_343 = vector.shape_cast %reduce_min3A_342 : vector<256xf32> to vector<256x1xf32>
    %eq3A_344 = vector.broadcast %broadcast_in_dim3A_343 : vector<256x1xf32> to vector<256x64xf32>
    %eq3A_345 = arith.cmpf oeq, %select_n3A_340, %eq3A_344 : vector<256x64xf32>
    %jit3A_346 = arith.constant 64 : i32
    %broadcast_in_dim3A_347 = vector.broadcast %jit3A_346 : i32 to vector<256x64xi32>
    %select_n3A_348 = arith.select %eq3A_345, %iota3A_288, %broadcast_in_dim3A_347 : vector<256x64xi1>, vector<256x64xi32>
    %reduce_min3A_349 = arith.constant dense<2147483647> : vector<256xi32>
    %reduce_min3A_350 = vector.multi_reduction <minsi>, %select_n3A_348, %reduce_min3A_349 [1] : vector<256x64xi32> to vector<256xi32>
    %broadcast_in_dim3A_351 = vector.shape_cast %reduce_min3A_350 : vector<256xi32> to vector<256x1xi32>
    %eq3A_352 = vector.broadcast %broadcast_in_dim3A_351 : vector<256x1xi32> to vector<256x64xi32>
    %eq3A_353 = arith.cmpi eq, %iota3A_288, %eq3A_352 : vector<256x64xi32>
    %or3A_354 = arith.ori %or3A_337, %eq3A_353 : vector<256x64xi1>
    %jit3A_355 = arith.constant 0x7F800000 : f32
    %broadcast_in_dim3A_356 = vector.broadcast %jit3A_355 : f32 to vector<256x64xf32>
    %select_n3A_357 = arith.select %eq3A_353, %broadcast_in_dim3A_356, %select_n3A_340 : vector<256x64xi1>, vector<256x64xf32>
    %reduce_min3A_358 = arith.constant dense<0x7F800000> : vector<256xf32>
    %reduce_min3A_359 = vector.multi_reduction <minimumf>, %select_n3A_357, %reduce_min3A_358 [1] : vector<256x64xf32> to vector<256xf32>
    %broadcast_in_dim3A_360 = vector.shape_cast %reduce_min3A_359 : vector<256xf32> to vector<256x1xf32>
    %eq3A_361 = vector.broadcast %broadcast_in_dim3A_360 : vector<256x1xf32> to vector<256x64xf32>
    %eq3A_362 = arith.cmpf oeq, %select_n3A_357, %eq3A_361 : vector<256x64xf32>
    %jit3A_363 = arith.constant 64 : i32
    %broadcast_in_dim3A_364 = vector.broadcast %jit3A_363 : i32 to vector<256x64xi32>
    %select_n3A_365 = arith.select %eq3A_362, %iota3A_288, %broadcast_in_dim3A_364 : vector<256x64xi1>, vector<256x64xi32>
    %reduce_min3A_366 = arith.constant dense<2147483647> : vector<256xi32>
    %reduce_min3A_367 = vector.multi_reduction <minsi>, %select_n3A_365, %reduce_min3A_366 [1] : vector<256x64xi32> to vector<256xi32>
    %broadcast_in_dim3A_368 = vector.shape_cast %reduce_min3A_367 : vector<256xi32> to vector<256x1xi32>
    %eq3A_369 = vector.broadcast %broadcast_in_dim3A_368 : vector<256x1xi32> to vector<256x64xi32>
    %eq3A_370 = arith.cmpi eq, %iota3A_288, %eq3A_369 : vector<256x64xi32>
    %or3A_371 = arith.ori %or3A_354, %eq3A_370 : vector<256x64xi1>
    %jit3A_372 = arith.constant 0x7F800000 : f32
    %broadcast_in_dim3A_373 = vector.broadcast %jit3A_372 : f32 to vector<256x64xf32>
    %select_n3A_374 = arith.select %eq3A_370, %broadcast_in_dim3A_373, %select_n3A_357 : vector<256x64xi1>, vector<256x64xf32>
    %reduce_min3A_375 = arith.constant dense<0x7F800000> : vector<256xf32>
    %reduce_min3A_376 = vector.multi_reduction <minimumf>, %select_n3A_374, %reduce_min3A_375 [1] : vector<256x64xf32> to vector<256xf32>
    %broadcast_in_dim3A_377 = vector.shape_cast %reduce_min3A_376 : vector<256xf32> to vector<256x1xf32>
    %eq3A_378 = vector.broadcast %broadcast_in_dim3A_377 : vector<256x1xf32> to vector<256x64xf32>
    %eq3A_379 = arith.cmpf oeq, %select_n3A_374, %eq3A_378 : vector<256x64xf32>
    %jit3A_380 = arith.constant 64 : i32
    %broadcast_in_dim3A_381 = vector.broadcast %jit3A_380 : i32 to vector<256x64xi32>
    %select_n3A_382 = arith.select %eq3A_379, %iota3A_288, %broadcast_in_dim3A_381 : vector<256x64xi1>, vector<256x64xi32>
    %reduce_min3A_383 = arith.constant dense<2147483647> : vector<256xi32>
    %reduce_min3A_384 = vector.multi_reduction <minsi>, %select_n3A_382, %reduce_min3A_383 [1] : vector<256x64xi32> to vector<256xi32>
    %broadcast_in_dim3A_385 = vector.shape_cast %reduce_min3A_384 : vector<256xi32> to vector<256x1xi32>
    %eq3A_386 = vector.broadcast %broadcast_in_dim3A_385 : vector<256x1xi32> to vector<256x64xi32>
    %eq3A_387 = arith.cmpi eq, %iota3A_288, %eq3A_386 : vector<256x64xi32>
    %or3A_388 = arith.ori %or3A_371, %eq3A_387 : vector<256x64xi1>
    %jit3A_389 = arith.constant 0x7F800000 : f32
    %broadcast_in_dim3A_390 = vector.broadcast %jit3A_389 : f32 to vector<256x64xf32>
    %select_n3A_391 = arith.select %eq3A_387, %broadcast_in_dim3A_390, %select_n3A_374 : vector<256x64xi1>, vector<256x64xf32>
    %reduce_min3A_392 = arith.constant dense<0x7F800000> : vector<256xf32>
    %reduce_min3A_393 = vector.multi_reduction <minimumf>, %select_n3A_391, %reduce_min3A_392 [1] : vector<256x64xf32> to vector<256xf32>
    %broadcast_in_dim3A_394 = vector.shape_cast %reduce_min3A_393 : vector<256xf32> to vector<256x1xf32>
    %eq3A_395 = vector.broadcast %broadcast_in_dim3A_394 : vector<256x1xf32> to vector<256x64xf32>
    %eq3A_396 = arith.cmpf oeq, %select_n3A_391, %eq3A_395 : vector<256x64xf32>
    %jit3A_397 = arith.constant 64 : i32
    %broadcast_in_dim3A_398 = vector.broadcast %jit3A_397 : i32 to vector<256x64xi32>
    %select_n3A_399 = arith.select %eq3A_396, %iota3A_288, %broadcast_in_dim3A_398 : vector<256x64xi1>, vector<256x64xi32>
    %reduce_min3A_400 = arith.constant dense<2147483647> : vector<256xi32>
    %reduce_min3A_401 = vector.multi_reduction <minsi>, %select_n3A_399, %reduce_min3A_400 [1] : vector<256x64xi32> to vector<256xi32>
    %broadcast_in_dim3A_402 = vector.shape_cast %reduce_min3A_401 : vector<256xi32> to vector<256x1xi32>
    %eq3A_403 = vector.broadcast %broadcast_in_dim3A_402 : vector<256x1xi32> to vector<256x64xi32>
    %eq3A_404 = arith.cmpi eq, %iota3A_288, %eq3A_403 : vector<256x64xi32>
    %or3A_405 = arith.ori %or3A_388, %eq3A_404 : vector<256x64xi1>
    %jit3A_406 = arith.constant 0x7F800000 : f32
    %broadcast_in_dim3A_407 = vector.broadcast %jit3A_406 : f32 to vector<256x64xf32>
    %select_n3A_408 = arith.select %eq3A_404, %broadcast_in_dim3A_407, %select_n3A_391 : vector<256x64xi1>, vector<256x64xf32>
    %reduce_min3A_409 = arith.constant dense<0x7F800000> : vector<256xf32>
    %reduce_min3A_410 = vector.multi_reduction <minimumf>, %select_n3A_408, %reduce_min3A_409 [1] : vector<256x64xf32> to vector<256xf32>
    %broadcast_in_dim3A_411 = vector.shape_cast %reduce_min3A_410 : vector<256xf32> to vector<256x1xf32>
    %eq3A_412 = vector.broadcast %broadcast_in_dim3A_411 : vector<256x1xf32> to vector<256x64xf32>
    %eq3A_413 = arith.cmpf oeq, %select_n3A_408, %eq3A_412 : vector<256x64xf32>
    %jit3A_414 = arith.constant 64 : i32
    %broadcast_in_dim3A_415 = vector.broadcast %jit3A_414 : i32 to vector<256x64xi32>
    %select_n3A_416 = arith.select %eq3A_413, %iota3A_288, %broadcast_in_dim3A_415 : vector<256x64xi1>, vector<256x64xi32>
    %reduce_min3A_417 = arith.constant dense<2147483647> : vector<256xi32>
    %reduce_min3A_418 = vector.multi_reduction <minsi>, %select_n3A_416, %reduce_min3A_417 [1] : vector<256x64xi32> to vector<256xi32>
    %broadcast_in_dim3A_419 = vector.shape_cast %reduce_min3A_418 : vector<256xi32> to vector<256x1xi32>
    %eq3A_420 = vector.broadcast %broadcast_in_dim3A_419 : vector<256x1xi32> to vector<256x64xi32>
    %eq3A_421 = arith.cmpi eq, %iota3A_288, %eq3A_420 : vector<256x64xi32>
    %or3A_422 = arith.ori %or3A_405, %eq3A_421 : vector<256x64xi1>
    %jit3A_423 = arith.constant 64 : i32
    %broadcast_in_dim3A_424 = vector.broadcast %jit3A_423 : i32 to vector<256x64xi32>
    %select_n3A_425 = arith.select %or3A_422, %iota3A_288, %broadcast_in_dim3A_424 : vector<256x64xi1>, vector<256x64xi32>
    %reduce_min3A_426 = arith.constant dense<2147483647> : vector<256xi32>
    %reduce_min3A_427 = vector.multi_reduction <minsi>, %select_n3A_425, %reduce_min3A_426 [1] : vector<256x64xi32> to vector<256xi32>
    %broadcast_in_dim3A_428 = vector.shape_cast %reduce_min3A_427 : vector<256xi32> to vector<256x1xi32>
    %ne3A = vector.broadcast %broadcast_in_dim3A_428 : vector<256x1xi32> to vector<256x64xi32>
    %ne3A_429 = arith.cmpi ne, %iota3A_288, %ne3A : vector<256x64xi32>
    %and3A = arith.andi %or3A_422, %ne3A_429 : vector<256x64xi1>
    %jit3A_430 = arith.constant 64 : i32
    %broadcast_in_dim3A_431 = vector.broadcast %jit3A_430 : i32 to vector<256x64xi32>
    %select_n3A_432 = arith.select %and3A, %iota3A_288, %broadcast_in_dim3A_431 : vector<256x64xi1>, vector<256x64xi32>
    %reduce_min3A_433 = arith.constant dense<2147483647> : vector<256xi32>
    %reduce_min3A_434 = vector.multi_reduction <minsi>, %select_n3A_432, %reduce_min3A_433 [1] : vector<256x64xi32> to vector<256xi32>
    %broadcast_in_dim3A_435 = vector.shape_cast %reduce_min3A_434 : vector<256xi32> to vector<256x1xi32>
    %ne3A_436 = vector.broadcast %broadcast_in_dim3A_435 : vector<256x1xi32> to vector<256x64xi32>
    %ne3A_437 = arith.cmpi ne, %iota3A_288, %ne3A_436 : vector<256x64xi32>
    %and3A_438 = arith.andi %and3A, %ne3A_437 : vector<256x64xi1>
    %jit3A_439 = arith.constant 64 : i32
    %broadcast_in_dim3A_440 = vector.broadcast %jit3A_439 : i32 to vector<256x64xi32>
    %select_n3A_441 = arith.select %and3A_438, %iota3A_288, %broadcast_in_dim3A_440 : vector<256x64xi1>, vector<256x64xi32>
    %reduce_min3A_442 = arith.constant dense<2147483647> : vector<256xi32>
    %reduce_min3A_443 = vector.multi_reduction <minsi>, %select_n3A_441, %reduce_min3A_442 [1] : vector<256x64xi32> to vector<256xi32>
    %broadcast_in_dim3A_444 = vector.shape_cast %reduce_min3A_443 : vector<256xi32> to vector<256x1xi32>
    %ne3A_445 = vector.broadcast %broadcast_in_dim3A_444 : vector<256x1xi32> to vector<256x64xi32>
    %ne3A_446 = arith.cmpi ne, %iota3A_288, %ne3A_445 : vector<256x64xi32>
    %and3A_447 = arith.andi %and3A_438, %ne3A_446 : vector<256x64xi1>
    %jit3A_448 = arith.constant 64 : i32
    %broadcast_in_dim3A_449 = vector.broadcast %jit3A_448 : i32 to vector<256x64xi32>
    %select_n3A_450 = arith.select %and3A_447, %iota3A_288, %broadcast_in_dim3A_449 : vector<256x64xi1>, vector<256x64xi32>
    %reduce_min3A_451 = arith.constant dense<2147483647> : vector<256xi32>
    %reduce_min3A_452 = vector.multi_reduction <minsi>, %select_n3A_450, %reduce_min3A_451 [1] : vector<256x64xi32> to vector<256xi32>
    %broadcast_in_dim3A_453 = vector.shape_cast %reduce_min3A_452 : vector<256xi32> to vector<256x1xi32>
    %ne3A_454 = vector.broadcast %broadcast_in_dim3A_453 : vector<256x1xi32> to vector<256x64xi32>
    %ne3A_455 = arith.cmpi ne, %iota3A_288, %ne3A_454 : vector<256x64xi32>
    %and3A_456 = arith.andi %and3A_447, %ne3A_455 : vector<256x64xi1>
    %jit3A_457 = arith.constant 64 : i32
    %broadcast_in_dim3A_458 = vector.broadcast %jit3A_457 : i32 to vector<256x64xi32>
    %select_n3A_459 = arith.select %and3A_456, %iota3A_288, %broadcast_in_dim3A_458 : vector<256x64xi1>, vector<256x64xi32>
    %reduce_min3A_460 = arith.constant dense<2147483647> : vector<256xi32>
    %reduce_min3A_461 = vector.multi_reduction <minsi>, %select_n3A_459, %reduce_min3A_460 [1] : vector<256x64xi32> to vector<256xi32>
    %broadcast_in_dim3A_462 = vector.shape_cast %reduce_min3A_461 : vector<256xi32> to vector<256x1xi32>
    %ne3A_463 = vector.broadcast %broadcast_in_dim3A_462 : vector<256x1xi32> to vector<256x64xi32>
    %ne3A_464 = arith.cmpi ne, %iota3A_288, %ne3A_463 : vector<256x64xi32>
    %and3A_465 = arith.andi %and3A_456, %ne3A_464 : vector<256x64xi1>
    %jit3A_466 = arith.constant 64 : i32
    %broadcast_in_dim3A_467 = vector.broadcast %jit3A_466 : i32 to vector<256x64xi32>
    %select_n3A_468 = arith.select %and3A_465, %iota3A_288, %broadcast_in_dim3A_467 : vector<256x64xi1>, vector<256x64xi32>
    %reduce_min3A_469 = arith.constant dense<2147483647> : vector<256xi32>
    %reduce_min3A_470 = vector.multi_reduction <minsi>, %select_n3A_468, %reduce_min3A_469 [1] : vector<256x64xi32> to vector<256xi32>
    %broadcast_in_dim3A_471 = vector.shape_cast %reduce_min3A_470 : vector<256xi32> to vector<256x1xi32>
    %ne3A_472 = vector.broadcast %broadcast_in_dim3A_471 : vector<256x1xi32> to vector<256x64xi32>
    %ne3A_473 = arith.cmpi ne, %iota3A_288, %ne3A_472 : vector<256x64xi32>
    %and3A_474 = arith.andi %and3A_465, %ne3A_473 : vector<256x64xi1>
    %jit3A_475 = arith.constant 64 : i32
    %broadcast_in_dim3A_476 = vector.broadcast %jit3A_475 : i32 to vector<256x64xi32>
    %select_n3A_477 = arith.select %and3A_474, %iota3A_288, %broadcast_in_dim3A_476 : vector<256x64xi1>, vector<256x64xi32>
    %reduce_min3A_478 = arith.constant dense<2147483647> : vector<256xi32>
    %reduce_min3A_479 = vector.multi_reduction <minsi>, %select_n3A_477, %reduce_min3A_478 [1] : vector<256x64xi32> to vector<256xi32>
    %broadcast_in_dim3A_480 = vector.shape_cast %reduce_min3A_479 : vector<256xi32> to vector<256x1xi32>
    %ne3A_481 = vector.broadcast %broadcast_in_dim3A_480 : vector<256x1xi32> to vector<256x64xi32>
    %ne3A_482 = arith.cmpi ne, %iota3A_288, %ne3A_481 : vector<256x64xi32>
    %and3A_483 = arith.andi %and3A_474, %ne3A_482 : vector<256x64xi1>
    %jit3A_484 = arith.constant 64 : i32
    %broadcast_in_dim3A_485 = vector.broadcast %jit3A_484 : i32 to vector<256x64xi32>
    %select_n3A_486 = arith.select %and3A_483, %iota3A_288, %broadcast_in_dim3A_485 : vector<256x64xi1>, vector<256x64xi32>
    %reduce_min3A_487 = arith.constant dense<2147483647> : vector<256xi32>
    %reduce_min3A_488 = vector.multi_reduction <minsi>, %select_n3A_486, %reduce_min3A_487 [1] : vector<256x64xi32> to vector<256xi32>
    %broadcast_in_dim3A_489 = vector.shape_cast %reduce_min3A_488 : vector<256xi32> to vector<256x1xi32>
    %concatenate3A_490 = tpu.concatenate %broadcast_in_dim3A_428, %broadcast_in_dim3A_435, %broadcast_in_dim3A_444, %broadcast_in_dim3A_453, %broadcast_in_dim3A_462, %broadcast_in_dim3A_471, %broadcast_in_dim3A_480, %broadcast_in_dim3A_489 in 1 : vector<256x1xi32>, vector<256x1xi32>, vector<256x1xi32>, vector<256x1xi32>, vector<256x1xi32>, vector<256x1xi32>, vector<256x1xi32>, vector<256x1xi32> -> vector<256x8xi32>
    %swap3A_491 = arith.constant 0 : index
    %swap3A_492 = arith.constant 0 : index
    %swap3A_493 = vector.load %arg4[%swap3A_491, %swap3A_492] : memref<256x8xi32, #tpu.memory_space<vmem>>, vector<256x8xi32>
    tpu.vector_store %arg4[%swap3A_491, %swap3A_492], %concatenate3A_490 {strides = array<i32>} : memref<256x8xi32, #tpu.memory_space<vmem>>, vector<256x8xi32>,
    %swap3A_494 = arith.constant 0 : index
    %swap3A_495 = arith.constant 0 : index
    %swap3A_496 = vector.load %arg5[%swap3A_494, %swap3A_495] : memref<256x1xf32, #tpu.memory_space<vmem>>, vector<256x1xf32>
    tpu.vector_store %arg5[%swap3A_494, %swap3A_495], %broadcast_in_dim3A_411 {strides = array<i32>} : memref<256x1xf32, #tpu.memory_space<vmem>>, vector<256x1xf32>,
    return
  }
  func.func @transform_0(%arg0: i32) -> (i32, i32) {
    %c0_i32 = arith.constant 0 : i32
    %c0_i32_0 = arith.constant 0 : i32
    return %arg0, %c0_i32 : i32, i32
  }
  func.func @transform_1(%arg0: i32) -> (i32, i32) {
    %c0_i32 = arith.constant 0 : i32
    %c0_i32_0 = arith.constant 0 : i32
    %c0_i32_1 = arith.constant 0 : i32
    return %c0_i32, %c0_i32_0 : i32, i32
  }
  func.func @transform_2(%arg0: i32) -> (i32, i32) {
    %c0_i32 = arith.constant 0 : i32
    %c0_i32_0 = arith.constant 0 : i32
    return %arg0, %c0_i32 : i32, i32
  }
  func.func @transform_3(%arg0: i32) -> (i32, i32) {
    %c0_i32 = arith.constant 0 : i32
    %c0_i32_0 = arith.constant 0 : i32
    return %arg0, %c0_i32 : i32, i32
  }
  func.func @transform_4(%arg0: i32) -> (i32, i32) {
    %c0_i32 = arith.constant 0 : i32
    %c0_i32_0 = arith.constant 0 : i32
    return %arg0, %c0_i32 : i32, i32
  }
}

</mosaic_0001>

<sc_bundles>
// kernel: kernel.4.cloned.1.call-start
scs
__scs_entry_jumppad:
0x0: {  	(pc) =	sbr.rel $0x88, $3  }
0x1: {  	(tag) =	ssettag $0x0;
	lr =	simm.s32 $0x1  }
0x2: {  	[smem:$0x3F9F] =	sst lr;
	_ =	strace $0xD0000000  }
0x3: {  	_ = 	snop  }
0x4: {  	_ = 	snop  }
0x5: {  	_ = 	snop  }
0x6: {  	_ = 	snop  }
0x7: {  	_ = 	snop  }
__scs_overlays_trampoline_lowered:
0x8: {  	[smem:$0x3FAE] =	sst s0  }
0x9: {  	[smem:$0x3FAF] =	sst s1  }
0xa: {  	[smem:$0x3FB0] =	sst s2  }
0xb: {  	[smem:$0x3FB1] =	sst s3  }
0xc: {  	[smem:$0x3FB2] =	sst s4  }
0xd: {  	[smem:$0x3FB3] =	sst s5  }
0xe: {  	[smem:$0x3FB4] =	sst s6  }
0xf: {  	[smem:$0x3FB5] =	sst s7  }
0x10: {  	[smem:$0x3FB6] =	sst s8  }
0x11: {  	[smem:$0x3FB7] =	sst s9;
	s0 =	simm.s32 @!p0 $0x0  }
0x12: {  	s1 =	sld [smem:$0x3F9D];
	s0 =	simm.s32 @p0 $0x1  }
0x13: {  	[smem:$0x3FB8] =	sst s0;
	s0 =	simm.s32 @!p1 $0x0  }
0x14: {  	s2 =	sld [smem:$0x3F9C];
	s0 =	simm.s32 @p1 $0x1  }
0x15: {  	[smem:$0x3FB9] =	sst s0;
	s0 =	simm.s32 @!p2 $0x0  }
0x16: {  	s3 =	sld [smem:$0x3FDB];
	s0 =	simm.s32 @p2 $0x1  }
0x17: {  	s4 =	simm.s32 $0x1BF5;
	[smem:$0x3FBB] =	sst s0  }
0x18: {  	s0 =	sld [smem:$0x3F9E];
	_ =	swait.ge [sflag:s4], $0x0  }
0x19: {  	s7 =	sld [smem:$0x3F9F]  }
0x1a: {  	s8 =	sadd.s32 $0xFFFFE003, lr  }
0x1b: {  	s9 =	sadd.s32 $0xFFFFFEF7, lr;
	s5 =	simm.s32 $0xFFFFFFFF;
	p2 =	slt.u32 s8, $0xFFFFF086  }
0x1c: {  	p1 =	slt.u32 s9, $0xF7A;
	s5 =	simm.s32 @!p2 $0x0  }
0x1d: {  	s5 =	simm.s32 @p1 $0x1;
	p0 =	seq.s32 s7, s2  }
0x1e: {  	s7 =	smul.u32 @!p0 $0xF7A, s2;
	p2 =	seq.s32 @!p0 s5, $0x0  }
0x1f: {  	s9 =	smul.u32 $0xF7A, s1;
	s8 =	simm.s32 @!p0 $0x1BF5;
	p2 =	por !p2, p0  }
0x20: {  	[sflag:s8] =	ssyncset.s32 @!p0 $0xFFFFF086;
	s6 =	sadd.s32 @!p0 s3, s7;
	s7 =	simm.s32 @!p0 $0x108  }
0x21: {  	s3 =	sadd.s32 s3, s9;
	s6 =	sadd.s32 @!p0 $0x88, s6;
	s7 =	simm.s32 @p2 $0x1082  }
0x22: {  	[simem:s7], [sflag:s8] =	dma.local @!p0 [hbm:s6], $0xF7A  }
0x23: {  	s9 =	sor.u32 $0xD0000000, s2;
	s6 =	simm.s32 $0x108;
	_ =	swait.ge @!p0 [sflag:s8], $0x0  }
0x24: {  	s3 =	sadd.s32 $0x88, s3;
	s6 =	simm.s32 @!p1 $0x1082;
	[sflag:s4] =	ssyncset.s32 $0xFFFFF086  }
0x25: {  	[simem:s6], [sflag:s4] =	dma.local [hbm:s3], $0xF7A  }
0x26: {  	[smem:$0x3F9F] =	sst s1;
	(tag) =	ssettag s2;
	_ =	strace s9  }
0x27: {  	s1 =	sld [smem:$0x3FAF]  }
0x28: {  	s2 =	sld [smem:$0x3FB0]  }
0x29: {  	s4 =	sld [smem:$0x3FB2]  }
0x2a: {  	p0 =	seq.s32 s5, $0x0;
	s5 =	sld [smem:$0x3FB3]  }
0x2b: {  	s6 =	sld [smem:$0x3FB4]  }
0x2c: {  	s7 =	sld [smem:$0x3FB5]  }
0x2d: {  	s3 =	simm.s32 $0x108;
	s8 =	sld [smem:$0x3FB6]  }
0x2e: {  	s3 =	simm.s32 @!p0 $0x1082;
	s9 =	sld [smem:$0x3FB7]  }
0x2f: {  	lr =	sadd.s32 s0, s3;
	s0 =	sld [smem:$0x3FAE]  }
0x30: {  	s3 =	sld [smem:$0x3FB1]  }
0x31: {  	[smem:$0x3FBA] =	sst s10  }
0x32: {  	s10 =	sld [smem:$0x3FB8];
	_ =	sdelay $0x3  }
0x33: {  	p0 =	seq.s32 s10, $0x1;
	s10 =	sld [smem:$0x3FBA];
	_ =	sdelay $0x3  }
0x34: {  	[smem:$0x3FBA] =	sst s10  }
0x35: {  	s10 =	sld [smem:$0x3FB9];
	_ =	sdelay $0x3  }
0x36: {  	p1 =	seq.s32 s10, $0x1;
	s10 =	sld [smem:$0x3FBA];
	_ =	sdelay $0x3  }
0x37: {  	[smem:$0x3FBA] =	sst s10  }
0x38: {  	s10 =	sld [smem:$0x3FBB]  }
0x39: {  	_ = 	snop;
	(pc) =	sbr.ind lr, $3  }
0x3a: {  	_ = 	snop  }
0x3b: {  	_ = 	snop  }
0x3c: {  	p2 =	seq.s32 s10, $0x1;
	s10 =	sld [smem:$0x3FBA]  }
0x3d: {  	_ =	shalt  }
0x3e: {  	_ =	shalt  }
0x3f: {  	_ =	shalt  }
0x40: {  	_ =	shalt  }
0x41: {  	_ =	shalt  }
0x42: {  	_ =	shalt  }
0x43: {  	_ =	shalt  }
0x44: {  	_ =	shalt  }
0x45: {  	_ =	shalt  }
0x46: {  	_ =	shalt  }
0x47: {  	_ =	shalt  }
0x48: {  	_ =	shalt  }
0x49: {  	_ =	shalt  }
0x4a: {  	_ =	shalt  }
0x4b: {  	_ =	shalt  }
0x4c: {  	_ =	shalt  }
0x4d: {  	_ =	shalt  }
0x4e: {  	_ =	shalt  }
0x4f: {  	_ =	shalt  }
0x50: {  	_ =	shalt  }
0x51: {  	_ =	shalt  }
0x52: {  	_ =	shalt  }
0x53: {  	_ =	shalt  }
0x54: {  	_ =	shalt  }
0x55: {  	_ =	shalt  }
0x56: {  	_ =	shalt  }
0x57: {  	_ =	shalt  }
0x58: {  	_ =	shalt  }
0x59: {  	_ =	shalt  }
0x5a: {  	_ =	shalt  }
0x5b: {  	_ =	shalt  }
0x5c: {  	_ =	shalt  }
0x5d: {  	_ =	shalt  }
0x5e: {  	_ =	shalt  }
0x5f: {  	_ =	shalt  }
0x60: {  	_ =	shalt  }
0x61: {  	_ =	shalt  }
0x62: {  	_ =	shalt  }
0x63: {  	_ =	shalt  }
0x64: {  	_ =	shalt  }
0x65: {  	_ =	shalt  }
0x66: {  	_ =	shalt  }
0x67: {  	_ =	shalt  }
0x68: {  	_ =	shalt  }
0x69: {  	_ =	shalt  }
0x6a: {  	_ =	shalt  }
0x6b: {  	_ =	shalt  }
0x6c: {  	_ =	shalt  }
0x6d: {  	_ =	shalt  }
0x6e: {  	_ =	shalt  }
0x6f: {  	_ =	shalt  }
0x70: {  	_ =	shalt  }
0x71: {  	_ =	shalt  }
0x72: {  	_ =	shalt  }
0x73: {  	_ =	shalt  }
0x74: {  	_ =	shalt  }
0x75: {  	_ =	shalt  }
0x76: {  	_ =	shalt  }
0x77: {  	_ =	shalt  }
0x78: {  	_ =	shalt  }
0x79: {  	_ =	shalt  }
0x7a: {  	_ =	shalt  }
0x7b: {  	_ =	shalt  }
0x7c: {  	_ =	shalt  }
0x7d: {  	_ =	shalt  }
0x7e: {  	_ =	shalt  }
0x7f: {  	_ =	shalt  }
0x80: {  	_ =	shalt  }
0x81: {  	_ =	shalt  }
0x82: {  	_ =	shalt  }
0x83: {  	_ =	shalt  }
0x84: {  	_ =	shalt  }
0x85: {  	_ =	shalt  }
0x86: {  	_ =	shalt  }
0x87: {  	_ =	shalt  }
.Lfunc_end0:
.L_simem_size_0:
called_computation_lowered:
.L_overlay_start_0:
0x88: {  	s2 =	sld [smem:$0x3FD9]  }
0x89: {  	s3 =	sld [smem:$0x3FFE];
	_ =	sdelay $0x1  }
0x8a: {  	s1 =	srdreg.scid  }
0x8b: {  	s0 =	sand.u32 $0x1, s1  }
0x8c: {  	s17 =	sshll.u32 s0, $0xA;
	s2 =	sadd.s32 s3, s2  }
0x8d: {  	s2 =	sadd.s32 s2, s17  }
0x8e: {  	[smem:$0x3FC6] =	sst s2  }
0x8f: {  	_ = 	snop  }
0x90: {  	s2 =	sld [smem:$0x3FD0];
	(tm) =	ssettm $0x1  }
0x91: {  	s18 =	sld [smem:$0x3FFB];
	_ =	sdelay $0x3  }
0x92: {  	_ =	strace s18  }
0x93: {  	s3 =	sld [smem:$0x3FFC];
	_ =	sdelay $0x3  }
0x94: {  	_ =	strace s3  }
0x95: {  	s3 =	sld [smem:$0x3FFD];
	_ =	sdelay $0x3  }
0x96: {  	_ =	strace s3  }
0x97: {  	_ =	strace $0x8FFFFFFF  }
0x98: {  	s19 =	sld [smem:$0x3FDB];
	_ =	sdelay $0x1  }
0x99: {  	s4 =	simm.s32 $_scs_section_size  }
0x9a: {  	s5 =	simm.s32 $_size__tile_overlayer_lowered;
	s6 =	simm.s32 $_tile_overlayer_lowered  }
0x9b: {  	s22 =	simm.s32 $0x1BFF;
	s21 =	sshll.u32 s6, $0x1;
	s3 =	sadd.s32 s4, s19  }
0x9c: {  	s7 =	simm.s32 $0x0;
	s20 =	sshll.u32 s5, $0x1;
	s5 =	sadd.s32 s21, s3  }
0x9d: {  	[timem:s7], [sflag:s22] =	dma.local [hbm:s5], s20  }
0x9e: {  	_ =	swait.ge [sflag:s22], s20  }
0x9f: {  	s4 =	ssub.s32 $0x0, s20;
	[sflag:s22] =	ssyncset.done $0x0  }
0xa0: {  	[sflag:s22] =	ssyncadd.s32 s4;
	_ =	sdelay $0x1  }
0xa1: {  	s23 =	simm.s32 $0x1B8B  }
0xa2: {  	_ =	swait.ge [sflag:s23], $0x1  }
0xa3: {  	[sflag:s23] =	ssyncset.done $0x0  }
0xa4: {  	s25 =	simm.s32 $0x1B8E;
	s24 =	sld [smem:$0x3FFE];
	[sflag:s23] =	ssyncadd.s32 $0xFFFFFFFF  }
0xa5: {  	s26 =	simm.s32 $execute0_lowered;
	[smem:$0x3FD2] =	sst s25  }
0xa6: {  	s5 =	sshll.u32 s26, $0x1;
	_ =	strace $0x80000046;
	[dreg:$0x1] =	wrdreg $0xFFFFFFFF  }
0xa7: {  	s28 =	simm.s32 $_size_execute0_lowered;
	s3 =	sadd.s32 s3, s5;
	[dreg:$0x0] =	wrdreg $0x0  }
0xa8: {  	s5 =	sshll.u32 s28, $0x1;
	[dreg:$0x2] =	wrdreg s3  }
0xa9: {  	[dreg:$0x3] =	wrdreg s5  }
0xaa: {  	[dreg:$0x4] =	wrdreg $0xC0  }
0xab: {  	_ =	task [dreg:s7], $0x5FFFF  }
0xac: {  	[dreg:$0x1] =	wrdreg $0xFFFFFFFF  }
0xad: {  	[dreg:$0x0] =	wrdreg $0x60  }
0xae: {  	[dreg:$0x2] =	wrdreg s24  }
0xaf: {  	[dreg:$0x3] =	wrdreg s2  }
0xb0: {  	[dreg:$0x4] =	wrdreg $0x9  }
0xb1: {  	_ =	task.clear_ibuf [dreg:s7], $0x5FFFF;
	_ =	strace $0x90000046  }
0xb2: {  	s29 =	simm.s32 $0x9;
	_ =	strace $0x80000048  }
0xb3: {  	_ =	swait.ge [sflag:s29], $0x1  }
0xb4: {  	[sflag:s29] =	ssyncadd.s32 $0xFFFFFFFF  }
0xb5: {  	_ =	strace $0x90000048  }
0xb6: {  	_ =	sfence  }
0xb7: {  	s30 =	sld [smem:$0x0];
	_ =	sdelay $0x2  }
0xb8: {  	s31 =	sshll.u32 s1, $0xD;
	s1 =	sshrl.u32 s1, $0x2  }
0xb9: {  	s3 =	sand.u32 $0x4000, s31;
	s1 =	sadd.s32 s1, s30  }
0xba: {  	s0 =	sor.u32 s3, s0;
	s1 =	sshll.u32 s1, $0x11  }
0xbb: {  	s0 =	sor.u32 s1, s0  }
0xbc: {  	s0 =	sadd.s32 $0x8F2B, s0  }
0xbd: {  	[sflag:s0] =	ssyncadd.remote.s32 $0x1  }
0xbe: {  	_ =	sfence.sel $0xFFFF  }
0xbf: {  	[dreg:$0x0] =	wrdreg $0xFFFFFFFF;
	(pc) =	sbr.abs _section_cstart, $3  }
0xc0: {  	[dreg:$0x1] =	wrdreg $0xFFFFFFFF  }
0xc1: {  	_ =	task.clear_ibuf [dreg:s7], $0x2FFFF;
	_ =	strace $0x9FFFFFFF  }
0xc2: {  	(tm) =	ssettm $0x7FFFFFFF  }
0xc3: {  	_ =	shalt  }
tec
execute0_lowered:
.L_overlay_start_1:
0x0: {  	(tag) =	ssettag $0x1  }
0x1: {  	v0 =	vlaneseq.u32  }
0x2: {  	v1 =	vshrl.u32 v0, $0x3  }
0x3: {  	v10 =	vor.u32 $0x10, v0;
	v11 =	vor.u32 $0x20, v0;
	v12 =	vor.u32 $0x30, v0  }
0x4: {  	v13 =	vor.u32 $0x40, v0;
	v14 =	vor.u32 $0x50, v0;
	v15 =	vor.u32 $0x60, v0  }
0x5: {  	v16 =	vor.u32 $0x70, v0;
	v17 =	vor.u32 $0x80, v0;
	v18 =	vor.u32 $0x90, v0  }
0x6: {  	v19 =	vor.u32 $0xA0, v0;
	v20 =	vor.u32 $0xB0, v0;
	v21 =	vor.u32 $0xC0, v0  }
0x7: {  	v22 =	vor.u32 $0xD0, v0;
	v23 =	vor.u32 $0xE0, v0;
	v24 =	vor.u32 $0xF0, v0  }
0x8: {  	v25 =	vor.u32 $0x100, v0;
	v26 =	vor.u32 $0x110, v0;
	v27 =	vor.u32 $0x120, v0  }
0x9: {  	s4 =	rddreg [dreg:$0x0];
	v28 =	vor.u32 $0x130, v0;
	v29 =	vor.u32 $0x140, v0;
	v30 =	vor.u32 $0x150, v0  }
0xa: {  	s7 =	rddreg [dreg:$0x1];
	v31 =	vor.u32 $0x160, v0;
	v32 =	vor.u32 $0x170, v0;
	v33 =	vor.u32 $0x180, v0  }
0xb: {  	s0 =	rddreg [dreg:$0x2];
	v34 =	vor.u32 $0x190, v0;
	v35 =	vor.u32 $0x1A0, v0;
	v36 =	vor.u32 $0x1B0, v0  }
0xc: {  	s2 =	simm.s32 $0x0;
	s3 =	srdreg.scid;
	s1 =	stileid.u32;
	v37 =	vor.u32 $0x1C0, v0;
	v38 =	vor.u32 $0x1D0, v0;
	v39 =	vor.u32 $0x1E0, v0  }
0xd: {  	s13 =	simm.s32 $0x2A00;
	s14 =	simm.s32 $0x2B80;
	s16 =	simm.s32 $0x6B80;
	v40 =	vor.u32 $0x1F0, v0;
	v41 =	vor.u32 $0x200, v0;
	v42 =	vor.u32 $0x210, v0  }
0xe: {  	s17 =	simm.s32 $0x7000;
	s18 =	simm.s32 $0x2A80;
	s19 =	simm.s32 $0x7480;
	v43 =	vor.u32 $0x220, v0;
	v44 =	vor.u32 $0x230, v0;
	v45 =	vor.u32 $0x240, v0  }
0xf: {  	[smem:$0x7FF] =	sst s2;
	s9 =	sand.u32 $0x1, s3;
	v46 =	vor.u32 $0x250, v0;
	s3 =	sadd.s32 $0x840C00, s4;
	v47 =	vor.u32 $0x260, v0;
	v2 =	vor.u32 $0x3B0, v0  }
0x10: {  	s12 =	simm.s32 $0x80;
	s15 =	simm.s32 $0x1;
	v48 =	vor.u32 $0x270, v0;
	v49 =	vor.u32 $0x280, v0;
	v6 =	vor.u32 $0x370, v0;
	_ =	strace $0x80000047;
	[tilespmem:$0x1FF80] =	vst v2  }
0x11: {  	s20 =	simm.s32 $0x0;
	s29 =	sshll.u32 s1, $0x1;
	v50 =	vor.u32 $0x290, v0;
	v51 =	vor.u32 $0x2A0, v0;
	s31 =	sshll.u32 s1, $0x9;
	v7 =	vor.u32 $0x380, v0;
	[tilespmem:$0x1FFC0] =	vst v6  }
0x12: {  	v52 =	vor.u32 $0x2B0, v0;
	v53 =	vor.u32 $0x2C0, v0;
	v8 =	vor.u32 $0x390, v0;
	s5 =	sor.u32 s9, s29;
	s8 =	ssub.s32 $0x2, s9;
	s9 =	sshll.u32 s9, $0x8;
	[tilespmem:$0x1FFD0] =	vst v7  }
.Ltmp0:
0x13: {  	v54 =	vor.u32 $0x2D0, v0;
	v55 =	vor.u32 $0x2E0, v0;
	v9 =	vor.u32 $0x3A0, v0;
	[tilespmem:$0x1FFE0] =	vst v8;
	s6 =	sshll.u32 s5, $0x8;
	s10 =	sshll.u32 s5, $0x5;
	(pc) =	sbr.rel .LBB2_1-.Ltmp0, $4  }
0x14: {  	v56 =	vor.u32 $0x2F0, v0;
	v57 =	vor.u32 $0x300, v0;
	v2 =	vor.u32 $0x3C0, v0;
	[tilespmem:$0x1FFF0] =	vst v9;
	s30 =	sshrl.u32 s8, $0x1;
	s9 =	sor.u32 s9, s31;
	s6 =	sadd.s32 s6, s4  }
0x15: {  	v58 =	vor.u32 $0x310, v0;
	v59 =	vor.u32 $0x320, v0;
	[tilespmem:$0x1FF90] =	vst v2;
	v2 =	vor.u32 $0x3D0, v0;
	s11 =	sadd.s32 s10, s4;
	s4 =	sadd.s32 $0x820C00, s4;
	s8 =	ssub.s32 s8, s30  }
0x16: {  	v60 =	vor.u32 $0x330, v0;
	v61 =	vor.u32 $0x340, v0;
	s7 =	sadd.s32 s7, s10;
	s10 =	simm.s32 $0x2;
	[tilespmem:$0x1FFA0] =	vst v2;
	v2 =	vor.u32 $0x3E0, v0;
	s5 =	sadd.s32 $0xC00, s6  }
0x17: {  	v62 =	vor.u32 $0x350, v0;
	v63 =	vor.u32 $0x360, v0;
	v1 =	vmul.u32 $0x40, v1;
	s6 =	sadd.s32 $0x821000, s11;
	s8 =	smax.u32 s8, $0x1;
	s11 =	simm.s32 $0x2880;
	[tilespmem:$0x1FFB0] =	vst v2  }
.LBB2_15:
0x18: {  	s20 =	sadd.s32 $0x1, s20  }
0x19: {  	p0 =	sne.s32 s20, s8  }
.Ltmp1:
0x1a: {  	_ = 	snop;
	(pc) =	sbr.rel @!p0 .LBB2_16-.Ltmp1, $4  }
0x1b: {  	[hbm4b:s7+s2] =	stream.linear.scatter [tilespmem:s19], [sflag:$0x2], $0x100, $0x38;
	[tilespmem:$0x7580] =	vst v63  }
0x1c: {  	_ =	swait.ge [sflag:s10], $0x100  }
0x1d: {  	[sflag:s10] =	ssyncset.done $0x0  }
0x1e: {  	[sflag:s10] =	ssyncadd.s32 $0xFFFFFF00  }
.LBB2_1:
0x1f: {  	[tilespmem:s2], [sflag:$0x2] =	stream.linear.gather [hbm4b:s4+s2], $0x2000, $0x38;
	[tilespmem:$0x7580] =	vst v63  }
0x20: {  	_ =	swait.ge [sflag:s10], $0x2000  }
0x21: {  	[sflag:s10] =	ssyncset.done $0x0  }
0x22: {  	s21 =	simm.s32 $0x2000;
	[sflag:s10] =	ssyncadd.s32 $0xFFFFE000  }
0x23: {  	[tilespmem:s21], [sflag:$0x2] =	stream.linear.gather [hbm4b:s5+s2], $0x800, $0x38;
	[tilespmem:$0x7580] =	vst v63  }
0x24: {  	_ =	swait.ge [sflag:s10], $0x800  }
0x25: {  	[sflag:s10] =	ssyncset.done $0x0  }
.Ltmp2:
0x26: {  	[sflag:s10] =	ssyncadd.s32 $0xFFFFF800;
	(pc) =	sbr.rel .LBB2_2-.Ltmp2, $4  }
0x27: {  	[tilespmem:s11], [sflag:$0x2] =	stream.linear.gather [hbm4b:s6+s2], $0x100, $0x38;
	[tilespmem:$0x7580] =	vst v63  }
0x28: {  	_ =	swait.ge [sflag:s10], $0x100  }
0x29: {  	[sflag:s10] =	ssyncset.done $0x0  }
0x2a: {  	s22 =	smov.u32 s9;
	s23 =	simm.s32 $0x0;
	[sflag:s10] =	ssyncadd.s32 $0xFFFFFF00  }
.LBB2_14:
0x2b: {  	s23 =	sadd.s32 $0x1, s23  }
0x2c: {  	p0 =	sne.s32 s23, $0x10  }
.Ltmp3:
0x2d: {  	_ = 	snop;
	(pc) =	sbr.rel @!p0 .LBB2_15-.Ltmp3, $2  }
0x2e: {  	_ =	sdelay $0x2  }
0x2f: {  	[tilespmem:s24+$0x7480] =	vst v2;
	s22 =	sadd.s32 $0x10, s22;
	s21 =	sadd.s32 $0x80, s21  }
.LBB2_2:
0x30: {  	v2 =	vmov s21;
	_ =	sdelay $0x3  }
0x31: {  	s25 =	simm.s32 $0x0  }
0x32: {  	v3 =	vld.idx.msk [tilespmem:v2+s25+$0x0 ss:$0x1], $0xffff;
	_ =	sdelay $0x1  }
0x33: {  	v4 =	vmov s22  }
0x34: {  	v4 =	vshll.u32 v4, $0x6  }
0x35: {  	v4 =	vor.u32 v1, v4  }
0x36: {  	v4 =	vadd.s32 v4, v3  }
0x37: {  	v3 =	vshll.u32 v3, $0x7;
	[tilespmem:s25+$0x2A00] =	vst v4  }
0x38: {  	s24 =	simm.s32 $0x10;
	s26 =	simm.s32 $0x80;
	[tilespmem:s25+$0x2A80] =	vst v3;
	s25 =	smov.u32 s22  }
.LBB2_3:
0x39: {  	p0 =	sne.s32 s26, $0x1C0;
	v3 =	vld.idx.msk [tilespmem:v2+s24+$0x0 ss:$0x1], $0xffff;
	_ =	sdelay $0x1  }
0x3a: {  	s25 =	sadd.s32 $0x2, s25  }
0x3b: {  	v4 =	vmov s25  }
.Ltmp4:
0x3c: {  	v4 =	vshll.u32 v4, $0x6;
	(pc) =	sbr.rel @p0 .LBB2_3-.Ltmp4, $4  }
0x3d: {  	v4 =	vor.u32 v1, v4  }
0x3e: {  	v4 =	vadd.s32 v4, v3;
	v3 =	vshll.u32 v3, $0x7  }
0x3f: {  	[tilespmem:s24+$0x2A00] =	vst v4  }
0x40: {  	[tilespmem:s24+$0x2A80] =	vst v3;
	s24 =	sshra.s32 s26, $0x2;
	s26 =	sadd.s32 $0x40, s26  }
0x41: {  	_ =	sdelay $0x3  }
0x42: {  	v2 =	vld.idx.msk [tilespmem:v2+s24+$0x0 ss:$0x1], $0xffff  }
0x43: {  	s25 =	sadd.s32 $0x2, s25  }
0x44: {  	v3 =	vmov s25  }
0x45: {  	v3 =	vshll.u32 v3, $0x6  }
0x46: {  	v3 =	vor.u32 v1, v3  }
0x47: {  	v3 =	vadd.s32 v3, v2  }
0x48: {  	v2 =	vshll.u32 v2, $0x7;
	[tilespmem:s24+$0x2A00] =	vst v3  }
.Ltmp5:
0x49: {  	[tilespmem:s24+$0x2A80] =	vst v2;
	(pc) =	sbr.rel .LBB2_5-.Ltmp5, $4  }
0x4a: {  	[tilespmem:s14], [sflag:$0x1] =	stream.indirect.gather [hbm4b:s3+s12], $0x80, s13, s12, $0xb8;
	[tilespmem:$0x7580] =	vst v63  }
0x4b: {  	s31 =	sshll.u32 s23, $0x6;
	_ =	swait.ge [sflag:s15], $0x4000  }
0x4c: {  	s24 =	sshrl.u32 s31, $0x2;
	[sflag:s15] =	ssyncset.done $0x0  }
0x4d: {  	s26 =	simm.s32 $0x0;
	v2 =	vimm.f32 $0.0e+00;
	s25 =	sadd.s32 $0x2880, s24;
	[sflag:s15] =	ssyncadd.s32 $0xFFFFC000  }
.LBB2_7:
0x4e: {  	_ = 	snop  }
.LBB2_12:
0x4f: {  	_ =	sdelay $0x2  }
0x50: {  	v6, v9, _ =	vpop @p0 (xrf1)  }
0x51: {  	(xrf1) =	vsort.ascd.msk.f32 $0xffff, v7, v8;
	v6 =	vxor.u32 @p0 $0x80000000, v6  }
0x52: {  	(xrf1) =	vsort.ascd.msk.f32 @p0 $0xffff, v9, v6;
	_ =	sdelay $0xc  }
0x53: {  	v5 =	vadd.s32 $0xF, v5;
	v6, v7, _ =	vpop (xrf1)  }
0x54: {  	v6 =	vperm.xlane v6, v5;
	v5 =	vperm.xlane v7, v5;
	v7, v8, _ =	vpop @p0 (xrf1)  }
0x55: {  	v3 =	vpsel p0, v7, v3;
	v4 =	vpsel p0, v8, v4  }
0x56: {  	vm0 =	veq.f32 v3, v6;
	vm1 =	vlt.s32 v4, v5  }
0x57: {  	vm2 =	vlt.f32 v3, v6;
	vm0 =	vmand vm0, vm1  }
0x58: {  	vm0 =	vmor vm2, vm0  }
0x59: {  	v4 =	vsel vm0, v4, v5  }
0x5a: {  	v3 =	vsel vm0, v3, v6;
	v4 =	vxor.u32 $0x80000000, v4  }
0x5b: {  	(xrf1) =	vsort.ascd.msk.u32 $0xffff, v4, v3;
	_ =	sdelay $0xd  }
0x5c: {  	v3, v4, _ =	vpop (xrf1)  }
0x5d: {  	v3 =	vxor.u32 $0x80000000, v3  }
0x5e: {  	(xrf1) =	vsort.ascd.msk.f32 $0xffff, v4, v3;
	_ =	sdelay $0xa  }
0x5f: {  	v9 =	vld [tilespmem:$0x1FFF0]  }
0x60: {  	v7 =	vld [tilespmem:$0x1FFD0]  }
0x61: {  	v8 =	vld [tilespmem:$0x1FFE0]  }
0x62: {  	v6 =	vld [tilespmem:$0x1FFC0];
	v3, v4, _ =	vpop (xrf1)  }
.LBB2_13:
0x63: {  	v5 =	vshra.s32 v4, $0x7  }
0x64: {  	vm0 =	vlt.s32 v5, $0x7  }
0x65: {  	s28 =	sshll.u32 s26, $0x3;
	v5 =	vnsel vm0, $0x7, v5  }
0x66: {  	v5 =	vadd.s32 s28, v5;
	_ =	sdelay $0x4  }
0x67: {  	v5 =	vld.idx.msk [tilespmem:v5+s18+$0x0], $0xffff;
	_ =	sdelay $0x3  }
0x68: {  	v4 =	vand.u32 $0x7F, v4  }
0x69: {  	v4 =	vadd.s32 v4, v5  }
0x6a: {  	vm13 =	vlt.s32 v4, $0x1FFF  }
0x6b: {  	v4 =	vnsel vm13, $0x1FFF, v4;
	_ =	sdelay $0x4  }
0x6c: {  	v4 =	vld.idx.msk [tilespmem:v4+s2+$0x0], $0xffff;
	_ =	sdelay $0x2  }
0x6d: {  	vm14 =	vlt.f32 v3, $9.990000000e+02;
	vm1 =	vmmov $0xff  }
0x6e: {  	vm0 =	vmand vm14, vm1  }
0x6f: {  	v3 =	vnsel vm0, $0x0, v4  }
0x70: {  	(xrf2) =	vadd.scan.msk.f32 $0xffff, v3;
	_ =	sdelay $0x9  }
0x71: {  	v3, _, _ =	vpop (xrf2)  }
0x72: {  	(v2sf) =	vpush v3, $0xF;
	_ =	sdelay $0xe  }
0x73: {  	s31 =	spop (v2sf)  }
0x74: {  	p0 =	sgt.f32 s31, $4.000000000e+00  }
0x75: {  	s28 =	simm.f32 $1.000000000e+00;
	v3 =	vmov s26;
	s26 =	sadd.s32 $0x1, s26  }
0x76: {  	s28 =	simm.s32 @!p0 $0x0;
	p0 =	sne.s32 s26, $0x10  }
.Ltmp6:
0x77: {  	_ = 	snop;
	(pc) =	sbr.rel @!p0 .LBB2_14-.Ltmp6, $3  }
0x78: {  	_ =	sdelay $0x1  }
0x79: {  	vm15 =	veq.s32 v3, v0  }
0x7a: {  	v2 =	vsel vm15, s28, v2  }
.LBB2_5:
0x7b: {  	s28 =	sshll.u32 s26, $0xA;
	s29 =	sadd.s32 s26, s25  }
0x7c: {  	s28 =	sand.u32 $0x3FFFFC00, s28;
	v3 =	vld.msk [tilespmem:s29+$0x0 ss:$0x0], $0xffff  }
0x7d: {  	v4 =	vld [tilespmem:s28+$0x2B80];
	_ =	sdelay $0x4  }
0x7e: {  	vm0 =	vle.f32 v4, v3  }
0x7f: {  	[tilespmem:s16+$0x0] =	vst.msk vm0, v4  }
0x80: {  	v4 =	vmpcnt.ones.xlane vm0;
	[tilespmem:s17+$0x0] =	vst.msk vm0, v0  }
0x81: {  	v5 =	vld [tilespmem:s28+$0x2B90]  }
0x82: {  	(v2sf) =	vpush v4, $0x0;
	_ =	sdelay $0x3  }
0x83: {  	vm13 =	vle.f32 v5, v3  }
0x84: {  	v4 =	vmpcnt.ones.xlane vm13;
	_ =	sdelay $0x1  }
0x85: {  	(v2sf) =	vpush v4, $0x0;
	_ =	sdelay $0x7  }
0x86: {  	s31 =	spop (v2sf)  }
0x87: {  	[tilespmem:s31+$0x6B80] =	vst.msk vm13, v5  }
0x88: {  	[tilespmem:s31+$0x7000] =	vst.msk vm13, v10  }
0x89: {  	v4 =	vld [tilespmem:s28+$0x2BA0];
	_ =	sdelay $0x3  }
0x8a: {  	s30 =	spop (v2sf)  }
0x8b: {  	vm14 =	vle.f32 v4, v3;
	s29 =	sadd.s32 s31, s30  }
0x8c: {  	[tilespmem:s29+$0x6B80] =	vst.msk vm14, v4;
	v4 =	vmpcnt.ones.xlane vm14  }
0x8d: {  	[tilespmem:s29+$0x7000] =	vst.msk vm14, v11  }
0x8e: {  	(v2sf) =	vpush v4, $0x0;
	v4 =	vld [tilespmem:s28+$0x2BB0];
	_ =	sdelay $0x4  }
0x8f: {  	vm15 =	vle.f32 v4, v3  }
0x90: {  	v5 =	vmpcnt.ones.xlane vm15;
	_ =	sdelay $0x1  }
0x91: {  	(v2sf) =	vpush v5, $0x0;
	_ =	sdelay $0x6  }
0x92: {  	s31 =	spop (v2sf)  }
0x93: {  	s29 =	sadd.s32 s29, s31  }
0x94: {  	[tilespmem:s29+$0x6B80] =	vst.msk vm15, v4  }
0x95: {  	[tilespmem:s29+$0x7000] =	vst.msk vm15, v12  }
0x96: {  	v4 =	vld [tilespmem:s28+$0x2BC0];
	_ =	sdelay $0x3  }
0x97: {  	s31 =	spop (v2sf)  }
0x98: {  	s29 =	sadd.s32 s29, s31;
	vm4 =	vle.f32 v4, v3  }
0x99: {  	[tilespmem:s29+$0x6B80] =	vst.msk vm4, v4;
	v4 =	vmpcnt.ones.xlane vm4  }
0x9a: {  	[tilespmem:s29+$0x7000] =	vst.msk vm4, v13  }
0x9b: {  	(v2sf) =	vpush v4, $0x0;
	v4 =	vld [tilespmem:s28+$0x2BD0];
	_ =	sdelay $0x4  }
0x9c: {  	vm5 =	vle.f32 v4, v3  }
0x9d: {  	v5 =	vmpcnt.ones.xlane vm5;
	_ =	sdelay $0x1  }
0x9e: {  	(v2sf) =	vpush v5, $0x0;
	_ =	sdelay $0x6  }
0x9f: {  	s31 =	spop (v2sf)  }
0xa0: {  	s29 =	sadd.s32 s29, s31  }
0xa1: {  	[tilespmem:s29+$0x6B80] =	vst.msk vm5, v4  }
0xa2: {  	[tilespmem:s29+$0x7000] =	vst.msk vm5, v14  }
0xa3: {  	v4 =	vld [tilespmem:s28+$0x2BE0];
	_ =	sdelay $0x3  }
0xa4: {  	s31 =	spop (v2sf)  }
0xa5: {  	s29 =	sadd.s32 s29, s31;
	vm6 =	vle.f32 v4, v3  }
0xa6: {  	[tilespmem:s29+$0x6B80] =	vst.msk vm6, v4;
	v4 =	vmpcnt.ones.xlane vm6  }
0xa7: {  	[tilespmem:s29+$0x7000] =	vst.msk vm6, v15  }
0xa8: {  	(v2sf) =	vpush v4, $0x0;
	v4 =	vld [tilespmem:s28+$0x2BF0];
	_ =	sdelay $0x4  }
0xa9: {  	vm7 =	vle.f32 v4, v3  }
0xaa: {  	v5 =	vmpcnt.ones.xlane vm7;
	_ =	sdelay $0x1  }
0xab: {  	(v2sf) =	vpush v5, $0x0;
	_ =	sdelay $0x6  }
0xac: {  	s31 =	spop (v2sf)  }
0xad: {  	s29 =	sadd.s32 s29, s31  }
0xae: {  	[tilespmem:s29+$0x6B80] =	vst.msk vm7, v4  }
0xaf: {  	[tilespmem:s29+$0x7000] =	vst.msk vm7, v16  }
0xb0: {  	v4 =	vld [tilespmem:s28+$0x2C00];
	_ =	sdelay $0x3  }
0xb1: {  	s31 =	spop (v2sf)  }
0xb2: {  	s29 =	sadd.s32 s29, s31;
	vm8 =	vle.f32 v4, v3  }
0xb3: {  	[tilespmem:s29+$0x6B80] =	vst.msk vm8, v4;
	v4 =	vmpcnt.ones.xlane vm8  }
0xb4: {  	[tilespmem:s29+$0x7000] =	vst.msk vm8, v17  }
0xb5: {  	(v2sf) =	vpush v4, $0x0;
	v4 =	vld [tilespmem:s28+$0x2C10];
	_ =	sdelay $0x4  }
0xb6: {  	vm9 =	vle.f32 v4, v3  }
0xb7: {  	v5 =	vmpcnt.ones.xlane vm9;
	_ =	sdelay $0x1  }
0xb8: {  	(v2sf) =	vpush v5, $0x0;
	_ =	sdelay $0x6  }
0xb9: {  	s31 =	spop (v2sf)  }
0xba: {  	s29 =	sadd.s32 s29, s31  }
0xbb: {  	[tilespmem:s29+$0x6B80] =	vst.msk vm9, v4  }
0xbc: {  	[tilespmem:s29+$0x7000] =	vst.msk vm9, v18  }
0xbd: {  	v4 =	vld [tilespmem:s28+$0x2C20];
	_ =	sdelay $0x3  }
0xbe: {  	s31 =	spop (v2sf)  }
0xbf: {  	s29 =	sadd.s32 s29, s31;
	vm10 =	vle.f32 v4, v3  }
0xc0: {  	[tilespmem:s29+$0x6B80] =	vst.msk vm10, v4;
	v4 =	vmpcnt.ones.xlane vm10  }
0xc1: {  	[tilespmem:s29+$0x7000] =	vst.msk vm10, v19  }
0xc2: {  	(v2sf) =	vpush v4, $0x0;
	v4 =	vld [tilespmem:s28+$0x2C30];
	_ =	sdelay $0x4  }
0xc3: {  	vm11 =	vle.f32 v4, v3  }
0xc4: {  	v5 =	vmpcnt.ones.xlane vm11;
	_ =	sdelay $0x1  }
0xc5: {  	(v2sf) =	vpush v5, $0x0;
	_ =	sdelay $0x6  }
0xc6: {  	s31 =	spop (v2sf)  }
0xc7: {  	s29 =	sadd.s32 s29, s31  }
0xc8: {  	[tilespmem:s29+$0x6B80] =	vst.msk vm11, v4  }
0xc9: {  	[tilespmem:s29+$0x7000] =	vst.msk vm11, v20  }
0xca: {  	v4 =	vld [tilespmem:s28+$0x2C40];
	_ =	sdelay $0x3  }
0xcb: {  	s31 =	spop (v2sf)  }
0xcc: {  	s29 =	sadd.s32 s29, s31;
	vm12 =	vle.f32 v4, v3  }
0xcd: {  	[tilespmem:s29+$0x6B80] =	vst.msk vm12, v4;
	v4 =	vmpcnt.ones.xlane vm12  }
0xce: {  	[tilespmem:s29+$0x7000] =	vst.msk vm12, v21  }
0xcf: {  	(v2sf) =	vpush v4, $0x0;
	v4 =	vld [tilespmem:s28+$0x2C50];
	_ =	sdelay $0x4  }
0xd0: {  	vm13 =	vle.f32 v4, v3  }
0xd1: {  	v5 =	vmpcnt.ones.xlane vm13;
	_ =	sdelay $0x1  }
0xd2: {  	(v2sf) =	vpush v5, $0x0;
	_ =	sdelay $0x6  }
0xd3: {  	s31 =	spop (v2sf)  }
0xd4: {  	s29 =	sadd.s32 s29, s31  }
0xd5: {  	[tilespmem:s29+$0x6B80] =	vst.msk vm13, v4  }
0xd6: {  	[tilespmem:s29+$0x7000] =	vst.msk vm13, v22  }
0xd7: {  	v4 =	vld [tilespmem:s28+$0x2C60];
	_ =	sdelay $0x3  }
0xd8: {  	s31 =	spop (v2sf)  }
0xd9: {  	s29 =	sadd.s32 s29, s31;
	vm14 =	vle.f32 v4, v3  }
0xda: {  	[tilespmem:s29+$0x6B80] =	vst.msk vm14, v4;
	v4 =	vmpcnt.ones.xlane vm14  }
0xdb: {  	[tilespmem:s29+$0x7000] =	vst.msk vm14, v23  }
0xdc: {  	(v2sf) =	vpush v4, $0x0;
	v4 =	vld [tilespmem:s28+$0x2C70];
	_ =	sdelay $0x4  }
0xdd: {  	vm15 =	vle.f32 v4, v3  }
0xde: {  	v5 =	vmpcnt.ones.xlane vm15;
	_ =	sdelay $0x1  }
0xdf: {  	(v2sf) =	vpush v5, $0x0;
	_ =	sdelay $0x6  }
0xe0: {  	s31 =	spop (v2sf)  }
0xe1: {  	s29 =	sadd.s32 s29, s31  }
0xe2: {  	[tilespmem:s29+$0x6B80] =	vst.msk vm15, v4  }
0xe3: {  	[tilespmem:s29+$0x7000] =	vst.msk vm15, v24  }
0xe4: {  	v4 =	vld [tilespmem:s28+$0x2C80];
	_ =	sdelay $0x3  }
0xe5: {  	s31 =	spop (v2sf)  }
0xe6: {  	s29 =	sadd.s32 s29, s31;
	vm4 =	vle.f32 v4, v3  }
0xe7: {  	[tilespmem:s29+$0x6B80] =	vst.msk vm4, v4;
	v4 =	vmpcnt.ones.xlane vm4  }
0xe8: {  	[tilespmem:s29+$0x7000] =	vst.msk vm4, v25  }
0xe9: {  	(v2sf) =	vpush v4, $0x0;
	v4 =	vld [tilespmem:s28+$0x2C90];
	_ =	sdelay $0x4  }
0xea: {  	vm5 =	vle.f32 v4, v3  }
0xeb: {  	v5 =	vmpcnt.ones.xlane vm5;
	_ =	sdelay $0x1  }
0xec: {  	(v2sf) =	vpush v5, $0x0;
	_ =	sdelay $0x6  }
0xed: {  	s31 =	spop (v2sf)  }
0xee: {  	s29 =	sadd.s32 s29, s31  }
0xef: {  	[tilespmem:s29+$0x6B80] =	vst.msk vm5, v4  }
0xf0: {  	[tilespmem:s29+$0x7000] =	vst.msk vm5, v26  }
0xf1: {  	v4 =	vld [tilespmem:s28+$0x2CA0];
	_ =	sdelay $0x3  }
0xf2: {  	s31 =	spop (v2sf)  }
0xf3: {  	s29 =	sadd.s32 s29, s31;
	vm6 =	vle.f32 v4, v3  }
0xf4: {  	[tilespmem:s29+$0x6B80] =	vst.msk vm6, v4;
	v4 =	vmpcnt.ones.xlane vm6  }
0xf5: {  	[tilespmem:s29+$0x7000] =	vst.msk vm6, v27  }
0xf6: {  	(v2sf) =	vpush v4, $0x0;
	v4 =	vld [tilespmem:s28+$0x2CB0];
	_ =	sdelay $0x4  }
0xf7: {  	vm7 =	vle.f32 v4, v3  }
0xf8: {  	v5 =	vmpcnt.ones.xlane vm7;
	_ =	sdelay $0x1  }
0xf9: {  	(v2sf) =	vpush v5, $0x0;
	_ =	sdelay $0x6  }
0xfa: {  	s31 =	spop (v2sf)  }
0xfb: {  	s29 =	sadd.s32 s29, s31  }
0xfc: {  	[tilespmem:s29+$0x6B80] =	vst.msk vm7, v4  }
0xfd: {  	[tilespmem:s29+$0x7000] =	vst.msk vm7, v28  }
0xfe: {  	v4 =	vld [tilespmem:s28+$0x2CC0];
	_ =	sdelay $0x3  }
0xff: {  	s31 =	spop (v2sf)  }
0x100: {  	s29 =	sadd.s32 s29, s31;
	vm8 =	vle.f32 v4, v3  }
0x101: {  	[tilespmem:s29+$0x6B80] =	vst.msk vm8, v4;
	v4 =	vmpcnt.ones.xlane vm8  }
0x102: {  	[tilespmem:s29+$0x7000] =	vst.msk vm8, v29  }
0x103: {  	(v2sf) =	vpush v4, $0x0;
	v4 =	vld [tilespmem:s28+$0x2CD0];
	_ =	sdelay $0x4  }
0x104: {  	vm9 =	vle.f32 v4, v3  }
0x105: {  	v5 =	vmpcnt.ones.xlane vm9;
	_ =	sdelay $0x1  }
0x106: {  	(v2sf) =	vpush v5, $0x0;
	_ =	sdelay $0x6  }
0x107: {  	s31 =	spop (v2sf)  }
0x108: {  	s29 =	sadd.s32 s29, s31  }
0x109: {  	[tilespmem:s29+$0x6B80] =	vst.msk vm9, v4  }
0x10a: {  	[tilespmem:s29+$0x7000] =	vst.msk vm9, v30  }
0x10b: {  	v4 =	vld [tilespmem:s28+$0x2CE0];
	_ =	sdelay $0x3  }
0x10c: {  	s31 =	spop (v2sf)  }
0x10d: {  	s29 =	sadd.s32 s29, s31;
	vm10 =	vle.f32 v4, v3  }
0x10e: {  	[tilespmem:s29+$0x6B80] =	vst.msk vm10, v4;
	v4 =	vmpcnt.ones.xlane vm10  }
0x10f: {  	[tilespmem:s29+$0x7000] =	vst.msk vm10, v31  }
0x110: {  	(v2sf) =	vpush v4, $0x0;
	v4 =	vld [tilespmem:s28+$0x2CF0];
	_ =	sdelay $0x4  }
0x111: {  	vm11 =	vle.f32 v4, v3  }
0x112: {  	v5 =	vmpcnt.ones.xlane vm11;
	_ =	sdelay $0x1  }
0x113: {  	(v2sf) =	vpush v5, $0x0;
	_ =	sdelay $0x6  }
0x114: {  	s31 =	spop (v2sf)  }
0x115: {  	s29 =	sadd.s32 s29, s31  }
0x116: {  	[tilespmem:s29+$0x6B80] =	vst.msk vm11, v4  }
0x117: {  	[tilespmem:s29+$0x7000] =	vst.msk vm11, v32  }
0x118: {  	v4 =	vld [tilespmem:s28+$0x2D00];
	_ =	sdelay $0x3  }
0x119: {  	s31 =	spop (v2sf)  }
0x11a: {  	s29 =	sadd.s32 s29, s31;
	vm12 =	vle.f32 v4, v3  }
0x11b: {  	[tilespmem:s29+$0x6B80] =	vst.msk vm12, v4;
	v4 =	vmpcnt.ones.xlane vm12  }
0x11c: {  	[tilespmem:s29+$0x7000] =	vst.msk vm12, v33  }
0x11d: {  	(v2sf) =	vpush v4, $0x0;
	v4 =	vld [tilespmem:s28+$0x2D10];
	_ =	sdelay $0x4  }
0x11e: {  	vm13 =	vle.f32 v4, v3  }
0x11f: {  	v5 =	vmpcnt.ones.xlane vm13;
	_ =	sdelay $0x1  }
0x120: {  	(v2sf) =	vpush v5, $0x0;
	_ =	sdelay $0x6  }
0x121: {  	s31 =	spop (v2sf)  }
0x122: {  	s29 =	sadd.s32 s29, s31  }
0x123: {  	[tilespmem:s29+$0x6B80] =	vst.msk vm13, v4  }
0x124: {  	[tilespmem:s29+$0x7000] =	vst.msk vm13, v34  }
0x125: {  	v4 =	vld [tilespmem:s28+$0x2D20];
	_ =	sdelay $0x3  }
0x126: {  	s31 =	spop (v2sf)  }
0x127: {  	s29 =	sadd.s32 s29, s31;
	vm14 =	vle.f32 v4, v3  }
0x128: {  	[tilespmem:s29+$0x6B80] =	vst.msk vm14, v4;
	v4 =	vmpcnt.ones.xlane vm14  }
0x129: {  	[tilespmem:s29+$0x7000] =	vst.msk vm14, v35  }
0x12a: {  	(v2sf) =	vpush v4, $0x0;
	v4 =	vld [tilespmem:s28+$0x2D30];
	_ =	sdelay $0x4  }
0x12b: {  	vm15 =	vle.f32 v4, v3  }
0x12c: {  	v5 =	vmpcnt.ones.xlane vm15;
	_ =	sdelay $0x1  }
0x12d: {  	(v2sf) =	vpush v5, $0x0;
	_ =	sdelay $0x6  }
0x12e: {  	s31 =	spop (v2sf)  }
0x12f: {  	s29 =	sadd.s32 s29, s31  }
0x130: {  	[tilespmem:s29+$0x6B80] =	vst.msk vm15, v4  }
0x131: {  	[tilespmem:s29+$0x7000] =	vst.msk vm15, v36  }
0x132: {  	v4 =	vld [tilespmem:s28+$0x2D40];
	_ =	sdelay $0x3  }
0x133: {  	s31 =	spop (v2sf)  }
0x134: {  	s29 =	sadd.s32 s29, s31;
	vm4 =	vle.f32 v4, v3  }
0x135: {  	[tilespmem:s29+$0x6B80] =	vst.msk vm4, v4;
	v4 =	vmpcnt.ones.xlane vm4  }
0x136: {  	[tilespmem:s29+$0x7000] =	vst.msk vm4, v37  }
0x137: {  	(v2sf) =	vpush v4, $0x0;
	v4 =	vld [tilespmem:s28+$0x2D50];
	_ =	sdelay $0x4  }
0x138: {  	vm5 =	vle.f32 v4, v3  }
0x139: {  	v5 =	vmpcnt.ones.xlane vm5;
	_ =	sdelay $0x1  }
0x13a: {  	(v2sf) =	vpush v5, $0x0;
	_ =	sdelay $0x6  }
0x13b: {  	s31 =	spop (v2sf)  }
0x13c: {  	s29 =	sadd.s32 s29, s31  }
0x13d: {  	[tilespmem:s29+$0x6B80] =	vst.msk vm5, v4  }
0x13e: {  	[tilespmem:s29+$0x7000] =	vst.msk vm5, v38  }
0x13f: {  	v4 =	vld [tilespmem:s28+$0x2D60];
	_ =	sdelay $0x3  }
0x140: {  	s31 =	spop (v2sf)  }
0x141: {  	s29 =	sadd.s32 s29, s31;
	vm6 =	vle.f32 v4, v3  }
0x142: {  	[tilespmem:s29+$0x6B80] =	vst.msk vm6, v4;
	v4 =	vmpcnt.ones.xlane vm6  }
0x143: {  	[tilespmem:s29+$0x7000] =	vst.msk vm6, v39  }
0x144: {  	(v2sf) =	vpush v4, $0x0;
	v4 =	vld [tilespmem:s28+$0x2D70];
	_ =	sdelay $0x4  }
0x145: {  	vm7 =	vle.f32 v4, v3  }
0x146: {  	v5 =	vmpcnt.ones.xlane vm7;
	_ =	sdelay $0x1  }
0x147: {  	(v2sf) =	vpush v5, $0x0;
	_ =	sdelay $0x6  }
0x148: {  	s31 =	spop (v2sf)  }
0x149: {  	s29 =	sadd.s32 s29, s31  }
0x14a: {  	[tilespmem:s29+$0x6B80] =	vst.msk vm7, v4  }
0x14b: {  	[tilespmem:s29+$0x7000] =	vst.msk vm7, v40  }
0x14c: {  	v4 =	vld [tilespmem:s28+$0x2D80];
	_ =	sdelay $0x3  }
0x14d: {  	s31 =	spop (v2sf)  }
0x14e: {  	s29 =	sadd.s32 s29, s31;
	vm8 =	vle.f32 v4, v3  }
0x14f: {  	[tilespmem:s29+$0x6B80] =	vst.msk vm8, v4;
	v4 =	vmpcnt.ones.xlane vm8  }
0x150: {  	[tilespmem:s29+$0x7000] =	vst.msk vm8, v41  }
0x151: {  	(v2sf) =	vpush v4, $0x0;
	v4 =	vld [tilespmem:s28+$0x2D90];
	_ =	sdelay $0x4  }
0x152: {  	vm9 =	vle.f32 v4, v3  }
0x153: {  	v5 =	vmpcnt.ones.xlane vm9;
	_ =	sdelay $0x1  }
0x154: {  	(v2sf) =	vpush v5, $0x0;
	_ =	sdelay $0x6  }
0x155: {  	s31 =	spop (v2sf)  }
0x156: {  	s29 =	sadd.s32 s29, s31  }
0x157: {  	[tilespmem:s29+$0x6B80] =	vst.msk vm9, v4  }
0x158: {  	[tilespmem:s29+$0x7000] =	vst.msk vm9, v42  }
0x159: {  	v4 =	vld [tilespmem:s28+$0x2DA0];
	_ =	sdelay $0x3  }
0x15a: {  	s31 =	spop (v2sf)  }
0x15b: {  	s29 =	sadd.s32 s29, s31;
	vm10 =	vle.f32 v4, v3  }
0x15c: {  	[tilespmem:s29+$0x6B80] =	vst.msk vm10, v4;
	v4 =	vmpcnt.ones.xlane vm10  }
0x15d: {  	[tilespmem:s29+$0x7000] =	vst.msk vm10, v43  }
0x15e: {  	(v2sf) =	vpush v4, $0x0;
	v4 =	vld [tilespmem:s28+$0x2DB0];
	_ =	sdelay $0x4  }
0x15f: {  	vm11 =	vle.f32 v4, v3  }
0x160: {  	v5 =	vmpcnt.ones.xlane vm11;
	_ =	sdelay $0x1  }
0x161: {  	(v2sf) =	vpush v5, $0x0;
	_ =	sdelay $0x6  }
0x162: {  	s31 =	spop (v2sf)  }
0x163: {  	s29 =	sadd.s32 s29, s31  }
0x164: {  	[tilespmem:s29+$0x6B80] =	vst.msk vm11, v4  }
0x165: {  	[tilespmem:s29+$0x7000] =	vst.msk vm11, v44  }
0x166: {  	v4 =	vld [tilespmem:s28+$0x2DC0];
	_ =	sdelay $0x3  }
0x167: {  	s31 =	spop (v2sf)  }
0x168: {  	s29 =	sadd.s32 s29, s31;
	vm12 =	vle.f32 v4, v3  }
0x169: {  	[tilespmem:s29+$0x6B80] =	vst.msk vm12, v4;
	v4 =	vmpcnt.ones.xlane vm12  }
0x16a: {  	[tilespmem:s29+$0x7000] =	vst.msk vm12, v45  }
0x16b: {  	(v2sf) =	vpush v4, $0x0;
	v4 =	vld [tilespmem:s28+$0x2DD0];
	_ =	sdelay $0x4  }
0x16c: {  	vm13 =	vle.f32 v4, v3  }
0x16d: {  	v5 =	vmpcnt.ones.xlane vm13;
	_ =	sdelay $0x1  }
0x16e: {  	(v2sf) =	vpush v5, $0x0;
	_ =	sdelay $0x6  }
0x16f: {  	s31 =	spop (v2sf)  }
0x170: {  	s29 =	sadd.s32 s29, s31  }
0x171: {  	[tilespmem:s29+$0x6B80] =	vst.msk vm13, v4  }
0x172: {  	[tilespmem:s29+$0x7000] =	vst.msk vm13, v46  }
0x173: {  	v4 =	vld [tilespmem:s28+$0x2DE0];
	_ =	sdelay $0x3  }
0x174: {  	s31 =	spop (v2sf)  }
0x175: {  	s29 =	sadd.s32 s29, s31;
	vm14 =	vle.f32 v4, v3  }
0x176: {  	[tilespmem:s29+$0x6B80] =	vst.msk vm14, v4;
	v4 =	vmpcnt.ones.xlane vm14  }
0x177: {  	[tilespmem:s29+$0x7000] =	vst.msk vm14, v47  }
0x178: {  	(v2sf) =	vpush v4, $0x0;
	v4 =	vld [tilespmem:s28+$0x2DF0];
	_ =	sdelay $0x4  }
0x179: {  	vm15 =	vle.f32 v4, v3  }
0x17a: {  	v5 =	vmpcnt.ones.xlane vm15;
	_ =	sdelay $0x1  }
0x17b: {  	(v2sf) =	vpush v5, $0x0;
	_ =	sdelay $0x6  }
0x17c: {  	s31 =	spop (v2sf)  }
0x17d: {  	s29 =	sadd.s32 s29, s31  }
0x17e: {  	[tilespmem:s29+$0x6B80] =	vst.msk vm15, v4  }
0x17f: {  	[tilespmem:s29+$0x7000] =	vst.msk vm15, v48  }
0x180: {  	v4 =	vld [tilespmem:s28+$0x2E00];
	_ =	sdelay $0x3  }
0x181: {  	s31 =	spop (v2sf)  }
0x182: {  	s29 =	sadd.s32 s29, s31;
	vm4 =	vle.f32 v4, v3  }
0x183: {  	[tilespmem:s29+$0x6B80] =	vst.msk vm4, v4;
	v4 =	vmpcnt.ones.xlane vm4  }
0x184: {  	[tilespmem:s29+$0x7000] =	vst.msk vm4, v49  }
0x185: {  	(v2sf) =	vpush v4, $0x0;
	v4 =	vld [tilespmem:s28+$0x2E10];
	_ =	sdelay $0x4  }
0x186: {  	vm5 =	vle.f32 v4, v3  }
0x187: {  	v5 =	vmpcnt.ones.xlane vm5;
	_ =	sdelay $0x1  }
0x188: {  	(v2sf) =	vpush v5, $0x0;
	_ =	sdelay $0x6  }
0x189: {  	s31 =	spop (v2sf)  }
0x18a: {  	s29 =	sadd.s32 s29, s31  }
0x18b: {  	[tilespmem:s29+$0x6B80] =	vst.msk vm5, v4  }
0x18c: {  	[tilespmem:s29+$0x7000] =	vst.msk vm5, v50  }
0x18d: {  	v4 =	vld [tilespmem:s28+$0x2E20];
	_ =	sdelay $0x3  }
0x18e: {  	s31 =	spop (v2sf)  }
0x18f: {  	s29 =	sadd.s32 s29, s31;
	vm6 =	vle.f32 v4, v3  }
0x190: {  	[tilespmem:s29+$0x6B80] =	vst.msk vm6, v4;
	v4 =	vmpcnt.ones.xlane vm6  }
0x191: {  	[tilespmem:s29+$0x7000] =	vst.msk vm6, v51  }
0x192: {  	(v2sf) =	vpush v4, $0x0;
	v4 =	vld [tilespmem:s28+$0x2E30];
	_ =	sdelay $0x4  }
0x193: {  	vm7 =	vle.f32 v4, v3  }
0x194: {  	v5 =	vmpcnt.ones.xlane vm7;
	_ =	sdelay $0x1  }
0x195: {  	(v2sf) =	vpush v5, $0x0;
	_ =	sdelay $0x6  }
0x196: {  	s31 =	spop (v2sf)  }
0x197: {  	s29 =	sadd.s32 s29, s31  }
0x198: {  	[tilespmem:s29+$0x6B80] =	vst.msk vm7, v4  }
0x199: {  	[tilespmem:s29+$0x7000] =	vst.msk vm7, v52  }
0x19a: {  	v4 =	vld [tilespmem:s28+$0x2E40];
	_ =	sdelay $0x3  }
0x19b: {  	s31 =	spop (v2sf)  }
0x19c: {  	s29 =	sadd.s32 s29, s31;
	vm8 =	vle.f32 v4, v3  }
0x19d: {  	[tilespmem:s29+$0x6B80] =	vst.msk vm8, v4;
	v4 =	vmpcnt.ones.xlane vm8  }
0x19e: {  	[tilespmem:s29+$0x7000] =	vst.msk vm8, v53  }
0x19f: {  	(v2sf) =	vpush v4, $0x0;
	v4 =	vld [tilespmem:s28+$0x2E50];
	_ =	sdelay $0x4  }
0x1a0: {  	vm9 =	vle.f32 v4, v3  }
0x1a1: {  	v5 =	vmpcnt.ones.xlane vm9;
	_ =	sdelay $0x1  }
0x1a2: {  	(v2sf) =	vpush v5, $0x0;
	_ =	sdelay $0x6  }
0x1a3: {  	s31 =	spop (v2sf)  }
0x1a4: {  	s29 =	sadd.s32 s29, s31  }
0x1a5: {  	[tilespmem:s29+$0x6B80] =	vst.msk vm9, v4  }
0x1a6: {  	[tilespmem:s29+$0x7000] =	vst.msk vm9, v54  }
0x1a7: {  	v4 =	vld [tilespmem:s28+$0x2E60];
	_ =	sdelay $0x3  }
0x1a8: {  	s31 =	spop (v2sf)  }
0x1a9: {  	s29 =	sadd.s32 s29, s31;
	vm10 =	vle.f32 v4, v3  }
0x1aa: {  	[tilespmem:s29+$0x6B80] =	vst.msk vm10, v4;
	v4 =	vmpcnt.ones.xlane vm10  }
0x1ab: {  	[tilespmem:s29+$0x7000] =	vst.msk vm10, v55  }
0x1ac: {  	(v2sf) =	vpush v4, $0x0;
	v4 =	vld [tilespmem:s28+$0x2E70];
	_ =	sdelay $0x4  }
0x1ad: {  	vm11 =	vle.f32 v4, v3  }
0x1ae: {  	v5 =	vmpcnt.ones.xlane vm11;
	_ =	sdelay $0x1  }
0x1af: {  	(v2sf) =	vpush v5, $0x0;
	_ =	sdelay $0x6  }
0x1b0: {  	s31 =	spop (v2sf)  }
0x1b1: {  	s29 =	sadd.s32 s29, s31  }
0x1b2: {  	[tilespmem:s29+$0x6B80] =	vst.msk vm11, v4  }
0x1b3: {  	[tilespmem:s29+$0x7000] =	vst.msk vm11, v56  }
0x1b4: {  	v4 =	vld [tilespmem:s28+$0x2E80];
	_ =	sdelay $0x3  }
0x1b5: {  	s31 =	spop (v2sf)  }
0x1b6: {  	s29 =	sadd.s32 s29, s31;
	vm12 =	vle.f32 v4, v3  }
0x1b7: {  	[tilespmem:s29+$0x6B80] =	vst.msk vm12, v4;
	v4 =	vmpcnt.ones.xlane vm12  }
0x1b8: {  	[tilespmem:s29+$0x7000] =	vst.msk vm12, v57  }
0x1b9: {  	(v2sf) =	vpush v4, $0x0;
	v4 =	vld [tilespmem:s28+$0x2E90];
	_ =	sdelay $0x4  }
0x1ba: {  	vm13 =	vle.f32 v4, v3  }
0x1bb: {  	v5 =	vmpcnt.ones.xlane vm13;
	_ =	sdelay $0x1  }
0x1bc: {  	(v2sf) =	vpush v5, $0x0;
	_ =	sdelay $0x6  }
0x1bd: {  	s31 =	spop (v2sf)  }
0x1be: {  	s29 =	sadd.s32 s29, s31  }
0x1bf: {  	[tilespmem:s29+$0x6B80] =	vst.msk vm13, v4  }
0x1c0: {  	[tilespmem:s29+$0x7000] =	vst.msk vm13, v58  }
0x1c1: {  	v4 =	vld [tilespmem:s28+$0x2EA0];
	_ =	sdelay $0x3  }
0x1c2: {  	s31 =	spop (v2sf)  }
0x1c3: {  	s29 =	sadd.s32 s29, s31;
	vm14 =	vle.f32 v4, v3  }
0x1c4: {  	[tilespmem:s29+$0x6B80] =	vst.msk vm14, v4;
	v4 =	vmpcnt.ones.xlane vm14  }
0x1c5: {  	[tilespmem:s29+$0x7000] =	vst.msk vm14, v59  }
0x1c6: {  	(v2sf) =	vpush v4, $0x0;
	v4 =	vld [tilespmem:s28+$0x2EB0];
	_ =	sdelay $0x4  }
0x1c7: {  	vm15 =	vle.f32 v4, v3  }
0x1c8: {  	v5 =	vmpcnt.ones.xlane vm15;
	_ =	sdelay $0x1  }
0x1c9: {  	(v2sf) =	vpush v5, $0x0;
	_ =	sdelay $0x6  }
0x1ca: {  	s31 =	spop (v2sf)  }
0x1cb: {  	s29 =	sadd.s32 s29, s31  }
0x1cc: {  	[tilespmem:s29+$0x6B80] =	vst.msk vm15, v4  }
0x1cd: {  	[tilespmem:s29+$0x7000] =	vst.msk vm15, v60  }
0x1ce: {  	v4 =	vld [tilespmem:s28+$0x2EC0];
	_ =	sdelay $0x3  }
0x1cf: {  	s31 =	spop (v2sf)  }
0x1d0: {  	s29 =	sadd.s32 s29, s31;
	vm4 =	vle.f32 v4, v3  }
0x1d1: {  	[tilespmem:s29+$0x6B80] =	vst.msk vm4, v4;
	v4 =	vmpcnt.ones.xlane vm4  }
0x1d2: {  	[tilespmem:s29+$0x7000] =	vst.msk vm4, v61  }
0x1d3: {  	(v2sf) =	vpush v4, $0x0;
	v4 =	vld [tilespmem:s28+$0x2ED0];
	_ =	sdelay $0x4  }
0x1d4: {  	vm5 =	vle.f32 v4, v3  }
0x1d5: {  	v5 =	vmpcnt.ones.xlane vm5;
	_ =	sdelay $0x1  }
0x1d6: {  	(v2sf) =	vpush v5, $0x0;
	_ =	sdelay $0x6  }
0x1d7: {  	s31 =	spop (v2sf)  }
0x1d8: {  	s29 =	sadd.s32 s29, s31  }
0x1d9: {  	[tilespmem:s29+$0x6B80] =	vst.msk vm5, v4  }
0x1da: {  	[tilespmem:s29+$0x7000] =	vst.msk vm5, v62  }
0x1db: {  	v4 =	vld [tilespmem:s28+$0x2EE0];
	_ =	sdelay $0x3  }
0x1dc: {  	s31 =	spop (v2sf)  }
0x1dd: {  	s29 =	sadd.s32 s29, s31;
	vm6 =	vle.f32 v4, v3  }
0x1de: {  	[tilespmem:s29+$0x6B80] =	vst.msk vm6, v4;
	v4 =	vmpcnt.ones.xlane vm6  }
0x1df: {  	[tilespmem:s29+$0x7000] =	vst.msk vm6, v63  }
0x1e0: {  	(v2sf) =	vpush v4, $0x0;
	v4 =	vld [tilespmem:s28+$0x2EF0];
	_ =	sdelay $0x4  }
0x1e1: {  	vm7 =	vle.f32 v4, v3  }
0x1e2: {  	v5 =	vmpcnt.ones.xlane vm7;
	_ =	sdelay $0x1  }
0x1e3: {  	(v2sf) =	vpush v5, $0x0;
	_ =	sdelay $0x6  }
0x1e4: {  	s31 =	spop (v2sf)  }
0x1e5: {  	s29 =	sadd.s32 s29, s31  }
0x1e6: {  	[tilespmem:s29+$0x6B80] =	vst.msk vm7, v4  }
0x1e7: {  	[tilespmem:s29+$0x7000] =	vst.msk vm7, v6  }
0x1e8: {  	v4 =	vld [tilespmem:s28+$0x2F00];
	_ =	sdelay $0x3  }
0x1e9: {  	s31 =	spop (v2sf)  }
0x1ea: {  	s29 =	sadd.s32 s29, s31;
	vm8 =	vle.f32 v4, v3  }
0x1eb: {  	[tilespmem:s29+$0x6B80] =	vst.msk vm8, v4;
	v4 =	vmpcnt.ones.xlane vm8  }
0x1ec: {  	[tilespmem:s29+$0x7000] =	vst.msk vm8, v7  }
0x1ed: {  	(v2sf) =	vpush v4, $0x0;
	v4 =	vld [tilespmem:s28+$0x2F10];
	_ =	sdelay $0x4  }
0x1ee: {  	vm9 =	vle.f32 v4, v3  }
0x1ef: {  	v5 =	vmpcnt.ones.xlane vm9;
	_ =	sdelay $0x1  }
0x1f0: {  	(v2sf) =	vpush v5, $0x0;
	_ =	sdelay $0x6  }
0x1f1: {  	s31 =	spop (v2sf)  }
0x1f2: {  	s29 =	sadd.s32 s29, s31  }
0x1f3: {  	[tilespmem:s29+$0x6B80] =	vst.msk vm9, v4  }
0x1f4: {  	[tilespmem:s29+$0x7000] =	vst.msk vm9, v8  }
0x1f5: {  	v4 =	vld [tilespmem:s28+$0x2F20];
	_ =	sdelay $0x3  }
0x1f6: {  	s31 =	spop (v2sf)  }
0x1f7: {  	s29 =	sadd.s32 s29, s31;
	vm10 =	vle.f32 v4, v3  }
0x1f8: {  	[tilespmem:s29+$0x6B80] =	vst.msk vm10, v4;
	v4 =	vmpcnt.ones.xlane vm10;
	_ =	sdelay $0x1  }
0x1f9: {  	(v2sf) =	vpush v4, $0x0;
	_ =	sdelay $0x2  }
0x1fa: {  	[tilespmem:s29+$0x7000] =	vst.msk vm10, v9  }
0x1fb: {  	v4 =	vld [tilespmem:s28+$0x2F30];
	_ =	sdelay $0x4  }
0x1fc: {  	vm11 =	vle.f32 v4, v3  }
0x1fd: {  	v5 =	vmpcnt.ones.xlane vm11;
	_ =	sdelay $0x1  }
0x1fe: {  	(v2sf) =	vpush v5, $0x0;
	_ =	sdelay $0x2  }
0x1ff: {  	s31 =	spop (v2sf)  }
0x200: {  	s29 =	sadd.s32 s29, s31  }
0x201: {  	[tilespmem:s29+$0x6B80] =	vst.msk vm11, v4;
	v4 =	vld [tilespmem:$0x1FF80];
	_ =	sdelay $0x4  }
0x202: {  	[tilespmem:s29+$0x7000] =	vst.msk vm11, v4  }
0x203: {  	v4 =	vld [tilespmem:s28+$0x2F40];
	_ =	sdelay $0x3  }
0x204: {  	s31 =	spop (v2sf)  }
0x205: {  	s29 =	sadd.s32 s29, s31;
	vm12 =	vle.f32 v4, v3  }
0x206: {  	v5 =	vld [tilespmem:$0x1FF90];
	[tilespmem:s29+$0x6B80] =	vst.msk vm12, v4;
	v4 =	vmpcnt.ones.xlane vm12;
	_ =	sdelay $0x1  }
0x207: {  	(v2sf) =	vpush v4, $0x0;
	_ =	sdelay $0x2  }
0x208: {  	[tilespmem:s29+$0x7000] =	vst.msk vm12, v5  }
0x209: {  	v4 =	vld [tilespmem:s28+$0x2F50];
	_ =	sdelay $0x4  }
0x20a: {  	vm13 =	vle.f32 v4, v3  }
0x20b: {  	v5 =	vmpcnt.ones.xlane vm13;
	_ =	sdelay $0x1  }
0x20c: {  	(v2sf) =	vpush v5, $0x0;
	_ =	sdelay $0x2  }
0x20d: {  	s31 =	spop (v2sf)  }
0x20e: {  	s29 =	sadd.s32 s29, s31  }
0x20f: {  	[tilespmem:s29+$0x6B80] =	vst.msk vm13, v4;
	v4 =	vld [tilespmem:$0x1FFA0];
	_ =	sdelay $0x4  }
0x210: {  	[tilespmem:s29+$0x7000] =	vst.msk vm13, v4  }
0x211: {  	v4 =	vld [tilespmem:s28+$0x2F60];
	_ =	sdelay $0x3  }
0x212: {  	s31 =	spop (v2sf)  }
0x213: {  	s29 =	sadd.s32 s29, s31;
	vm14 =	vle.f32 v4, v3  }
0x214: {  	[tilespmem:s29+$0x6B80] =	vst.msk vm14, v4;
	v4 =	vld [tilespmem:$0x1FFB0];
	_ =	sdelay $0x4  }
0x215: {  	[tilespmem:s29+$0x7000] =	vst.msk vm14, v4  }
0x216: {  	v4 =	vld [tilespmem:s28+$0x2F70];
	_ =	sdelay $0x3  }
0x217: {  	v5 =	vmpcnt.ones.xlane vm14  }
0x218: {  	vm15 =	vle.f32 v4, v3  }
0x219: {  	(v2sf) =	vpush v5, $0x0;
	v3 =	vmpcnt.ones.xlane vm15;
	_ =	sdelay $0x1  }
0x21a: {  	(v2sf) =	vpush v3, $0x0;
	_ =	sdelay $0xc  }
0x21b: {  	s28 =	spop (v2sf)  }
0x21c: {  	s28 =	sadd.s32 s29, s28  }
0x21d: {  	v3 =	vor.u32 $0x3F0, v0;
	[tilespmem:s28+$0x6B80] =	vst.msk vm15, v4;
	s30 =	spop (v2sf)  }
0x21e: {  	[tilespmem:s28+$0x7000] =	vst.msk vm15, v3;
	v3 =	vimm.f32 $+Inf;
	s28 =	sadd.s32 s28, s30  }
0x21f: {  	[tilespmem:s28+$0x6B80] =	vst v3;
	v3 =	vimm.s32 $0x2000  }
0x220: {  	[tilespmem:s28+$0x7000] =	vst v3  }
0x221: {  	v3 =	vld [tilespmem:$0x6B80]  }
0x222: {  	v4 =	vld [tilespmem:$0x7000];
	_ =	sdelay $0x4  }
0x223: {  	(xrf1) =	vsort.ascd.msk.f32 $0xffff, v3, v4;
	_ =	sdelay $0x1  }
0x224: {  	s28 =	sadd.s32 $0xF, s28  }
0x225: {  	s29 =	sand.u32 $0xF, s28  }
0x226: {  	s31 =	sshra.s32 s28, $0x1F;
	p0 =	slt.s32 s28, $0x1;
	p1 =	sne.s32 s29, $0x0  }
0x227: {  	s31 =	sshrl.u32 s31, $0x1C;
	p0 =	por !p0, !p1  }
0x228: {  	s29 =	simm.s32 $0x1;
	s28 =	sadd.s32 s31, s28;
	p0 =	por !p0, !p0  }
0x229: {  	s28 =	sshra.s32 s28, $0x4;
	s29 =	simm.s32 @!p0 $0x0  }
0x22a: {  	s29 =	ssub.s32 s28, s29  }
0x22b: {  	p1 =	slt.s32 s29, $0x2  }
.Ltmp7:
0x22c: {  	_ = 	snop;
	(pc) =	sbr.rel @p1 .LBB2_13-.Ltmp7, $2  }
0x22d: {  	_ =	sdelay $0x2  }
0x22e: {  	v3, v4, _ =	vpop (xrf1)  }
0x22f: {  	s29 =	simm.s32 $0xFFFFFFFF  }
0x230: {  	s29 =	simm.s32 @!p0 $0x0  }
0x231: {  	s28 =	sadd.s32 s29, s28  }
0x232: {  	s28 =	sadd.s32 $0xFFFFFFFF, s28  }
0x233: {  	p1 =	sne.s32 s28, $0x1  }
.Ltmp8:
0x234: {  	_ = 	snop;
	(pc) =	sbr.rel @!p1 .LBB2_7-.Ltmp8, $4  }
0x235: {  	_ = 	snop  }
0x236: {  	s31 =	simm.s32 $0x6B90  }
0x237: {  	s30 =	simm.s32 $0x7010;
	v7 =	vld [tilespmem:s31+$0x0]  }
0x238: {  	v5 =	vmul.u32 $0xFFFFFFFF, v0;
	v8 =	vld [tilespmem:s30+$0x0];
	p0 =	por $0x0, $0x0;
	s30 =	sadd.s32 $0xFFFFFFFF, s28  }
0x239: {  	_ =	sdelay $0x3  }
0x23a: {  	(xrf1) =	vsort.ascd.msk.f32 $0xffff, v7, v8;
	_ =	sdelay $0xd  }
0x23b: {  	v6 =	vadd.s32 $0xF, v5;
	v7, v8, _ =	vpop (xrf1)  }
0x23c: {  	v7 =	vperm.xlane v7, v6;
	v8 =	vperm.xlane v8, v6;
	_ =	sdelay $0x1  }
0x23d: {  	vm0 =	veq.f32 v3, v7;
	vm1 =	vlt.s32 v4, v8  }
0x23e: {  	vm2 =	vlt.f32 v3, v7;
	vm0 =	vmand vm0, vm1  }
0x23f: {  	vm0 =	vmor vm2, vm0  }
0x240: {  	v8 =	vsel vm0, v4, v8  }
0x241: {  	v9 =	vsel vm0, v3, v7;
	v8 =	vxor.u32 $0x80000000, v8  }
0x242: {  	v0 =	vmovc v63;
	v63 =	vmov v62;
	v62 =	vmov v61;
	(xrf1) =	vsort.ascd.msk.u32 $0xffff, v8, v9  }
0x243: {  	v61 =	vmovc v60;
	v60 =	vmovc v59;
	v59 =	vmov v58;
	v58 =	vmov v57;
	v57 =	vmov v56  }
0x244: {  	v56 =	vmovc v55;
	v55 =	vmovc v54;
	v54 =	vmov v53;
	v53 =	vmov v52;
	v52 =	vmov v51  }
0x245: {  	v51 =	vmovc v50;
	v50 =	vmovc v49;
	v49 =	vmov v48;
	v48 =	vmov v47;
	v47 =	vmov v46  }
0x246: {  	v46 =	vmovc v45;
	v45 =	vmovc v44;
	v44 =	vmov v43;
	v43 =	vmov v42;
	v42 =	vmov v41  }
0x247: {  	v41 =	vmovc v40;
	v40 =	vmovc v39;
	v39 =	vmov v38;
	v38 =	vmov v37;
	v37 =	vmov v36;
	p1 =	sne.s32 s30, $0x1  }
.Ltmp9:
0x248: {  	v36 =	vmovc v35;
	v35 =	vmovc v34;
	v34 =	vmov v33;
	v33 =	vmov v32;
	v32 =	vmov v31;
	(pc) =	sbr.rel @!p1 .LBB2_9-.Ltmp9, $4  }
0x249: {  	v31 =	vmovc v30;
	v30 =	vmovc v29;
	v29 =	vmov v28;
	v28 =	vmov v27;
	v27 =	vmov v26  }
0x24a: {  	v26 =	vmovc v25;
	v25 =	vmovc v24;
	v24 =	vmov v23;
	v23 =	vmov v22;
	v22 =	vmov v21;
	s28 =	simm.s32 $0x6BA0  }
0x24b: {  	v21 =	vmovc v20;
	v20 =	vmovc v19;
	v19 =	vmov v18;
	v18 =	vmov v17;
	v17 =	vmov v16;
	s29 =	simm.s32 $0x7020;
	v7 =	vld [tilespmem:s28+$0x0]  }
0x24c: {  	v16 =	vmovc v15;
	v15 =	vmovc v13;
	v13 =	vmov v12;
	v12 =	vmov v11;
	v11 =	vmov v10;
	s30 =	sadd.s32 $0xFFFFFFFF, s30;
	p0 =	por $0x1, $0x1;
	v8 =	vld [tilespmem:s29+$0x0]  }
.LBB2_10:
0x24d: {  	p1 =	sne.s32 s30, $0x1;
	_ =	sdelay $0x3  }
0x24e: {  	(xrf1) =	vsort.ascd.msk.f32 $0xffff, v7, v8;
	v7, v8, _ =	vpop (xrf1)  }
0x24f: {  	v7 =	vxor.u32 $0x80000000, v7  }
0x250: {  	(xrf1) =	vsort.ascd.msk.f32 $0xffff, v8, v7;
	_ =	sdelay $0xb  }
0x251: {  	v7, v8, _ =	vpop (xrf1)  }
0x252: {  	v7 =	vperm.xlane v7, v6;
	v8 =	vperm.xlane v8, v6  }
0x253: {  	v10, v9, _ =	vpop (xrf1)  }
0x254: {  	vm0 =	veq.f32 v10, v7;
	vm1 =	vlt.s32 v9, v8  }
0x255: {  	vm2 =	vlt.f32 v10, v7;
	vm0 =	vmand vm0, vm1  }
0x256: {  	vm0 =	vmor vm2, vm0  }
0x257: {  	v8 =	vsel vm0, v9, v8  }
0x258: {  	v7 =	vsel vm0, v10, v7;
	v8 =	vxor.u32 $0x80000000, v8  }
0x259: {  	(xrf1) =	vsort.ascd.msk.u32 $0xffff, v8, v7;
	_ =	sdelay $0x4  }
.Ltmp10:
0x25a: {  	(pc) =	sbr.rel @p1 .LBB2_10-.Ltmp10, $4  }
0x25b: {  	_ = 	snop  }
0x25c: {  	s28 =	sadd.s32 $0x10, s28  }
0x25d: {  	s29 =	sadd.s32 $0x10, s29;
	v7 =	vld [tilespmem:s28+$0x0]  }
0x25e: {  	s30 =	sadd.s32 $0xFFFFFFFF, s30;
	v8 =	vld [tilespmem:s29+$0x0]  }
0x25f: {  	v10 =	vmovc v11;
	v11 =	vmov v12;
	v12 =	vmov v13;
	v13 =	vmov v15  }
0x260: {  	v15 =	vmovc v16;
	v16 =	vmovc v17;
	v17 =	vmov v18;
	v18 =	vmov v19;
	v19 =	vmov v20  }
0x261: {  	v20 =	vmovc v21;
	v21 =	vmovc v22;
	v22 =	vmov v23;
	v23 =	vmov v24;
	v24 =	vmov v25  }
0x262: {  	v25 =	vmovc v26;
	v26 =	vmovc v27;
	v27 =	vmov v28;
	v28 =	vmov v29;
	v29 =	vmov v30  }
0x263: {  	v30 =	vmovc v31;
	v31 =	vmovc v32;
	v32 =	vmov v33;
	v33 =	vmov v34;
	v34 =	vmov v35  }
0x264: {  	v35 =	vmovc v36;
	v36 =	vmovc v37;
	v37 =	vmov v38;
	v38 =	vmov v39;
	v39 =	vmov v40  }
.Ltmp11:
0x265: {  	v40 =	vmovc v41;
	v41 =	vmovc v42;
	v42 =	vmov v43;
	v43 =	vmov v44;
	v44 =	vmov v45;
	(pc) =	sbr.rel .LBB2_12-.Ltmp11, $4  }
0x266: {  	v45 =	vmovc v46;
	v46 =	vmovc v47;
	v47 =	vmov v48;
	v48 =	vmov v49;
	v49 =	vmov v50  }
0x267: {  	v50 =	vmovc v51;
	v51 =	vmovc v52;
	v52 =	vmov v53;
	v53 =	vmov v54;
	v54 =	vmov v55  }
0x268: {  	v55 =	vmovc v56;
	v56 =	vmovc v57;
	v57 =	vmov v58;
	v58 =	vmov v59;
	v59 =	vmov v60  }
0x269: {  	v60 =	vmovc v61;
	v61 =	vmovc v62;
	v62 =	vmov v63;
	v63 =	vmov v0;
	v0 =	vlaneseq.u32  }
.LBB2_9:
0x26a: {  	v10 =	vmovc v11;
	v11 =	vmov v12;
	v12 =	vmov v13;
	v13 =	vmov v15  }
0x26b: {  	v15 =	vmovc v16;
	v16 =	vmovc v17;
	v17 =	vmov v18;
	v18 =	vmov v19;
	v19 =	vmov v20  }
0x26c: {  	v20 =	vmovc v21;
	v21 =	vmovc v22;
	v22 =	vmov v23;
	v23 =	vmov v24;
	v24 =	vmov v25  }
0x26d: {  	v25 =	vmovc v26;
	v26 =	vmovc v27;
	v27 =	vmov v28;
	v28 =	vmov v29;
	v29 =	vmov v30  }
0x26e: {  	v30 =	vmovc v31;
	v31 =	vmovc v32;
	v32 =	vmov v33;
	v33 =	vmov v34;
	v34 =	vmov v35  }
0x26f: {  	v35 =	vmovc v36;
	v36 =	vmovc v37;
	v37 =	vmov v38;
	v38 =	vmov v39;
	v39 =	vmov v40  }
.Ltmp12:
0x270: {  	v40 =	vmovc v41;
	v41 =	vmovc v42;
	v42 =	vmov v43;
	v43 =	vmov v44;
	v44 =	vmov v45;
	(pc) =	sbr.rel .LBB2_12-.Ltmp12, $4  }
0x271: {  	v45 =	vmovc v46;
	v46 =	vmovc v47;
	v47 =	vmov v48;
	v48 =	vmov v49;
	v49 =	vmov v50  }
0x272: {  	v50 =	vmovc v51;
	v51 =	vmovc v52;
	v52 =	vmov v53;
	v53 =	vmov v54;
	v54 =	vmov v55  }
0x273: {  	v55 =	vmovc v56;
	v56 =	vmovc v57;
	v57 =	vmov v58;
	v58 =	vmov v59;
	v59 =	vmov v60  }
0x274: {  	v60 =	vmovc v61;
	v61 =	vmovc v62;
	v62 =	vmov v63;
	v63 =	vmov v0;
	v0 =	vlaneseq.u32  }
.LBB2_16:
0x275: {  	_ =	sfence.sel $0x180000  }
0x276: {  	[bflag:$0x0] =	sbarrier.arrive $0xFFFF  }
0x277: {  	p0 =	sne.s32 s1, $0x0;
	_ =	strace $0x90000047  }
0x278: {  	s0 =	sadd.s32 @!p0 $0x100000, s0;
	[bflag:$0x2] =	sbarrier.arrive $0xFFFF  }
0x279: {  	[sflag:s0] =	ssyncadd.tile.s32 @!p0 $0x1;
	_ =	shalt  }
.Lfunc_end2:
_tile_overlayer_lowered:
.L_overlay_start_2:
0x27a: {  	(tag) =	ssettag $0x2  }
0x27b: {  	s0 =	rddreg [dreg:$0x0];
	s2 =	stileid.u32  }
0x27c: {  	s1 =	rddreg [dreg:$0x1];
	p0 =	sne.s32 s2, $0x0  }
0x27d: {  	s3 =	rddreg [dreg:$0x2];
	[bflag:$0x3] =	sbarrier.arrive $0xFFFF;
	s2 =	simm.s32 @!p0 $0x1C02  }
0x27e: {  	[timem:s3], [sflag:s2] =	dma.local @!p0 [hbm:s0], s1  }
0x27f: {  	s0 =	simm.s32 @!p0 $0x2  }
0x280: {  	_ =	swait.ge @!p0 [sflag:s0], s1  }
0x281: {  	s1 =	ssub.s32 @!p0 $0x0, s1;
	[sflag:s0] =	ssyncset.done @!p0 $0x0  }
0x282: {  	[sflag:s0] =	ssyncadd.s32 @!p0 s1  }
0x283: {  	[bflag:$0x3] =	sbarrier.arrive $0xFFFF  }
0x284: {  	_ =	shalt  }

</sc_bundles>
